<compile_context>
chip_gen: v7x
topology: tpu7x:2x2x1
jax: 0.10.2.dev20260603
libtpu: 0.0.44.dev20260713+nightly
codegen_flags: <defaults>
</compile_context>

<pallas_src>
import functools

import jax
import jax.numpy as jnp
from jax import lax
from jax.experimental import pallas as pl
from jax.experimental.pallas import tpu as pltpu
from jax.experimental.pallas import tpu_sc as plsc

_NC = 2
_NS = 16
_NW = _NC * _NS

_EB = 16000



def _store_slots(ref, val, h):
    grp = val.shape[0] // 8
    for g in range(8):
        ref[:, g * h:(g + 1) * h] = val[g * grp:(g + 1) * grp, :]


def _load_slots(val_w, h):
    return jnp.concatenate(
        [val_w[:, g * h:(g + 1) * h] for g in range(8)], axis=0)


def _in_proj_body(x_ref, w_ref, b_ref, r_ref, bc_ref, wm_ref, bm_ref,
                  o_ref, hr_ref, hm_ref):
    h = w_ref.shape[1]
    hv = (
        jnp.dot(x_ref[...], w_ref[...], preferred_element_type=jnp.float32)
        + b_ref[...]
    )
    _store_slots(o_ref, hv, h)
    hr = (
        jnp.dot(hv, r_ref[...], preferred_element_type=jnp.float32)
        + bc_ref[...]
    )
    _store_slots(hr_ref, hr, h)
    hm = jnp.maximum(
        jnp.dot(hv, wm_ref[...], preferred_element_type=jnp.float32)
        + bm_ref[...], 0.0)
    _store_slots(hm_ref, hm, h)


def _edge_msg_body(et_ref, hs_ref, wf_ref, bf_ref, o_ref):
    h = et_ref.shape[0]
    hh = h * h
    ev = et_ref[...].T
    hs = _load_slots(hs_ref[...], h)
    kern = (
        jnp.dot(ev, wf_ref[...], preferred_element_type=jnp.float32)
        + bf_ref[...]
    )
    rf = lax.broadcasted_iota(jnp.int32, (h, hh), 0)
    rj = lax.broadcasted_iota(jnp.int32, (h, hh), 1) // h
    rmat = jnp.where(rf == rj, 1.0, 0.0).astype(jnp.float32)
    hrep = jnp.dot(hs, rmat, preferred_element_type=jnp.float32)
    sj = lax.broadcasted_iota(jnp.int32, (hh, h), 0) % h
    so = lax.broadcasted_iota(jnp.int32, (hh, h), 1)
    smat = jnp.where(sj == so, 1.0, 0.0).astype(jnp.float32)
    msg = jnp.dot(kern * hrep, smat, preferred_element_type=jnp.float32)
    _store_slots(o_ref, msg, h)


def _update_out_body(h_ref, p_ref, r_ref, bc_ref, wm_ref, bm_ref,
                     wo_ref, bo_ref, o_ref):
    h = r_ref.shape[0]
    half = p_ref.shape[0] // 2
    hv = _load_slots(h_ref[...], h)
    pv = p_ref[...]
    agg = _load_slots(pv[:half] + pv[half:], h)
    hg = jnp.maximum(
        agg + jnp.dot(hv, r_ref[...], preferred_element_type=jnp.float32)
        + bc_ref[...], 0.0)
    hm = jnp.maximum(
        jnp.dot(hv, wm_ref[...], preferred_element_type=jnp.float32)
        + bm_ref[...], 0.0)
    hn = hg + hm + hv
    o_ref[...] = (
        jnp.dot(hn, wo_ref[...], preferred_element_type=jnp.float32)
        + bo_ref[...]
    )


def _full(shape):
    return pl.BlockSpec(shape, lambda i: tuple(0 for _ in shape))


def _in_proj(x, w, b, r, bc, wm, bm):
    n, d = x.shape
    h = w.shape[1]
    wn = n * h // 128
    wspec = _full((wn, 128))
    return pl.pallas_call(
        _in_proj_body,
        grid=(1,),
        in_specs=[
            _full((n, d)),
            _full((d, h)),
            _full((1, h)),
            _full((h, h)),
            _full((1, h)),
            _full((h, h)),
            _full((1, h)),
        ],
        out_specs=[wspec, wspec, wspec],
        out_shape=[jax.ShapeDtypeStruct((wn, 128), jnp.float32)] * 3,
    )(x, w, b.reshape(1, h), r, bc.reshape(1, h), wm, bm.reshape(1, h))


def _edge_msg(et, h_src_w, wf, bf):
    d_edge, ecount = et.shape
    h = d_edge
    hh = h * h
    wb = _EB * h // 128
    return pl.pallas_call(
        _edge_msg_body,
        grid=(ecount // _EB,),
        in_specs=[
            pl.BlockSpec((d_edge, _EB), lambda i: (0, i)),
            pl.BlockSpec((wb, 128), lambda i: (i, 0)),
            _full((d_edge, hh)),
            _full((1, hh)),
        ],
        out_specs=pl.BlockSpec((wb, 128), lambda i: (i, 0)),
        out_shape=jax.ShapeDtypeStruct((ecount * h // 128, 128), jnp.float32),
    )(et, h_src_w, wf, bf.reshape(1, hh))


def _update_out(h_w, parts_w, r, bc, wm, bm, wo, bo):
    h = r.shape[0]
    n = h_w.shape[0] * 128 // h
    o = wo.shape[1]
    return pl.pallas_call(
        _update_out_body,
        grid=(1,),
        in_specs=[
            _full(h_w.shape),
            _full(parts_w.shape),
            _full((h, h)),
            _full((1, h)),
            _full((h, h)),
            _full((1, h)),
            _full((h, o)),
            _full((1, o)),
        ],
        out_specs=_full((n, o)),
        out_shape=jax.ShapeDtypeStruct((n, o), jnp.float32),
    )(h_w, parts_w, r, bc.reshape(1, h), wm, bm.reshape(1, h),
      wo, bo.reshape(1, o))



@functools.cache
def _make_gather(n, ecount, h):
    epw = ecount // _NW
    mesh = plsc.VectorSubcoreMesh(core_axis_name="c", subcore_axis_name="s")

    @functools.partial(
        pl.kernel,
        out_type=jax.ShapeDtypeStruct((ecount, h), jnp.float32),
        mesh=mesh,
        compiler_params=pltpu.CompilerParams(use_tc_tiling_on_sc=False),
        scratch_types=[
            pltpu.VMEM((epw,), jnp.int32),
            pltpu.VMEM((epw, h), jnp.float32),
            pltpu.SemaphoreType.DMA,
        ],
    )
    def gather(h_hbm, idx_hbm, out_hbm, idx_v, rows_v, sem):
        wid = lax.axis_index("s") * _NC + lax.axis_index("c")
        base = wid * epw
        pltpu.sync_copy(idx_hbm.at[pl.ds(base, epw)], idx_v)
        pltpu.async_copy(h_hbm.at[idx_v], rows_v, sem).wait()
        pltpu.sync_copy(rows_v, out_hbm.at[pl.ds(base, epw)])

    return gather


@functools.cache
def _make_scatter(n, ecount, h):
    epw = ecount // _NW
    npt = n // _NS
    mesh = plsc.VectorSubcoreMesh(core_axis_name="c", subcore_axis_name="s")

    @functools.partial(
        pl.kernel,
        out_type=jax.ShapeDtypeStruct((_NC * n, h), jnp.float32),
        mesh=mesh,
        compiler_params=pltpu.CompilerParams(use_tc_tiling_on_sc=False),
        scratch_types=[
            pltpu.VMEM((epw,), jnp.int32),
            pltpu.VMEM((epw, h), jnp.float32),
            pltpu.VMEM((npt, h), jnp.float32),
            pltpu.VMEM_SHARED((n, h), jnp.float32),
            pltpu.SemaphoreType.DMA,
            pltpu.SemaphoreType.DMA,
        ],
    )
    def scatter(msg_hbm, dst_hbm, out_hbm, idx_v, rows_v, obuf, agg_sh,
                sem_i, sem_r):
        cid = lax.axis_index("c")
        sid = lax.axis_index("s")
        wid = cid * _NS + sid
        base = wid * epw

        cp_i = pltpu.async_copy(dst_hbm.at[pl.ds(base, epw)], idx_v, sem_i)
        cp_r = pltpu.async_copy(msg_hbm.at[pl.ds(base, epw)], rows_v, sem_r)

        def zero_row(i, _):
            obuf[i, :] = jnp.zeros((h,), jnp.float32)
            return 0
        lax.fori_loop(0, npt, zero_row, 0)
        pltpu.sync_copy(obuf, agg_sh.at[pl.ds(sid * npt, npt)])
        cp_i.wait()
        cp_r.wait()
        plsc.subcore_barrier()

        pltpu.sync_copy(rows_v, agg_sh.at[idx_v], add=True)
        plsc.subcore_barrier()

        pltpu.sync_copy(agg_sh.at[pl.ds(sid * npt, npt)], obuf)
        pltpu.sync_copy(obuf, out_hbm.at[pl.ds(cid * n + sid * npt, npt)])

    return scatter


@functools.cache
def _make_scatter_update_gather(n, ecount, h):
    ept = ecount // _NS
    q = ept // 5
    epw = ecount // _NW
    ga = q
    gb = epw - q
    npt = n // _NS
    mesh = plsc.VectorSubcoreMesh(core_axis_name="c", subcore_axis_name="s")

    @functools.partial(
        pl.kernel,
        out_type=(
            jax.ShapeDtypeStruct((n, h), jnp.float32),
            jax.ShapeDtypeStruct((ecount, h), jnp.float32),
        ),
        mesh=mesh,
        compiler_params=pltpu.CompilerParams(use_tc_tiling_on_sc=False),
        scratch_types=[
            pltpu.VMEM((5, q), jnp.int32),
            pltpu.VMEM((ga,), jnp.int32),
            pltpu.VMEM((gb,), jnp.int32),
            pltpu.VMEM((q, h), jnp.float32),
            pltpu.VMEM((gb, h), jnp.float32),
            pltpu.VMEM((npt, h), jnp.float32),
            pltpu.VMEM_SHARED((n, h), jnp.float32),
            pltpu.VMEM_SHARED((n, h), jnp.float32),
            pltpu.SemaphoreType.DMA,
            pltpu.SemaphoreType.DMA,
            pltpu.SemaphoreType.DMA,
            pltpu.SemaphoreType.DMA,
        ],
    )
    def fused(msg_hbm, dst_hbm, src_hbm, h_hbm, hr_hbm, hm_hbm,
              hnew_hbm, hsrc_hbm,
              idx_v, sidx_a, sidx_b, rows_a, rows_b, zbuf,
              agg_sh, h2_sh, sem_i, sem_a, sem_b, sem_g):
        cid = lax.axis_index("c")
        sid = lax.axis_index("s")
        ebase = sid * ept
        nbase = sid * npt
        gbase = (sid * _NC + cid) * epw

        cpi = [pltpu.async_copy(dst_hbm.at[pl.ds(ebase + k * q, q)],
                                idx_v.at[k], sem_i)
               for k in range(5)]
        cps_a = pltpu.async_copy(src_hbm.at[pl.ds(gbase, ga)], sidx_a, sem_g)
        cps_b = pltpu.async_copy(src_hbm.at[pl.ds(gbase + ga, gb)], sidx_b,
                                 sem_g)
        bufs = [rows_a, rows_b.at[pl.ds(0, q)]]
        sems = [sem_a, sem_b]
        cr = [pltpu.async_copy(msg_hbm.at[pl.ds(ebase, q)], bufs[0], sems[0]),
              pltpu.async_copy(msg_hbm.at[pl.ds(ebase + q, q)], bufs[1],
                               sems[1])]

        def zero_row(i, _):
            zbuf[i, :] = jnp.zeros((h,), jnp.float32)
            return 0
        lax.fori_loop(0, npt, zero_row, 0)
        pltpu.sync_copy(zbuf, agg_sh.at[pl.ds(nbase, npt)])
        for c in cpi:
            c.wait()
        plsc.subcore_barrier()

        for k in range(5):
            cr[k].wait()
            pltpu.sync_copy(bufs[k % 2], agg_sh.at[idx_v.at[k]], add=True)
            if k + 2 < 5:
                cr.append(pltpu.async_copy(
                    msg_hbm.at[pl.ds(ebase + (k + 2) * q, q)],
                    bufs[k % 2], sems[k % 2]))
        plsc.subcore_barrier()

        cu_h = pltpu.async_copy(h_hbm.at[pl.ds(nbase, npt)],
                                rows_a.at[pl.ds(0, npt)], sem_a)
        cu_r = pltpu.async_copy(hr_hbm.at[pl.ds(nbase, npt)],
                                rows_a.at[pl.ds(npt, npt)], sem_b)
        cu_m = pltpu.async_copy(hm_hbm.at[pl.ds(nbase, npt)],
                                rows_a.at[pl.ds(2 * npt, npt)], sem_i)
        pltpu.sync_copy(agg_sh.at[pl.ds(nbase, npt)],
                        rows_b.at[pl.ds(0, npt)])
        cu_h.wait()
        cu_r.wait()
        cu_m.wait()

        def upd_row(i, _):
            hg = jnp.maximum(rows_b[i, :] + rows_a[npt + i, :], 0.0)
            rows_b[npt + i, :] = hg + rows_a[2 * npt + i, :] + rows_a[i, :]
            return 0
        lax.fori_loop(0, npt, upd_row, 0)

        pltpu.sync_copy(rows_b.at[pl.ds(npt, npt)],
                        h2_sh.at[pl.ds(nbase, npt)])

        @pl.when(cid == 0)
        def _():
            pltpu.sync_copy(rows_b.at[pl.ds(npt, npt)],
                            hnew_hbm.at[pl.ds(nbase, npt)])

        cps_a.wait()
        cps_b.wait()
        plsc.subcore_barrier()

        g_a = pltpu.async_copy(h2_sh.at[sidx_a], rows_a, sem_a)
        g_b = pltpu.async_copy(h2_sh.at[sidx_b], rows_b, sem_b)
        g_a.wait()
        pltpu.sync_copy(rows_a, hsrc_hbm.at[pl.ds(gbase, ga)])
        g_b.wait()
        pltpu.sync_copy(rows_b, hsrc_hbm.at[pl.ds(gbase + ga, gb)])

    return fused



def kernel(x, edge_index, e, W_in, b_in,
           W_fgn_0, b_fgn_0, root_0, b_ecc_0, W_mlp_0, b_mlp_0,
           W_fgn_1, b_fgn_1, root_1, b_ecc_1, W_mlp_1, b_mlp_1,
           W_out, b_out):
    n = x.shape[0]
    ecount = edge_index.shape[1]
    h = W_in.shape[1]

    p = jnp.arange(ecount, dtype=jnp.int32)
    perm_e = (p // _EB) * _EB + (_EB // 8) * (p % 8) + (p % _EB) // 8
    src_s = jnp.take(edge_index[0], perm_e)
    dst_s = jnp.take(edge_index[1], perm_e)
    src_s = 8 * (src_s % (n // 8)) + src_s // (n // 8)
    dst_s = 8 * (dst_s % (n // 8)) + dst_s // (n // 8)
    et = e.T

    gather = _make_gather(n, ecount, h)
    scatter = _make_scatter(n, ecount, h)
    fused = _make_scatter_update_gather(n, ecount, h)

    h1w, hr1w, hm1w = _in_proj(x, W_in, b_in,
                               root_0, b_ecc_0, W_mlp_0, b_mlp_0)
    h_src1 = gather(h1w.reshape(n, h), src_s)
    msg1w = _edge_msg(et, h_src1.reshape(ecount * h // 128, 128),
                      W_fgn_0, b_fgn_0)
    h2, h_src2 = fused(msg1w.reshape(ecount, h), dst_s, src_s,
                       h1w.reshape(n, h), hr1w.reshape(n, h),
                       hm1w.reshape(n, h))
    msg2w = _edge_msg(et, h_src2.reshape(ecount * h // 128, 128),
                      W_fgn_1, b_fgn_1)
    parts = scatter(msg2w.reshape(ecount, h), dst_s)
    return _update_out(h2.reshape(n * h // 128, 128),
                       parts.reshape(_NC * n * h // 128, 128),
                       root_1, b_ecc_1, W_mlp_1, b_mlp_1, W_out, b_out)

# --- scband reference (transcript-rebuilt; emitter-appended) ---
"""Pipeline reference for scband-femgnn-66864050864280 (READ-ONLY COPY).

The authoritative reference and input builder live on the scoring server;
editing this copy changes nothing except your own understanding.
"""

import jax, jax.numpy as jnp
import numpy as np

N = 10000
E = 160000
D_FEAT = 128
D_EDGE = 16
H = 16
OUT = 1
L = 2


def setup_inputs(seed: int = 0) -> dict:
    key = jax.random.key(seed)
    ks = jax.random.split(key, 24)
    inp = {}
    inp["x"] = jax.random.normal(ks[0], (N, D_FEAT), dtype=jnp.float32)
    inp["edge_index"] = jax.random.randint(ks[1], (2, E), 0, N, dtype=jnp.int32)
    inp["e"] = jax.random.normal(ks[2], (E, D_EDGE), dtype=jnp.float32)
    # in_dense params
    inp["W_in"] = jax.random.normal(ks[3], (D_FEAT, H), dtype=jnp.float32) * 0.05
    inp["b_in"] = jnp.zeros((H,), dtype=jnp.float32)
    # per-layer ECC (filter-generating net + root + bias) and MLP params
    kidx = 4
    for i in range(L):
        inp[f"W_fgn_{i}"] = jax.random.normal(ks[kidx], (D_EDGE, H * H), dtype=jnp.float32) * 0.05; kidx += 1
        inp[f"b_fgn_{i}"] = jnp.zeros((H * H,), dtype=jnp.float32)
        inp[f"root_{i}"] = jax.random.normal(ks[kidx], (H, H), dtype=jnp.float32) * 0.05; kidx += 1
        inp[f"b_ecc_{i}"] = jnp.zeros((H,), dtype=jnp.float32)
        inp[f"W_mlp_{i}"] = jax.random.normal(ks[kidx], (H, H), dtype=jnp.float32) * 0.05; kidx += 1
        inp[f"b_mlp_{i}"] = jnp.zeros((H,), dtype=jnp.float32)
    inp["W_out"] = jax.random.normal(ks[kidx], (H, OUT), dtype=jnp.float32) * 0.05
    inp["b_out"] = jnp.zeros((OUT,), dtype=jnp.float32)
    return inp


def reference(x, edge_index, e, W_in, b_in,
              W_fgn_0, b_fgn_0, root_0, b_ecc_0, W_mlp_0, b_mlp_0,
              W_fgn_1, b_fgn_1, root_1, b_ecc_1, W_mlp_1, b_mlp_1,
              W_out, b_out):
    # Spektral ECCConv single mode: sources = a.indices[:,0], targets = a.indices[:,1]
    src = edge_index[0]
    dst = edge_index[1]
    h = x @ W_in + b_in
    layers = [
        (W_fgn_0, b_fgn_0, root_0, b_ecc_0, W_mlp_0, b_mlp_0),
        (W_fgn_1, b_fgn_1, root_1, b_ecc_1, W_mlp_1, b_mlp_1),
    ]
    for Wf, bf, r, bc, Wm, bm in layers:
        # filter-generating network (kernel_network=None -> single linear Dense)
        kernel = (e @ Wf + bf).reshape(E, H, H)
        msg = jnp.einsum('ef,efo->eo', jnp.take(h, src, axis=0), kernel)
        agg = jax.ops.segment_sum(msg, dst, num_segments=N)
        h_gcn = jax.nn.relu(agg + h @ r + bc)
        h_mlp = jax.nn.relu(h @ Wm + bm)
        h = h_gcn + h_mlp + h
    out = h @ W_out + b_out
    return out

if __name__ == "__main__":
    import jax
    _d = setup_inputs()
    print(jax.jit(kernel)(*tuple(_d.values())))

</pallas_src>

<mosaic_0001>
#map = affine_map<(d0, d1) -> (0, 0)>
#map1 = affine_map<(d0, d1) -> (0)>
module attributes {stable_mosaic.version = 14 : i64} {
  func.func @gather(%arg0: i32, %arg1: i32, %arg2: memref<10000x16xf32, #tpu.memory_space<hbm>>, %arg3: memref<160000xi32, #tpu.memory_space<hbm>>, %arg4: memref<160000x16xf32, #tpu.memory_space<hbm>>, %arg5: memref<5000xi32, #tpu.memory_space<vmem>>, %arg6: memref<5000x16xf32, #tpu.memory_space<vmem>>, %arg7: memref<!tpu.dma_semaphore, #tpu.memory_space<semaphore_mem>>) attributes {dimension_semantics = [#tpu.dimension_semantics<core_parallel>, #tpu.dimension_semantics<subcore_parallel>], iteration_bounds = array<i64: 2, 16>, scalar_prefetch = 0 : i64, scratch_operands = 3 : i64, tpu.core_type = #tpu.core_type<sc_vector_subcore>, window_params = [{transform_indices = #map}, {transform_indices = #map1}, {transform_indices = #map}]} {
    %mul3A = arith.constant 2 : i32
    %mul3A_0 = arith.muli %arg1, %mul3A : i32
    %add3A = arith.addi %mul3A_0, %arg0 : i32
    %mul3A_1 = arith.constant 5000 : i32
    %mul3A_2 = arith.muli %add3A, %mul3A_1 : i32
    "tpu.region"() ({
      %run_scoped3A = tpu.sem_alloc : memref<!tpu.dma_semaphore, #tpu.memory_space<semaphore_mem>>
      %dma_start3A_7 = tpu.memref_slice %arg3[%mul3A_2] : memref<160000xi32, #tpu.memory_space<hbm>> -> memref<5000xi32, #tpu.memory_space<hbm>>
      %dma_start3A_8 = tpu.memref_slice %arg3[%mul3A_2] : memref<160000xi32, #tpu.memory_space<hbm>> -> memref<5000xi32, #tpu.memory_space<hbm>>
      tpu.enqueue_dma source(%dma_start3A_8 : memref<5000xi32, #tpu.memory_space<hbm>>) target(%arg5 : memref<5000xi32, #tpu.memory_space<vmem>>) target_semaphore(%run_scoped3A : memref<!tpu.dma_semaphore, #tpu.memory_space<semaphore_mem>>)
      %dma_wait3A_9 = tpu.memref_slice %arg3[%mul3A_2] : memref<160000xi32, #tpu.memory_space<hbm>> -> memref<5000xi32, #tpu.memory_space<hbm>>
      %dma_wait3A_10 = tpu.memref_slice %arg3[%mul3A_2] : memref<160000xi32, #tpu.memory_space<hbm>> -> memref<5000xi32, #tpu.memory_space<hbm>>
      tpu.wait_dma2 semaphore(%run_scoped3A : memref<!tpu.dma_semaphore, #tpu.memory_space<semaphore_mem>>) src(%dma_wait3A_10 : memref<5000xi32, #tpu.memory_space<hbm>>) dst(%arg5 : memref<5000xi32, #tpu.memory_space<vmem>>)
      tpu.yield
    }) : () -> ()
    %dma_start3A = arith.constant 0 : i32
    %dma_start3A_3 = arith.constant 0 : i32
    %dma_start3A_4 = tpu.memref_slice %arg2[%dma_start3A, %dma_start3A_3] : memref<10000x16xf32, #tpu.memory_space<hbm>> -> memref<10000x16xf32, #tpu.memory_space<hbm>>
    tpu.enqueue_indirect_dma source(%dma_start3A_4 : memref<10000x16xf32, #tpu.memory_space<hbm>>) target(%arg6 : memref<5000x16xf32, #tpu.memory_space<vmem>>) offsets(%arg5 : memref<5000xi32, #tpu.memory_space<vmem>>) semaphore(%arg7 : memref<!tpu.dma_semaphore, #tpu.memory_space<semaphore_mem>>)
    %dma_wait3A = arith.constant 0 : i32
    %dma_wait3A_5 = arith.constant 0 : i32
    %dma_wait3A_6 = tpu.memref_slice %arg2[%dma_wait3A, %dma_wait3A_5] : memref<10000x16xf32, #tpu.memory_space<hbm>> -> memref<10000x16xf32, #tpu.memory_space<hbm>>
    tpu.wait_indirect_dma semaphore(%arg7 : memref<!tpu.dma_semaphore, #tpu.memory_space<semaphore_mem>>) src(%dma_wait3A_6 : memref<10000x16xf32, #tpu.memory_space<hbm>>) dst(%arg6 : memref<5000x16xf32, #tpu.memory_space<vmem>>)
    "tpu.region"() ({
      %run_scoped3A = tpu.sem_alloc : memref<!tpu.dma_semaphore, #tpu.memory_space<semaphore_mem>>
      %dma_start3A_7 = arith.constant 0 : i32
      %dma_start3A_8 = tpu.memref_slice %arg4[%mul3A_2, %dma_start3A_7] : memref<160000x16xf32, #tpu.memory_space<hbm>> -> memref<5000x16xf32, #tpu.memory_space<hbm>>
      %dma_start3A_9 = arith.constant 0 : i32
      %dma_start3A_10 = tpu.memref_slice %arg4[%mul3A_2, %dma_start3A_9] : memref<160000x16xf32, #tpu.memory_space<hbm>> -> memref<5000x16xf32, #tpu.memory_space<hbm>>
      tpu.enqueue_dma source(%arg6 : memref<5000x16xf32, #tpu.memory_space<vmem>>) target(%dma_start3A_10 : memref<5000x16xf32, #tpu.memory_space<hbm>>) target_semaphore(%run_scoped3A : memref<!tpu.dma_semaphore, #tpu.memory_space<semaphore_mem>>)
      %dma_wait3A_11 = arith.constant 0 : i32
      %dma_wait3A_12 = tpu.memref_slice %arg4[%mul3A_2, %dma_wait3A_11] : memref<160000x16xf32, #tpu.memory_space<hbm>> -> memref<5000x16xf32, #tpu.memory_space<hbm>>
      %dma_wait3A_13 = arith.constant 0 : i32
      %dma_wait3A_14 = tpu.memref_slice %arg4[%mul3A_2, %dma_wait3A_13] : memref<160000x16xf32, #tpu.memory_space<hbm>> -> memref<5000x16xf32, #tpu.memory_space<hbm>>
      tpu.wait_dma2 semaphore(%run_scoped3A : memref<!tpu.dma_semaphore, #tpu.memory_space<semaphore_mem>>) src(%arg6 : memref<5000x16xf32, #tpu.memory_space<vmem>>) dst(%dma_wait3A_14 : memref<5000x16xf32, #tpu.memory_space<hbm>>)
      tpu.yield
    }) : () -> ()
    return
  }
}

#map = affine_map<(d0, d1) -> (0, 0)>
#map1 = affine_map<(d0, d1) -> (0)>
module attributes {stable_mosaic.version = 14 : i64} {
  func.func @fused(%arg0: i32, %arg1: i32, %arg2: memref<160000x16xf32, #tpu.memory_space<hbm>>, %arg3: memref<160000xi32, #tpu.memory_space<hbm>>, %arg4: memref<160000xi32, #tpu.memory_space<hbm>>, %arg5: memref<10000x16xf32, #tpu.memory_space<hbm>>, %arg6: memref<10000x16xf32, #tpu.memory_space<hbm>>, %arg7: memref<10000x16xf32, #tpu.memory_space<hbm>>, %arg8: memref<10000x16xf32, #tpu.memory_space<hbm>>, %arg9: memref<160000x16xf32, #tpu.memory_space<hbm>>, %arg10: memref<5x2000xi32, #tpu.memory_space<vmem>>, %arg11: memref<2000xi32, #tpu.memory_space<vmem>>, %arg12: memref<3000xi32, #tpu.memory_space<vmem>>, %arg13: memref<2000x16xf32, #tpu.memory_space<vmem>>, %arg14: memref<3000x16xf32, #tpu.memory_space<vmem>>, %arg15: memref<625x16xf32, #tpu.memory_space<vmem>>, %arg16: memref<10000x16xf32, #tpu.memory_space<vmem_shared>>, %arg17: memref<10000x16xf32, #tpu.memory_space<vmem_shared>>, %arg18: memref<!tpu.dma_semaphore, #tpu.memory_space<semaphore_mem>>, %arg19: memref<!tpu.dma_semaphore, #tpu.memory_space<semaphore_mem>>, %arg20: memref<!tpu.dma_semaphore, #tpu.memory_space<semaphore_mem>>, %arg21: memref<!tpu.dma_semaphore, #tpu.memory_space<semaphore_mem>>) attributes {dimension_semantics = [#tpu.dimension_semantics<core_parallel>, #tpu.dimension_semantics<subcore_parallel>], iteration_bounds = array<i64: 2, 16>, scalar_prefetch = 0 : i64, scratch_operands = 12 : i64, tpu.core_type = #tpu.core_type<sc_vector_subcore>, window_params = [{transform_indices = #map}, {transform_indices = #map1}, {transform_indices = #map1}, {transform_indices = #map}, {transform_indices = #map}, {transform_indices = #map}, {transform_indices = #map}, {transform_indices = #map}]} {
    %mul3A = arith.constant 10000 : i32
    %mul3A_0 = arith.muli %arg1, %mul3A : i32
    %mul3A_1 = arith.constant 625 : i32
    %mul3A_2 = arith.muli %arg1, %mul3A_1 : i32
    %mul3A_3 = arith.constant 2 : i32
    %mul3A_4 = arith.muli %arg1, %mul3A_3 : i32
    %add3A = arith.addi %mul3A_4, %arg0 : i32
    %mul3A_5 = arith.constant 5000 : i32
    %mul3A_6 = arith.muli %add3A, %mul3A_5 : i32
    %add3A_7 = arith.constant 0 : i32
    %add3A_8 = arith.addi %mul3A_0, %add3A_7 : i32
    %dma_start3A = arith.constant 0 : i32
    %dma_start3A_9 = arith.constant 0 : i32
    %dma_start3A_10 = tpu.memref_slice %arg10[%dma_start3A, %dma_start3A_9] : memref<5x2000xi32, #tpu.memory_space<vmem>> -> memref<1x2000xi32, #tpu.memory_space<vmem>>
    %dma_start3A_11 = tpu.memref_squeeze %dma_start3A_10 : memref<1x2000xi32, #tpu.memory_space<vmem>> -> memref<2000xi32, #tpu.memory_space<vmem>>
    %dma_start3A_12 = tpu.memref_slice %arg3[%add3A_8] : memref<160000xi32, #tpu.memory_space<hbm>> -> memref<2000xi32, #tpu.memory_space<hbm>>
    %dma_start3A_13 = arith.constant 0 : i32
    %dma_start3A_14 = tpu.memref_slice %arg10[%dma_start3A, %dma_start3A_13] : memref<5x2000xi32, #tpu.memory_space<vmem>> -> memref<1x2000xi32, #tpu.memory_space<vmem>>
    %dma_start3A_15 = tpu.memref_squeeze %dma_start3A_14 : memref<1x2000xi32, #tpu.memory_space<vmem>> -> memref<2000xi32, #tpu.memory_space<vmem>>
    %dma_start3A_16 = tpu.memref_slice %arg3[%add3A_8] : memref<160000xi32, #tpu.memory_space<hbm>> -> memref<2000xi32, #tpu.memory_space<hbm>>
    tpu.enqueue_dma source(%dma_start3A_16 : memref<2000xi32, #tpu.memory_space<hbm>>) target(%dma_start3A_15 : memref<2000xi32, #tpu.memory_space<vmem>>) target_semaphore(%arg18 : memref<!tpu.dma_semaphore, #tpu.memory_space<semaphore_mem>>)
    %add3A_17 = arith.constant 2000 : i32
    %add3A_18 = arith.addi %mul3A_0, %add3A_17 : i32
    %dma_start3A_19 = arith.constant 1 : i32
    %dma_start3A_20 = arith.constant 0 : i32
    %dma_start3A_21 = tpu.memref_slice %arg10[%dma_start3A_19, %dma_start3A_20] : memref<5x2000xi32, #tpu.memory_space<vmem>> -> memref<1x2000xi32, #tpu.memory_space<vmem>>
    %dma_start3A_22 = tpu.memref_squeeze %dma_start3A_21 : memref<1x2000xi32, #tpu.memory_space<vmem>> -> memref<2000xi32, #tpu.memory_space<vmem>>
    %dma_start3A_23 = tpu.memref_slice %arg3[%add3A_18] : memref<160000xi32, #tpu.memory_space<hbm>> -> memref<2000xi32, #tpu.memory_space<hbm>>
    %dma_start3A_24 = arith.constant 0 : i32
    %dma_start3A_25 = tpu.memref_slice %arg10[%dma_start3A_19, %dma_start3A_24] : memref<5x2000xi32, #tpu.memory_space<vmem>> -> memref<1x2000xi32, #tpu.memory_space<vmem>>
    %dma_start3A_26 = tpu.memref_squeeze %dma_start3A_25 : memref<1x2000xi32, #tpu.memory_space<vmem>> -> memref<2000xi32, #tpu.memory_space<vmem>>
    %dma_start3A_27 = tpu.memref_slice %arg3[%add3A_18] : memref<160000xi32, #tpu.memory_space<hbm>> -> memref<2000xi32, #tpu.memory_space<hbm>>
    tpu.enqueue_dma source(%dma_start3A_27 : memref<2000xi32, #tpu.memory_space<hbm>>) target(%dma_start3A_26 : memref<2000xi32, #tpu.memory_space<vmem>>) target_semaphore(%arg18 : memref<!tpu.dma_semaphore, #tpu.memory_space<semaphore_mem>>)
    %add3A_28 = arith.constant 4000 : i32
    %add3A_29 = arith.addi %mul3A_0, %add3A_28 : i32
    %dma_start3A_30 = arith.constant 2 : i32
    %dma_start3A_31 = arith.constant 0 : i32
    %dma_start3A_32 = tpu.memref_slice %arg10[%dma_start3A_30, %dma_start3A_31] : memref<5x2000xi32, #tpu.memory_space<vmem>> -> memref<1x2000xi32, #tpu.memory_space<vmem>>
    %dma_start3A_33 = tpu.memref_squeeze %dma_start3A_32 : memref<1x2000xi32, #tpu.memory_space<vmem>> -> memref<2000xi32, #tpu.memory_space<vmem>>
    %dma_start3A_34 = tpu.memref_slice %arg3[%add3A_29] : memref<160000xi32, #tpu.memory_space<hbm>> -> memref<2000xi32, #tpu.memory_space<hbm>>
    %dma_start3A_35 = arith.constant 0 : i32
    %dma_start3A_36 = tpu.memref_slice %arg10[%dma_start3A_30, %dma_start3A_35] : memref<5x2000xi32, #tpu.memory_space<vmem>> -> memref<1x2000xi32, #tpu.memory_space<vmem>>
    %dma_start3A_37 = tpu.memref_squeeze %dma_start3A_36 : memref<1x2000xi32, #tpu.memory_space<vmem>> -> memref<2000xi32, #tpu.memory_space<vmem>>
    %dma_start3A_38 = tpu.memref_slice %arg3[%add3A_29] : memref<160000xi32, #tpu.memory_space<hbm>> -> memref<2000xi32, #tpu.memory_space<hbm>>
    tpu.enqueue_dma source(%dma_start3A_38 : memref<2000xi32, #tpu.memory_space<hbm>>) target(%dma_start3A_37 : memref<2000xi32, #tpu.memory_space<vmem>>) target_semaphore(%arg18 : memref<!tpu.dma_semaphore, #tpu.memory_space<semaphore_mem>>)
    %add3A_39 = arith.constant 6000 : i32
    %add3A_40 = arith.addi %mul3A_0, %add3A_39 : i32
    %dma_start3A_41 = arith.constant 3 : i32
    %dma_start3A_42 = arith.constant 0 : i32
    %dma_start3A_43 = tpu.memref_slice %arg10[%dma_start3A_41, %dma_start3A_42] : memref<5x2000xi32, #tpu.memory_space<vmem>> -> memref<1x2000xi32, #tpu.memory_space<vmem>>
    %dma_start3A_44 = tpu.memref_squeeze %dma_start3A_43 : memref<1x2000xi32, #tpu.memory_space<vmem>> -> memref<2000xi32, #tpu.memory_space<vmem>>
    %dma_start3A_45 = tpu.memref_slice %arg3[%add3A_40] : memref<160000xi32, #tpu.memory_space<hbm>> -> memref<2000xi32, #tpu.memory_space<hbm>>
    %dma_start3A_46 = arith.constant 0 : i32
    %dma_start3A_47 = tpu.memref_slice %arg10[%dma_start3A_41, %dma_start3A_46] : memref<5x2000xi32, #tpu.memory_space<vmem>> -> memref<1x2000xi32, #tpu.memory_space<vmem>>
    %dma_start3A_48 = tpu.memref_squeeze %dma_start3A_47 : memref<1x2000xi32, #tpu.memory_space<vmem>> -> memref<2000xi32, #tpu.memory_space<vmem>>
    %dma_start3A_49 = tpu.memref_slice %arg3[%add3A_40] : memref<160000xi32, #tpu.memory_space<hbm>> -> memref<2000xi32, #tpu.memory_space<hbm>>
    tpu.enqueue_dma source(%dma_start3A_49 : memref<2000xi32, #tpu.memory_space<hbm>>) target(%dma_start3A_48 : memref<2000xi32, #tpu.memory_space<vmem>>) target_semaphore(%arg18 : memref<!tpu.dma_semaphore, #tpu.memory_space<semaphore_mem>>)
    %add3A_50 = arith.constant 8000 : i32
    %add3A_51 = arith.addi %mul3A_0, %add3A_50 : i32
    %dma_start3A_52 = arith.constant 4 : i32
    %dma_start3A_53 = arith.constant 0 : i32
    %dma_start3A_54 = tpu.memref_slice %arg10[%dma_start3A_52, %dma_start3A_53] : memref<5x2000xi32, #tpu.memory_space<vmem>> -> memref<1x2000xi32, #tpu.memory_space<vmem>>
    %dma_start3A_55 = tpu.memref_squeeze %dma_start3A_54 : memref<1x2000xi32, #tpu.memory_space<vmem>> -> memref<2000xi32, #tpu.memory_space<vmem>>
    %dma_start3A_56 = tpu.memref_slice %arg3[%add3A_51] : memref<160000xi32, #tpu.memory_space<hbm>> -> memref<2000xi32, #tpu.memory_space<hbm>>
    %dma_start3A_57 = arith.constant 0 : i32
    %dma_start3A_58 = tpu.memref_slice %arg10[%dma_start3A_52, %dma_start3A_57] : memref<5x2000xi32, #tpu.memory_space<vmem>> -> memref<1x2000xi32, #tpu.memory_space<vmem>>
    %dma_start3A_59 = tpu.memref_squeeze %dma_start3A_58 : memref<1x2000xi32, #tpu.memory_space<vmem>> -> memref<2000xi32, #tpu.memory_space<vmem>>
    %dma_start3A_60 = tpu.memref_slice %arg3[%add3A_51] : memref<160000xi32, #tpu.memory_space<hbm>> -> memref<2000xi32, #tpu.memory_space<hbm>>
    tpu.enqueue_dma source(%dma_start3A_60 : memref<2000xi32, #tpu.memory_space<hbm>>) target(%dma_start3A_59 : memref<2000xi32, #tpu.memory_space<vmem>>) target_semaphore(%arg18 : memref<!tpu.dma_semaphore, #tpu.memory_space<semaphore_mem>>)
    %dma_start3A_61 = tpu.memref_slice %arg4[%mul3A_6] : memref<160000xi32, #tpu.memory_space<hbm>> -> memref<2000xi32, #tpu.memory_space<hbm>>
    %dma_start3A_62 = tpu.memref_slice %arg4[%mul3A_6] : memref<160000xi32, #tpu.memory_space<hbm>> -> memref<2000xi32, #tpu.memory_space<hbm>>
    tpu.enqueue_dma source(%dma_start3A_62 : memref<2000xi32, #tpu.memory_space<hbm>>) target(%arg11 : memref<2000xi32, #tpu.memory_space<vmem>>) target_semaphore(%arg21 : memref<!tpu.dma_semaphore, #tpu.memory_space<semaphore_mem>>)
    %add3A_63 = arith.constant 2000 : i32
    %add3A_64 = arith.addi %mul3A_6, %add3A_63 : i32
    %dma_start3A_65 = tpu.memref_slice %arg4[%add3A_64] : memref<160000xi32, #tpu.memory_space<hbm>> -> memref<3000xi32, #tpu.memory_space<hbm>>
    %dma_start3A_66 = tpu.memref_slice %arg4[%add3A_64] : memref<160000xi32, #tpu.memory_space<hbm>> -> memref<3000xi32, #tpu.memory_space<hbm>>
    tpu.enqueue_dma source(%dma_start3A_66 : memref<3000xi32, #tpu.memory_space<hbm>>) target(%arg12 : memref<3000xi32, #tpu.memory_space<vmem>>) target_semaphore(%arg21 : memref<!tpu.dma_semaphore, #tpu.memory_space<semaphore_mem>>)
    %dma_start3A_67 = arith.constant 0 : i32
    %dma_start3A_68 = tpu.memref_slice %arg2[%mul3A_0, %dma_start3A_67] : memref<160000x16xf32, #tpu.memory_space<hbm>> -> memref<2000x16xf32, #tpu.memory_space<hbm>>
    %dma_start3A_69 = arith.constant 0 : i32
    %dma_start3A_70 = tpu.memref_slice %arg2[%mul3A_0, %dma_start3A_69] : memref<160000x16xf32, #tpu.memory_space<hbm>> -> memref<2000x16xf32, #tpu.memory_space<hbm>>
    tpu.enqueue_dma source(%dma_start3A_70 : memref<2000x16xf32, #tpu.memory_space<hbm>>) target(%arg13 : memref<2000x16xf32, #tpu.memory_space<vmem>>) target_semaphore(%arg19 : memref<!tpu.dma_semaphore, #tpu.memory_space<semaphore_mem>>)
    %add3A_71 = arith.constant 2000 : i32
    %add3A_72 = arith.addi %mul3A_0, %add3A_71 : i32
    %dma_start3A_73 = arith.constant 0 : i32
    %dma_start3A_74 = arith.constant 0 : i32
    %dma_start3A_75 = tpu.memref_slice %arg14[%dma_start3A_73, %dma_start3A_74] : memref<3000x16xf32, #tpu.memory_space<vmem>> -> memref<2000x16xf32, #tpu.memory_space<vmem>>
    %dma_start3A_76 = arith.constant 0 : i32
    %dma_start3A_77 = tpu.memref_slice %arg2[%add3A_72, %dma_start3A_76] : memref<160000x16xf32, #tpu.memory_space<hbm>> -> memref<2000x16xf32, #tpu.memory_space<hbm>>
    %dma_start3A_78 = arith.constant 0 : i32
    %dma_start3A_79 = arith.constant 0 : i32
    %dma_start3A_80 = tpu.memref_slice %arg14[%dma_start3A_78, %dma_start3A_79] : memref<3000x16xf32, #tpu.memory_space<vmem>> -> memref<2000x16xf32, #tpu.memory_space<vmem>>
    %dma_start3A_81 = arith.constant 0 : i32
    %dma_start3A_82 = tpu.memref_slice %arg2[%add3A_72, %dma_start3A_81] : memref<160000x16xf32, #tpu.memory_space<hbm>> -> memref<2000x16xf32, #tpu.memory_space<hbm>>
    tpu.enqueue_dma source(%dma_start3A_82 : memref<2000x16xf32, #tpu.memory_space<hbm>>) target(%dma_start3A_80 : memref<2000x16xf32, #tpu.memory_space<vmem>>) target_semaphore(%arg20 : memref<!tpu.dma_semaphore, #tpu.memory_space<semaphore_mem>>)
    %scan3A = arith.constant 0 : i32
    %scan3A_83 = arith.constant 0 : i32
    %scan3A_84 = arith.constant 625 : i32
    %scan3A_85 = arith.addi %scan3A_83, %scan3A_84 : i32
    %scan3A_86 = arith.constant 1 : i32
    %scan3A_87 = scf.for %scan3A_282 = %scan3A_83 to %scan3A_85 step %scan3A_86 iter_args(%scan3A_283 = %scan3A) -> (i32)  : i32 {
      %broadcast_in_dim3A = arith.constant 0.000000e+00 : f32
      %broadcast_in_dim3A_284 = vector.broadcast %broadcast_in_dim3A : f32 to vector<16xf32>
      %swap3A = arith.index_cast %scan3A_282 : i32 to index
      %swap3A_285 = arith.constant 0 : index
      %swap3A_286 = tpu.vector_load %arg15[%swap3A, %swap3A_285] {strides = array<i32>} : memref<625x16xf32, #tpu.memory_space<vmem>>, vector<1x16xf32>,
      %swap3A_287 = vector.shape_cast %swap3A_286 : vector<1x16xf32> to vector<16xf32>
      %swap3A_288 = vector.shape_cast %broadcast_in_dim3A_284 : vector<16xf32> to vector<1x16xf32>
      tpu.vector_store %arg15[%swap3A, %swap3A_285], %swap3A_288 {strides = array<i32>} : memref<625x16xf32, #tpu.memory_space<vmem>>, vector<1x16xf32>,
      %scan3A_289 = arith.constant 0 : i32
      scf.yield %scan3A_289 : i32
    }
    %scan3A_88 = arith.constant 625 : i32
    "tpu.region"() ({
      %run_scoped3A_282 = tpu.sem_alloc : memref<!tpu.dma_semaphore, #tpu.memory_space<semaphore_mem>>
      %dma_start3A_283 = arith.constant 0 : i32
      %dma_start3A_284 = tpu.memref_slice %arg16[%mul3A_2, %dma_start3A_283] : memref<10000x16xf32, #tpu.memory_space<vmem_shared>> -> memref<625x16xf32, #tpu.memory_space<vmem_shared>>
      %dma_start3A_285 = arith.constant 0 : i32
      %dma_start3A_286 = tpu.memref_slice %arg16[%mul3A_2, %dma_start3A_285] : memref<10000x16xf32, #tpu.memory_space<vmem_shared>> -> memref<625x16xf32, #tpu.memory_space<vmem_shared>>
      tpu.enqueue_dma source(%arg15 : memref<625x16xf32, #tpu.memory_space<vmem>>) target(%dma_start3A_286 : memref<625x16xf32, #tpu.memory_space<vmem_shared>>) target_semaphore(%run_scoped3A_282 : memref<!tpu.dma_semaphore, #tpu.memory_space<semaphore_mem>>)
      %dma_wait3A_287 = arith.constant 0 : i32
      %dma_wait3A_288 = tpu.memref_slice %arg16[%mul3A_2, %dma_wait3A_287] : memref<10000x16xf32, #tpu.memory_space<vmem_shared>> -> memref<625x16xf32, #tpu.memory_space<vmem_shared>>
      %dma_wait3A_289 = arith.constant 0 : i32
      %dma_wait3A_290 = tpu.memref_slice %arg16[%mul3A_2, %dma_wait3A_289] : memref<10000x16xf32, #tpu.memory_space<vmem_shared>> -> memref<625x16xf32, #tpu.memory_space<vmem_shared>>
      tpu.wait_dma2 semaphore(%run_scoped3A_282 : memref<!tpu.dma_semaphore, #tpu.memory_space<semaphore_mem>>) src(%arg15 : memref<625x16xf32, #tpu.memory_space<vmem>>) dst(%dma_wait3A_290 : memref<625x16xf32, #tpu.memory_space<vmem_shared>>)
      tpu.yield
    }) : () -> ()
    %dma_wait3A = arith.constant 0 : i32
    %dma_wait3A_89 = arith.constant 0 : i32
    %dma_wait3A_90 = tpu.memref_slice %arg10[%dma_wait3A, %dma_wait3A_89] : memref<5x2000xi32, #tpu.memory_space<vmem>> -> memref<1x2000xi32, #tpu.memory_space<vmem>>
    %dma_wait3A_91 = tpu.memref_squeeze %dma_wait3A_90 : memref<1x2000xi32, #tpu.memory_space<vmem>> -> memref<2000xi32, #tpu.memory_space<vmem>>
    %dma_wait3A_92 = tpu.memref_slice %arg3[%add3A_8] : memref<160000xi32, #tpu.memory_space<hbm>> -> memref<2000xi32, #tpu.memory_space<hbm>>
    %dma_wait3A_93 = arith.constant 0 : i32
    %dma_wait3A_94 = tpu.memref_slice %arg10[%dma_wait3A, %dma_wait3A_93] : memref<5x2000xi32, #tpu.memory_space<vmem>> -> memref<1x2000xi32, #tpu.memory_space<vmem>>
    %dma_wait3A_95 = tpu.memref_squeeze %dma_wait3A_94 : memref<1x2000xi32, #tpu.memory_space<vmem>> -> memref<2000xi32, #tpu.memory_space<vmem>>
    %dma_wait3A_96 = tpu.memref_slice %arg3[%add3A_8] : memref<160000xi32, #tpu.memory_space<hbm>> -> memref<2000xi32, #tpu.memory_space<hbm>>
    tpu.wait_dma2 semaphore(%arg18 : memref<!tpu.dma_semaphore, #tpu.memory_space<semaphore_mem>>) src(%dma_wait3A_96 : memref<2000xi32, #tpu.memory_space<hbm>>) dst(%dma_wait3A_95 : memref<2000xi32, #tpu.memory_space<vmem>>)
    %dma_wait3A_97 = arith.constant 1 : i32
    %dma_wait3A_98 = arith.constant 0 : i32
    %dma_wait3A_99 = tpu.memref_slice %arg10[%dma_wait3A_97, %dma_wait3A_98] : memref<5x2000xi32, #tpu.memory_space<vmem>> -> memref<1x2000xi32, #tpu.memory_space<vmem>>
    %dma_wait3A_100 = tpu.memref_squeeze %dma_wait3A_99 : memref<1x2000xi32, #tpu.memory_space<vmem>> -> memref<2000xi32, #tpu.memory_space<vmem>>
    %dma_wait3A_101 = tpu.memref_slice %arg3[%add3A_18] : memref<160000xi32, #tpu.memory_space<hbm>> -> memref<2000xi32, #tpu.memory_space<hbm>>
    %dma_wait3A_102 = arith.constant 0 : i32
    %dma_wait3A_103 = tpu.memref_slice %arg10[%dma_wait3A_97, %dma_wait3A_102] : memref<5x2000xi32, #tpu.memory_space<vmem>> -> memref<1x2000xi32, #tpu.memory_space<vmem>>
    %dma_wait3A_104 = tpu.memref_squeeze %dma_wait3A_103 : memref<1x2000xi32, #tpu.memory_space<vmem>> -> memref<2000xi32, #tpu.memory_space<vmem>>
    %dma_wait3A_105 = tpu.memref_slice %arg3[%add3A_18] : memref<160000xi32, #tpu.memory_space<hbm>> -> memref<2000xi32, #tpu.memory_space<hbm>>
    tpu.wait_dma2 semaphore(%arg18 : memref<!tpu.dma_semaphore, #tpu.memory_space<semaphore_mem>>) src(%dma_wait3A_105 : memref<2000xi32, #tpu.memory_space<hbm>>) dst(%dma_wait3A_104 : memref<2000xi32, #tpu.memory_space<vmem>>)
    %dma_wait3A_106 = arith.constant 2 : i32
    %dma_wait3A_107 = arith.constant 0 : i32
    %dma_wait3A_108 = tpu.memref_slice %arg10[%dma_wait3A_106, %dma_wait3A_107] : memref<5x2000xi32, #tpu.memory_space<vmem>> -> memref<1x2000xi32, #tpu.memory_space<vmem>>
    %dma_wait3A_109 = tpu.memref_squeeze %dma_wait3A_108 : memref<1x2000xi32, #tpu.memory_space<vmem>> -> memref<2000xi32, #tpu.memory_space<vmem>>
    %dma_wait3A_110 = tpu.memref_slice %arg3[%add3A_29] : memref<160000xi32, #tpu.memory_space<hbm>> -> memref<2000xi32, #tpu.memory_space<hbm>>
    %dma_wait3A_111 = arith.constant 0 : i32
    %dma_wait3A_112 = tpu.memref_slice %arg10[%dma_wait3A_106, %dma_wait3A_111] : memref<5x2000xi32, #tpu.memory_space<vmem>> -> memref<1x2000xi32, #tpu.memory_space<vmem>>
    %dma_wait3A_113 = tpu.memref_squeeze %dma_wait3A_112 : memref<1x2000xi32, #tpu.memory_space<vmem>> -> memref<2000xi32, #tpu.memory_space<vmem>>
    %dma_wait3A_114 = tpu.memref_slice %arg3[%add3A_29] : memref<160000xi32, #tpu.memory_space<hbm>> -> memref<2000xi32, #tpu.memory_space<hbm>>
    tpu.wait_dma2 semaphore(%arg18 : memref<!tpu.dma_semaphore, #tpu.memory_space<semaphore_mem>>) src(%dma_wait3A_114 : memref<2000xi32, #tpu.memory_space<hbm>>) dst(%dma_wait3A_113 : memref<2000xi32, #tpu.memory_space<vmem>>)
    %dma_wait3A_115 = arith.constant 3 : i32
    %dma_wait3A_116 = arith.constant 0 : i32
    %dma_wait3A_117 = tpu.memref_slice %arg10[%dma_wait3A_115, %dma_wait3A_116] : memref<5x2000xi32, #tpu.memory_space<vmem>> -> memref<1x2000xi32, #tpu.memory_space<vmem>>
    %dma_wait3A_118 = tpu.memref_squeeze %dma_wait3A_117 : memref<1x2000xi32, #tpu.memory_space<vmem>> -> memref<2000xi32, #tpu.memory_space<vmem>>
    %dma_wait3A_119 = tpu.memref_slice %arg3[%add3A_40] : memref<160000xi32, #tpu.memory_space<hbm>> -> memref<2000xi32, #tpu.memory_space<hbm>>
    %dma_wait3A_120 = arith.constant 0 : i32
    %dma_wait3A_121 = tpu.memref_slice %arg10[%dma_wait3A_115, %dma_wait3A_120] : memref<5x2000xi32, #tpu.memory_space<vmem>> -> memref<1x2000xi32, #tpu.memory_space<vmem>>
    %dma_wait3A_122 = tpu.memref_squeeze %dma_wait3A_121 : memref<1x2000xi32, #tpu.memory_space<vmem>> -> memref<2000xi32, #tpu.memory_space<vmem>>
    %dma_wait3A_123 = tpu.memref_slice %arg3[%add3A_40] : memref<160000xi32, #tpu.memory_space<hbm>> -> memref<2000xi32, #tpu.memory_space<hbm>>
    tpu.wait_dma2 semaphore(%arg18 : memref<!tpu.dma_semaphore, #tpu.memory_space<semaphore_mem>>) src(%dma_wait3A_123 : memref<2000xi32, #tpu.memory_space<hbm>>) dst(%dma_wait3A_122 : memref<2000xi32, #tpu.memory_space<vmem>>)
    %dma_wait3A_124 = arith.constant 4 : i32
    %dma_wait3A_125 = arith.constant 0 : i32
    %dma_wait3A_126 = tpu.memref_slice %arg10[%dma_wait3A_124, %dma_wait3A_125] : memref<5x2000xi32, #tpu.memory_space<vmem>> -> memref<1x2000xi32, #tpu.memory_space<vmem>>
    %dma_wait3A_127 = tpu.memref_squeeze %dma_wait3A_126 : memref<1x2000xi32, #tpu.memory_space<vmem>> -> memref<2000xi32, #tpu.memory_space<vmem>>
    %dma_wait3A_128 = tpu.memref_slice %arg3[%add3A_51] : memref<160000xi32, #tpu.memory_space<hbm>> -> memref<2000xi32, #tpu.memory_space<hbm>>
    %dma_wait3A_129 = arith.constant 0 : i32
    %dma_wait3A_130 = tpu.memref_slice %arg10[%dma_wait3A_124, %dma_wait3A_129] : memref<5x2000xi32, #tpu.memory_space<vmem>> -> memref<1x2000xi32, #tpu.memory_space<vmem>>
    %dma_wait3A_131 = tpu.memref_squeeze %dma_wait3A_130 : memref<1x2000xi32, #tpu.memory_space<vmem>> -> memref<2000xi32, #tpu.memory_space<vmem>>
    %dma_wait3A_132 = tpu.memref_slice %arg3[%add3A_51] : memref<160000xi32, #tpu.memory_space<hbm>> -> memref<2000xi32, #tpu.memory_space<hbm>>
    tpu.wait_dma2 semaphore(%arg18 : memref<!tpu.dma_semaphore, #tpu.memory_space<semaphore_mem>>) src(%dma_wait3A_132 : memref<2000xi32, #tpu.memory_space<hbm>>) dst(%dma_wait3A_131 : memref<2000xi32, #tpu.memory_space<vmem>>)
    %barrier3A = arith.constant 0 : index
    tpu.barrier barrier_id(%barrier3A)
    %dma_wait3A_133 = arith.constant 0 : i32
    %dma_wait3A_134 = tpu.memref_slice %arg2[%mul3A_0, %dma_wait3A_133] : memref<160000x16xf32, #tpu.memory_space<hbm>> -> memref<2000x16xf32, #tpu.memory_space<hbm>>
    %dma_wait3A_135 = arith.constant 0 : i32
    %dma_wait3A_136 = tpu.memref_slice %arg2[%mul3A_0, %dma_wait3A_135] : memref<160000x16xf32, #tpu.memory_space<hbm>> -> memref<2000x16xf32, #tpu.memory_space<hbm>>
    tpu.wait_dma2 semaphore(%arg19 : memref<!tpu.dma_semaphore, #tpu.memory_space<semaphore_mem>>) src(%dma_wait3A_136 : memref<2000x16xf32, #tpu.memory_space<hbm>>) dst(%arg13 : memref<2000x16xf32, #tpu.memory_space<vmem>>)
    %run_scoped3A = arith.constant 0 : i32
    "tpu.region"() ({
      %run_scoped3A_282 = tpu.sem_alloc : memref<!tpu.dma_semaphore, #tpu.memory_space<semaphore_mem>>
      %dma_start3A_283 = arith.constant 0 : i32
      %dma_start3A_284 = tpu.memref_slice %arg10[%run_scoped3A, %dma_start3A_283] : memref<5x2000xi32, #tpu.memory_space<vmem>> -> memref<1x2000xi32, #tpu.memory_space<vmem>>
      %dma_start3A_285 = tpu.memref_squeeze %dma_start3A_284 : memref<1x2000xi32, #tpu.memory_space<vmem>> -> memref<2000xi32, #tpu.memory_space<vmem>>
      %dma_start3A_286 = arith.constant 0 : i32
      %dma_start3A_287 = arith.constant 0 : i32
      %dma_start3A_288 = tpu.memref_slice %arg16[%dma_start3A_286, %dma_start3A_287] : memref<10000x16xf32, #tpu.memory_space<vmem_shared>> -> memref<10000x16xf32, #tpu.memory_space<vmem_shared>>
      tpu.enqueue_indirect_dma source(%arg13 : memref<2000x16xf32, #tpu.memory_space<vmem>>) target(%dma_start3A_288 : memref<10000x16xf32, #tpu.memory_space<vmem_shared>>) offsets(%dma_start3A_285 : memref<2000xi32, #tpu.memory_space<vmem>>) semaphore(%run_scoped3A_282 : memref<!tpu.dma_semaphore, #tpu.memory_space<semaphore_mem>>) {add = true}
      %dma_wait3A_289 = arith.constant 0 : i32
      %dma_wait3A_290 = tpu.memref_slice %arg10[%run_scoped3A, %dma_wait3A_289] : memref<5x2000xi32, #tpu.memory_space<vmem>> -> memref<1x2000xi32, #tpu.memory_space<vmem>>
      %dma_wait3A_291 = tpu.memref_squeeze %dma_wait3A_290 : memref<1x2000xi32, #tpu.memory_space<vmem>> -> memref<2000xi32, #tpu.memory_space<vmem>>
      %dma_wait3A_292 = arith.constant 0 : i32
      %dma_wait3A_293 = arith.constant 0 : i32
      %dma_wait3A_294 = tpu.memref_slice %arg16[%dma_wait3A_292, %dma_wait3A_293] : memref<10000x16xf32, #tpu.memory_space<vmem_shared>> -> memref<10000x16xf32, #tpu.memory_space<vmem_shared>>
      tpu.wait_indirect_dma semaphore(%run_scoped3A_282 : memref<!tpu.dma_semaphore, #tpu.memory_space<semaphore_mem>>) src(%arg13 : memref<2000x16xf32, #tpu.memory_space<vmem>>) dst(%dma_wait3A_294 : memref<10000x16xf32, #tpu.memory_space<vmem_shared>>)
      tpu.yield
    }) : () -> ()
    %add3A_137 = arith.constant 4000 : i32
    %add3A_138 = arith.addi %mul3A_0, %add3A_137 : i32
    %dma_start3A_139 = arith.constant 0 : i32
    %dma_start3A_140 = tpu.memref_slice %arg2[%add3A_138, %dma_start3A_139] : memref<160000x16xf32, #tpu.memory_space<hbm>> -> memref<2000x16xf32, #tpu.memory_space<hbm>>
    %dma_start3A_141 = arith.constant 0 : i32
    %dma_start3A_142 = tpu.memref_slice %arg2[%add3A_138, %dma_start3A_141] : memref<160000x16xf32, #tpu.memory_space<hbm>> -> memref<2000x16xf32, #tpu.memory_space<hbm>>
    tpu.enqueue_dma source(%dma_start3A_142 : memref<2000x16xf32, #tpu.memory_space<hbm>>) target(%arg13 : memref<2000x16xf32, #tpu.memory_space<vmem>>) target_semaphore(%arg19 : memref<!tpu.dma_semaphore, #tpu.memory_space<semaphore_mem>>)
    %dma_wait3A_143 = arith.constant 0 : i32
    %dma_wait3A_144 = arith.constant 0 : i32
    %dma_wait3A_145 = tpu.memref_slice %arg14[%dma_wait3A_143, %dma_wait3A_144] : memref<3000x16xf32, #tpu.memory_space<vmem>> -> memref<2000x16xf32, #tpu.memory_space<vmem>>
    %dma_wait3A_146 = arith.constant 0 : i32
    %dma_wait3A_147 = tpu.memref_slice %arg2[%add3A_72, %dma_wait3A_146] : memref<160000x16xf32, #tpu.memory_space<hbm>> -> memref<2000x16xf32, #tpu.memory_space<hbm>>
    %dma_wait3A_148 = arith.constant 0 : i32
    %dma_wait3A_149 = arith.constant 0 : i32
    %dma_wait3A_150 = tpu.memref_slice %arg14[%dma_wait3A_148, %dma_wait3A_149] : memref<3000x16xf32, #tpu.memory_space<vmem>> -> memref<2000x16xf32, #tpu.memory_space<vmem>>
    %dma_wait3A_151 = arith.constant 0 : i32
    %dma_wait3A_152 = tpu.memref_slice %arg2[%add3A_72, %dma_wait3A_151] : memref<160000x16xf32, #tpu.memory_space<hbm>> -> memref<2000x16xf32, #tpu.memory_space<hbm>>
    tpu.wait_dma2 semaphore(%arg20 : memref<!tpu.dma_semaphore, #tpu.memory_space<semaphore_mem>>) src(%dma_wait3A_152 : memref<2000x16xf32, #tpu.memory_space<hbm>>) dst(%dma_wait3A_150 : memref<2000x16xf32, #tpu.memory_space<vmem>>)
    %run_scoped3A_153 = arith.constant 1 : i32
    "tpu.region"() ({
      %run_scoped3A_282 = tpu.sem_alloc : memref<!tpu.dma_semaphore, #tpu.memory_space<semaphore_mem>>
      %dma_start3A_283 = arith.constant 0 : i32
      %dma_start3A_284 = arith.constant 0 : i32
      %dma_start3A_285 = tpu.memref_slice %arg14[%dma_start3A_283, %dma_start3A_284] : memref<3000x16xf32, #tpu.memory_space<vmem>> -> memref<2000x16xf32, #tpu.memory_space<vmem>>
      %dma_start3A_286 = arith.constant 0 : i32
      %dma_start3A_287 = tpu.memref_slice %arg10[%run_scoped3A_153, %dma_start3A_286] : memref<5x2000xi32, #tpu.memory_space<vmem>> -> memref<1x2000xi32, #tpu.memory_space<vmem>>
      %dma_start3A_288 = tpu.memref_squeeze %dma_start3A_287 : memref<1x2000xi32, #tpu.memory_space<vmem>> -> memref<2000xi32, #tpu.memory_space<vmem>>
      %dma_start3A_289 = arith.constant 0 : i32
      %dma_start3A_290 = arith.constant 0 : i32
      %dma_start3A_291 = tpu.memref_slice %arg16[%dma_start3A_289, %dma_start3A_290] : memref<10000x16xf32, #tpu.memory_space<vmem_shared>> -> memref<10000x16xf32, #tpu.memory_space<vmem_shared>>
      tpu.enqueue_indirect_dma source(%dma_start3A_285 : memref<2000x16xf32, #tpu.memory_space<vmem>>) target(%dma_start3A_291 : memref<10000x16xf32, #tpu.memory_space<vmem_shared>>) offsets(%dma_start3A_288 : memref<2000xi32, #tpu.memory_space<vmem>>) semaphore(%run_scoped3A_282 : memref<!tpu.dma_semaphore, #tpu.memory_space<semaphore_mem>>) {add = true}
      %dma_wait3A_292 = arith.constant 0 : i32
      %dma_wait3A_293 = arith.constant 0 : i32
      %dma_wait3A_294 = tpu.memref_slice %arg14[%dma_wait3A_292, %dma_wait3A_293] : memref<3000x16xf32, #tpu.memory_space<vmem>> -> memref<2000x16xf32, #tpu.memory_space<vmem>>
      %dma_wait3A_295 = arith.constant 0 : i32
      %dma_wait3A_296 = tpu.memref_slice %arg10[%run_scoped3A_153, %dma_wait3A_295] : memref<5x2000xi32, #tpu.memory_space<vmem>> -> memref<1x2000xi32, #tpu.memory_space<vmem>>
      %dma_wait3A_297 = tpu.memref_squeeze %dma_wait3A_296 : memref<1x2000xi32, #tpu.memory_space<vmem>> -> memref<2000xi32, #tpu.memory_space<vmem>>
      %dma_wait3A_298 = arith.constant 0 : i32
      %dma_wait3A_299 = arith.constant 0 : i32
      %dma_wait3A_300 = tpu.memref_slice %arg16[%dma_wait3A_298, %dma_wait3A_299] : memref<10000x16xf32, #tpu.memory_space<vmem_shared>> -> memref<10000x16xf32, #tpu.memory_space<vmem_shared>>
      tpu.wait_indirect_dma semaphore(%run_scoped3A_282 : memref<!tpu.dma_semaphore, #tpu.memory_space<semaphore_mem>>) src(%dma_wait3A_294 : memref<2000x16xf32, #tpu.memory_space<vmem>>) dst(%dma_wait3A_300 : memref<10000x16xf32, #tpu.memory_space<vmem_shared>>)
      tpu.yield
    }) : () -> ()
    %add3A_154 = arith.constant 6000 : i32
    %add3A_155 = arith.addi %mul3A_0, %add3A_154 : i32
    %dma_start3A_156 = arith.constant 0 : i32
    %dma_start3A_157 = arith.constant 0 : i32
    %dma_start3A_158 = tpu.memref_slice %arg14[%dma_start3A_156, %dma_start3A_157] : memref<3000x16xf32, #tpu.memory_space<vmem>> -> memref<2000x16xf32, #tpu.memory_space<vmem>>
    %dma_start3A_159 = arith.constant 0 : i32
    %dma_start3A_160 = tpu.memref_slice %arg2[%add3A_155, %dma_start3A_159] : memref<160000x16xf32, #tpu.memory_space<hbm>> -> memref<2000x16xf32, #tpu.memory_space<hbm>>
    %dma_start3A_161 = arith.constant 0 : i32
    %dma_start3A_162 = arith.constant 0 : i32
    %dma_start3A_163 = tpu.memref_slice %arg14[%dma_start3A_161, %dma_start3A_162] : memref<3000x16xf32, #tpu.memory_space<vmem>> -> memref<2000x16xf32, #tpu.memory_space<vmem>>
    %dma_start3A_164 = arith.constant 0 : i32
    %dma_start3A_165 = tpu.memref_slice %arg2[%add3A_155, %dma_start3A_164] : memref<160000x16xf32, #tpu.memory_space<hbm>> -> memref<2000x16xf32, #tpu.memory_space<hbm>>
    tpu.enqueue_dma source(%dma_start3A_165 : memref<2000x16xf32, #tpu.memory_space<hbm>>) target(%dma_start3A_163 : memref<2000x16xf32, #tpu.memory_space<vmem>>) target_semaphore(%arg20 : memref<!tpu.dma_semaphore, #tpu.memory_space<semaphore_mem>>)
    %dma_wait3A_166 = arith.constant 0 : i32
    %dma_wait3A_167 = tpu.memref_slice %arg2[%add3A_138, %dma_wait3A_166] : memref<160000x16xf32, #tpu.memory_space<hbm>> -> memref<2000x16xf32, #tpu.memory_space<hbm>>
    %dma_wait3A_168 = arith.constant 0 : i32
    %dma_wait3A_169 = tpu.memref_slice %arg2[%add3A_138, %dma_wait3A_168] : memref<160000x16xf32, #tpu.memory_space<hbm>> -> memref<2000x16xf32, #tpu.memory_space<hbm>>
    tpu.wait_dma2 semaphore(%arg19 : memref<!tpu.dma_semaphore, #tpu.memory_space<semaphore_mem>>) src(%dma_wait3A_169 : memref<2000x16xf32, #tpu.memory_space<hbm>>) dst(%arg13 : memref<2000x16xf32, #tpu.memory_space<vmem>>)
    %run_scoped3A_170 = arith.constant 2 : i32
    "tpu.region"() ({
      %run_scoped3A_282 = tpu.sem_alloc : memref<!tpu.dma_semaphore, #tpu.memory_space<semaphore_mem>>
      %dma_start3A_283 = arith.constant 0 : i32
      %dma_start3A_284 = tpu.memref_slice %arg10[%run_scoped3A_170, %dma_start3A_283] : memref<5x2000xi32, #tpu.memory_space<vmem>> -> memref<1x2000xi32, #tpu.memory_space<vmem>>
      %dma_start3A_285 = tpu.memref_squeeze %dma_start3A_284 : memref<1x2000xi32, #tpu.memory_space<vmem>> -> memref<2000xi32, #tpu.memory_space<vmem>>
      %dma_start3A_286 = arith.constant 0 : i32
      %dma_start3A_287 = arith.constant 0 : i32
      %dma_start3A_288 = tpu.memref_slice %arg16[%dma_start3A_286, %dma_start3A_287] : memref<10000x16xf32, #tpu.memory_space<vmem_shared>> -> memref<10000x16xf32, #tpu.memory_space<vmem_shared>>
      tpu.enqueue_indirect_dma source(%arg13 : memref<2000x16xf32, #tpu.memory_space<vmem>>) target(%dma_start3A_288 : memref<10000x16xf32, #tpu.memory_space<vmem_shared>>) offsets(%dma_start3A_285 : memref<2000xi32, #tpu.memory_space<vmem>>) semaphore(%run_scoped3A_282 : memref<!tpu.dma_semaphore, #tpu.memory_space<semaphore_mem>>) {add = true}
      %dma_wait3A_289 = arith.constant 0 : i32
      %dma_wait3A_290 = tpu.memref_slice %arg10[%run_scoped3A_170, %dma_wait3A_289] : memref<5x2000xi32, #tpu.memory_space<vmem>> -> memref<1x2000xi32, #tpu.memory_space<vmem>>
      %dma_wait3A_291 = tpu.memref_squeeze %dma_wait3A_290 : memref<1x2000xi32, #tpu.memory_space<vmem>> -> memref<2000xi32, #tpu.memory_space<vmem>>
      %dma_wait3A_292 = arith.constant 0 : i32
      %dma_wait3A_293 = arith.constant 0 : i32
      %dma_wait3A_294 = tpu.memref_slice %arg16[%dma_wait3A_292, %dma_wait3A_293] : memref<10000x16xf32, #tpu.memory_space<vmem_shared>> -> memref<10000x16xf32, #tpu.memory_space<vmem_shared>>
      tpu.wait_indirect_dma semaphore(%run_scoped3A_282 : memref<!tpu.dma_semaphore, #tpu.memory_space<semaphore_mem>>) src(%arg13 : memref<2000x16xf32, #tpu.memory_space<vmem>>) dst(%dma_wait3A_294 : memref<10000x16xf32, #tpu.memory_space<vmem_shared>>)
      tpu.yield
    }) : () -> ()
    %add3A_171 = arith.constant 8000 : i32
    %add3A_172 = arith.addi %mul3A_0, %add3A_171 : i32
    %dma_start3A_173 = arith.constant 0 : i32
    %dma_start3A_174 = tpu.memref_slice %arg2[%add3A_172, %dma_start3A_173] : memref<160000x16xf32, #tpu.memory_space<hbm>> -> memref<2000x16xf32, #tpu.memory_space<hbm>>
    %dma_start3A_175 = arith.constant 0 : i32
    %dma_start3A_176 = tpu.memref_slice %arg2[%add3A_172, %dma_start3A_175] : memref<160000x16xf32, #tpu.memory_space<hbm>> -> memref<2000x16xf32, #tpu.memory_space<hbm>>
    tpu.enqueue_dma source(%dma_start3A_176 : memref<2000x16xf32, #tpu.memory_space<hbm>>) target(%arg13 : memref<2000x16xf32, #tpu.memory_space<vmem>>) target_semaphore(%arg19 : memref<!tpu.dma_semaphore, #tpu.memory_space<semaphore_mem>>)
    %dma_wait3A_177 = arith.constant 0 : i32
    %dma_wait3A_178 = arith.constant 0 : i32
    %dma_wait3A_179 = tpu.memref_slice %arg14[%dma_wait3A_177, %dma_wait3A_178] : memref<3000x16xf32, #tpu.memory_space<vmem>> -> memref<2000x16xf32, #tpu.memory_space<vmem>>
    %dma_wait3A_180 = arith.constant 0 : i32
    %dma_wait3A_181 = tpu.memref_slice %arg2[%add3A_155, %dma_wait3A_180] : memref<160000x16xf32, #tpu.memory_space<hbm>> -> memref<2000x16xf32, #tpu.memory_space<hbm>>
    %dma_wait3A_182 = arith.constant 0 : i32
    %dma_wait3A_183 = arith.constant 0 : i32
    %dma_wait3A_184 = tpu.memref_slice %arg14[%dma_wait3A_182, %dma_wait3A_183] : memref<3000x16xf32, #tpu.memory_space<vmem>> -> memref<2000x16xf32, #tpu.memory_space<vmem>>
    %dma_wait3A_185 = arith.constant 0 : i32
    %dma_wait3A_186 = tpu.memref_slice %arg2[%add3A_155, %dma_wait3A_185] : memref<160000x16xf32, #tpu.memory_space<hbm>> -> memref<2000x16xf32, #tpu.memory_space<hbm>>
    tpu.wait_dma2 semaphore(%arg20 : memref<!tpu.dma_semaphore, #tpu.memory_space<semaphore_mem>>) src(%dma_wait3A_186 : memref<2000x16xf32, #tpu.memory_space<hbm>>) dst(%dma_wait3A_184 : memref<2000x16xf32, #tpu.memory_space<vmem>>)
    %run_scoped3A_187 = arith.constant 3 : i32
    "tpu.region"() ({
      %run_scoped3A_282 = tpu.sem_alloc : memref<!tpu.dma_semaphore, #tpu.memory_space<semaphore_mem>>
      %dma_start3A_283 = arith.constant 0 : i32
      %dma_start3A_284 = arith.constant 0 : i32
      %dma_start3A_285 = tpu.memref_slice %arg14[%dma_start3A_283, %dma_start3A_284] : memref<3000x16xf32, #tpu.memory_space<vmem>> -> memref<2000x16xf32, #tpu.memory_space<vmem>>
      %dma_start3A_286 = arith.constant 0 : i32
      %dma_start3A_287 = tpu.memref_slice %arg10[%run_scoped3A_187, %dma_start3A_286] : memref<5x2000xi32, #tpu.memory_space<vmem>> -> memref<1x2000xi32, #tpu.memory_space<vmem>>
      %dma_start3A_288 = tpu.memref_squeeze %dma_start3A_287 : memref<1x2000xi32, #tpu.memory_space<vmem>> -> memref<2000xi32, #tpu.memory_space<vmem>>
      %dma_start3A_289 = arith.constant 0 : i32
      %dma_start3A_290 = arith.constant 0 : i32
      %dma_start3A_291 = tpu.memref_slice %arg16[%dma_start3A_289, %dma_start3A_290] : memref<10000x16xf32, #tpu.memory_space<vmem_shared>> -> memref<10000x16xf32, #tpu.memory_space<vmem_shared>>
      tpu.enqueue_indirect_dma source(%dma_start3A_285 : memref<2000x16xf32, #tpu.memory_space<vmem>>) target(%dma_start3A_291 : memref<10000x16xf32, #tpu.memory_space<vmem_shared>>) offsets(%dma_start3A_288 : memref<2000xi32, #tpu.memory_space<vmem>>) semaphore(%run_scoped3A_282 : memref<!tpu.dma_semaphore, #tpu.memory_space<semaphore_mem>>) {add = true}
      %dma_wait3A_292 = arith.constant 0 : i32
      %dma_wait3A_293 = arith.constant 0 : i32
      %dma_wait3A_294 = tpu.memref_slice %arg14[%dma_wait3A_292, %dma_wait3A_293] : memref<3000x16xf32, #tpu.memory_space<vmem>> -> memref<2000x16xf32, #tpu.memory_space<vmem>>
      %dma_wait3A_295 = arith.constant 0 : i32
      %dma_wait3A_296 = tpu.memref_slice %arg10[%run_scoped3A_187, %dma_wait3A_295] : memref<5x2000xi32, #tpu.memory_space<vmem>> -> memref<1x2000xi32, #tpu.memory_space<vmem>>
      %dma_wait3A_297 = tpu.memref_squeeze %dma_wait3A_296 : memref<1x2000xi32, #tpu.memory_space<vmem>> -> memref<2000xi32, #tpu.memory_space<vmem>>
      %dma_wait3A_298 = arith.constant 0 : i32
      %dma_wait3A_299 = arith.constant 0 : i32
      %dma_wait3A_300 = tpu.memref_slice %arg16[%dma_wait3A_298, %dma_wait3A_299] : memref<10000x16xf32, #tpu.memory_space<vmem_shared>> -> memref<10000x16xf32, #tpu.memory_space<vmem_shared>>
      tpu.wait_indirect_dma semaphore(%run_scoped3A_282 : memref<!tpu.dma_semaphore, #tpu.memory_space<semaphore_mem>>) src(%dma_wait3A_294 : memref<2000x16xf32, #tpu.memory_space<vmem>>) dst(%dma_wait3A_300 : memref<10000x16xf32, #tpu.memory_space<vmem_shared>>)
      tpu.yield
    }) : () -> ()
    %dma_wait3A_188 = arith.constant 0 : i32
    %dma_wait3A_189 = tpu.memref_slice %arg2[%add3A_172, %dma_wait3A_188] : memref<160000x16xf32, #tpu.memory_space<hbm>> -> memref<2000x16xf32, #tpu.memory_space<hbm>>
    %dma_wait3A_190 = arith.constant 0 : i32
    %dma_wait3A_191 = tpu.memref_slice %arg2[%add3A_172, %dma_wait3A_190] : memref<160000x16xf32, #tpu.memory_space<hbm>> -> memref<2000x16xf32, #tpu.memory_space<hbm>>
    tpu.wait_dma2 semaphore(%arg19 : memref<!tpu.dma_semaphore, #tpu.memory_space<semaphore_mem>>) src(%dma_wait3A_191 : memref<2000x16xf32, #tpu.memory_space<hbm>>) dst(%arg13 : memref<2000x16xf32, #tpu.memory_space<vmem>>)
    %run_scoped3A_192 = arith.constant 4 : i32
    "tpu.region"() ({
      %run_scoped3A_282 = tpu.sem_alloc : memref<!tpu.dma_semaphore, #tpu.memory_space<semaphore_mem>>
      %dma_start3A_283 = arith.constant 0 : i32
      %dma_start3A_284 = tpu.memref_slice %arg10[%run_scoped3A_192, %dma_start3A_283] : memref<5x2000xi32, #tpu.memory_space<vmem>> -> memref<1x2000xi32, #tpu.memory_space<vmem>>
      %dma_start3A_285 = tpu.memref_squeeze %dma_start3A_284 : memref<1x2000xi32, #tpu.memory_space<vmem>> -> memref<2000xi32, #tpu.memory_space<vmem>>
      %dma_start3A_286 = arith.constant 0 : i32
      %dma_start3A_287 = arith.constant 0 : i32
      %dma_start3A_288 = tpu.memref_slice %arg16[%dma_start3A_286, %dma_start3A_287] : memref<10000x16xf32, #tpu.memory_space<vmem_shared>> -> memref<10000x16xf32, #tpu.memory_space<vmem_shared>>
      tpu.enqueue_indirect_dma source(%arg13 : memref<2000x16xf32, #tpu.memory_space<vmem>>) target(%dma_start3A_288 : memref<10000x16xf32, #tpu.memory_space<vmem_shared>>) offsets(%dma_start3A_285 : memref<2000xi32, #tpu.memory_space<vmem>>) semaphore(%run_scoped3A_282 : memref<!tpu.dma_semaphore, #tpu.memory_space<semaphore_mem>>) {add = true}
      %dma_wait3A_289 = arith.constant 0 : i32
      %dma_wait3A_290 = tpu.memref_slice %arg10[%run_scoped3A_192, %dma_wait3A_289] : memref<5x2000xi32, #tpu.memory_space<vmem>> -> memref<1x2000xi32, #tpu.memory_space<vmem>>
      %dma_wait3A_291 = tpu.memref_squeeze %dma_wait3A_290 : memref<1x2000xi32, #tpu.memory_space<vmem>> -> memref<2000xi32, #tpu.memory_space<vmem>>
      %dma_wait3A_292 = arith.constant 0 : i32
      %dma_wait3A_293 = arith.constant 0 : i32
      %dma_wait3A_294 = tpu.memref_slice %arg16[%dma_wait3A_292, %dma_wait3A_293] : memref<10000x16xf32, #tpu.memory_space<vmem_shared>> -> memref<10000x16xf32, #tpu.memory_space<vmem_shared>>
      tpu.wait_indirect_dma semaphore(%run_scoped3A_282 : memref<!tpu.dma_semaphore, #tpu.memory_space<semaphore_mem>>) src(%arg13 : memref<2000x16xf32, #tpu.memory_space<vmem>>) dst(%dma_wait3A_294 : memref<10000x16xf32, #tpu.memory_space<vmem_shared>>)
      tpu.yield
    }) : () -> ()
    %barrier3A_193 = arith.constant 0 : index
    tpu.barrier barrier_id(%barrier3A_193)
    %dma_start3A_194 = arith.constant 0 : i32
    %dma_start3A_195 = arith.constant 0 : i32
    %dma_start3A_196 = tpu.memref_slice %arg13[%dma_start3A_194, %dma_start3A_195] : memref<2000x16xf32, #tpu.memory_space<vmem>> -> memref<625x16xf32, #tpu.memory_space<vmem>>
    %dma_start3A_197 = arith.constant 0 : i32
    %dma_start3A_198 = tpu.memref_slice %arg5[%mul3A_2, %dma_start3A_197] : memref<10000x16xf32, #tpu.memory_space<hbm>> -> memref<625x16xf32, #tpu.memory_space<hbm>>
    %dma_start3A_199 = arith.constant 0 : i32
    %dma_start3A_200 = arith.constant 0 : i32
    %dma_start3A_201 = tpu.memref_slice %arg13[%dma_start3A_199, %dma_start3A_200] : memref<2000x16xf32, #tpu.memory_space<vmem>> -> memref<625x16xf32, #tpu.memory_space<vmem>>
    %dma_start3A_202 = arith.constant 0 : i32
    %dma_start3A_203 = tpu.memref_slice %arg5[%mul3A_2, %dma_start3A_202] : memref<10000x16xf32, #tpu.memory_space<hbm>> -> memref<625x16xf32, #tpu.memory_space<hbm>>
    tpu.enqueue_dma source(%dma_start3A_203 : memref<625x16xf32, #tpu.memory_space<hbm>>) target(%dma_start3A_201 : memref<625x16xf32, #tpu.memory_space<vmem>>) target_semaphore(%arg19 : memref<!tpu.dma_semaphore, #tpu.memory_space<semaphore_mem>>)
    %dma_start3A_204 = arith.constant 625 : i32
    %dma_start3A_205 = arith.constant 0 : i32
    %dma_start3A_206 = tpu.memref_slice %arg13[%dma_start3A_204, %dma_start3A_205] : memref<2000x16xf32, #tpu.memory_space<vmem>> -> memref<625x16xf32, #tpu.memory_space<vmem>>
    %dma_start3A_207 = arith.constant 0 : i32
    %dma_start3A_208 = tpu.memref_slice %arg6[%mul3A_2, %dma_start3A_207] : memref<10000x16xf32, #tpu.memory_space<hbm>> -> memref<625x16xf32, #tpu.memory_space<hbm>>
    %dma_start3A_209 = arith.constant 625 : i32
    %dma_start3A_210 = arith.constant 0 : i32
    %dma_start3A_211 = tpu.memref_slice %arg13[%dma_start3A_209, %dma_start3A_210] : memref<2000x16xf32, #tpu.memory_space<vmem>> -> memref<625x16xf32, #tpu.memory_space<vmem>>
    %dma_start3A_212 = arith.constant 0 : i32
    %dma_start3A_213 = tpu.memref_slice %arg6[%mul3A_2, %dma_start3A_212] : memref<10000x16xf32, #tpu.memory_space<hbm>> -> memref<625x16xf32, #tpu.memory_space<hbm>>
    tpu.enqueue_dma source(%dma_start3A_213 : memref<625x16xf32, #tpu.memory_space<hbm>>) target(%dma_start3A_211 : memref<625x16xf32, #tpu.memory_space<vmem>>) target_semaphore(%arg20 : memref<!tpu.dma_semaphore, #tpu.memory_space<semaphore_mem>>)
    %dma_start3A_214 = arith.constant 1250 : i32
    %dma_start3A_215 = arith.constant 0 : i32
    %dma_start3A_216 = tpu.memref_slice %arg13[%dma_start3A_214, %dma_start3A_215] : memref<2000x16xf32, #tpu.memory_space<vmem>> -> memref<625x16xf32, #tpu.memory_space<vmem>>
    %dma_start3A_217 = arith.constant 0 : i32
    %dma_start3A_218 = tpu.memref_slice %arg7[%mul3A_2, %dma_start3A_217] : memref<10000x16xf32, #tpu.memory_space<hbm>> -> memref<625x16xf32, #tpu.memory_space<hbm>>
    %dma_start3A_219 = arith.constant 1250 : i32
    %dma_start3A_220 = arith.constant 0 : i32
    %dma_start3A_221 = tpu.memref_slice %arg13[%dma_start3A_219, %dma_start3A_220] : memref<2000x16xf32, #tpu.memory_space<vmem>> -> memref<625x16xf32, #tpu.memory_space<vmem>>
    %dma_start3A_222 = arith.constant 0 : i32
    %dma_start3A_223 = tpu.memref_slice %arg7[%mul3A_2, %dma_start3A_222] : memref<10000x16xf32, #tpu.memory_space<hbm>> -> memref<625x16xf32, #tpu.memory_space<hbm>>
    tpu.enqueue_dma source(%dma_start3A_223 : memref<625x16xf32, #tpu.memory_space<hbm>>) target(%dma_start3A_221 : memref<625x16xf32, #tpu.memory_space<vmem>>) target_semaphore(%arg18 : memref<!tpu.dma_semaphore, #tpu.memory_space<semaphore_mem>>)
    "tpu.region"() ({
      %run_scoped3A_282 = tpu.sem_alloc : memref<!tpu.dma_semaphore, #tpu.memory_space<semaphore_mem>>
      %dma_start3A_283 = arith.constant 0 : i32
      %dma_start3A_284 = arith.constant 0 : i32
      %dma_start3A_285 = tpu.memref_slice %arg14[%dma_start3A_283, %dma_start3A_284] : memref<3000x16xf32, #tpu.memory_space<vmem>> -> memref<625x16xf32, #tpu.memory_space<vmem>>
      %dma_start3A_286 = arith.constant 0 : i32
      %dma_start3A_287 = tpu.memref_slice %arg16[%mul3A_2, %dma_start3A_286] : memref<10000x16xf32, #tpu.memory_space<vmem_shared>> -> memref<625x16xf32, #tpu.memory_space<vmem_shared>>
      %dma_start3A_288 = arith.constant 0 : i32
      %dma_start3A_289 = arith.constant 0 : i32
      %dma_start3A_290 = tpu.memref_slice %arg14[%dma_start3A_288, %dma_start3A_289] : memref<3000x16xf32, #tpu.memory_space<vmem>> -> memref<625x16xf32, #tpu.memory_space<vmem>>
      %dma_start3A_291 = arith.constant 0 : i32
      %dma_start3A_292 = tpu.memref_slice %arg16[%mul3A_2, %dma_start3A_291] : memref<10000x16xf32, #tpu.memory_space<vmem_shared>> -> memref<625x16xf32, #tpu.memory_space<vmem_shared>>
      tpu.enqueue_dma source(%dma_start3A_292 : memref<625x16xf32, #tpu.memory_space<vmem_shared>>) target(%dma_start3A_290 : memref<625x16xf32, #tpu.memory_space<vmem>>) target_semaphore(%run_scoped3A_282 : memref<!tpu.dma_semaphore, #tpu.memory_space<semaphore_mem>>)
      %dma_wait3A_293 = arith.constant 0 : i32
      %dma_wait3A_294 = arith.constant 0 : i32
      %dma_wait3A_295 = tpu.memref_slice %arg14[%dma_wait3A_293, %dma_wait3A_294] : memref<3000x16xf32, #tpu.memory_space<vmem>> -> memref<625x16xf32, #tpu.memory_space<vmem>>
      %dma_wait3A_296 = arith.constant 0 : i32
      %dma_wait3A_297 = tpu.memref_slice %arg16[%mul3A_2, %dma_wait3A_296] : memref<10000x16xf32, #tpu.memory_space<vmem_shared>> -> memref<625x16xf32, #tpu.memory_space<vmem_shared>>
      %dma_wait3A_298 = arith.constant 0 : i32
      %dma_wait3A_299 = arith.constant 0 : i32
      %dma_wait3A_300 = tpu.memref_slice %arg14[%dma_wait3A_298, %dma_wait3A_299] : memref<3000x16xf32, #tpu.memory_space<vmem>> -> memref<625x16xf32, #tpu.memory_space<vmem>>
      %dma_wait3A_301 = arith.constant 0 : i32
      %dma_wait3A_302 = tpu.memref_slice %arg16[%mul3A_2, %dma_wait3A_301] : memref<10000x16xf32, #tpu.memory_space<vmem_shared>> -> memref<625x16xf32, #tpu.memory_space<vmem_shared>>
      tpu.wait_dma2 semaphore(%run_scoped3A_282 : memref<!tpu.dma_semaphore, #tpu.memory_space<semaphore_mem>>) src(%dma_wait3A_302 : memref<625x16xf32, #tpu.memory_space<vmem_shared>>) dst(%dma_wait3A_300 : memref<625x16xf32, #tpu.memory_space<vmem>>)
      tpu.yield
    }) : () -> ()
    %dma_wait3A_224 = arith.constant 0 : i32
    %dma_wait3A_225 = arith.constant 0 : i32
    %dma_wait3A_226 = tpu.memref_slice %arg13[%dma_wait3A_224, %dma_wait3A_225] : memref<2000x16xf32, #tpu.memory_space<vmem>> -> memref<625x16xf32, #tpu.memory_space<vmem>>
    %dma_wait3A_227 = arith.constant 0 : i32
    %dma_wait3A_228 = tpu.memref_slice %arg5[%mul3A_2, %dma_wait3A_227] : memref<10000x16xf32, #tpu.memory_space<hbm>> -> memref<625x16xf32, #tpu.memory_space<hbm>>
    %dma_wait3A_229 = arith.constant 0 : i32
    %dma_wait3A_230 = arith.constant 0 : i32
    %dma_wait3A_231 = tpu.memref_slice %arg13[%dma_wait3A_229, %dma_wait3A_230] : memref<2000x16xf32, #tpu.memory_space<vmem>> -> memref<625x16xf32, #tpu.memory_space<vmem>>
    %dma_wait3A_232 = arith.constant 0 : i32
    %dma_wait3A_233 = tpu.memref_slice %arg5[%mul3A_2, %dma_wait3A_232] : memref<10000x16xf32, #tpu.memory_space<hbm>> -> memref<625x16xf32, #tpu.memory_space<hbm>>
    tpu.wait_dma2 semaphore(%arg19 : memref<!tpu.dma_semaphore, #tpu.memory_space<semaphore_mem>>) src(%dma_wait3A_233 : memref<625x16xf32, #tpu.memory_space<hbm>>) dst(%dma_wait3A_231 : memref<625x16xf32, #tpu.memory_space<vmem>>)
    %dma_wait3A_234 = arith.constant 625 : i32
    %dma_wait3A_235 = arith.constant 0 : i32
    %dma_wait3A_236 = tpu.memref_slice %arg13[%dma_wait3A_234, %dma_wait3A_235] : memref<2000x16xf32, #tpu.memory_space<vmem>> -> memref<625x16xf32, #tpu.memory_space<vmem>>
    %dma_wait3A_237 = arith.constant 0 : i32
    %dma_wait3A_238 = tpu.memref_slice %arg6[%mul3A_2, %dma_wait3A_237] : memref<10000x16xf32, #tpu.memory_space<hbm>> -> memref<625x16xf32, #tpu.memory_space<hbm>>
    %dma_wait3A_239 = arith.constant 625 : i32
    %dma_wait3A_240 = arith.constant 0 : i32
    %dma_wait3A_241 = tpu.memref_slice %arg13[%dma_wait3A_239, %dma_wait3A_240] : memref<2000x16xf32, #tpu.memory_space<vmem>> -> memref<625x16xf32, #tpu.memory_space<vmem>>
    %dma_wait3A_242 = arith.constant 0 : i32
    %dma_wait3A_243 = tpu.memref_slice %arg6[%mul3A_2, %dma_wait3A_242] : memref<10000x16xf32, #tpu.memory_space<hbm>> -> memref<625x16xf32, #tpu.memory_space<hbm>>
    tpu.wait_dma2 semaphore(%arg20 : memref<!tpu.dma_semaphore, #tpu.memory_space<semaphore_mem>>) src(%dma_wait3A_243 : memref<625x16xf32, #tpu.memory_space<hbm>>) dst(%dma_wait3A_241 : memref<625x16xf32, #tpu.memory_space<vmem>>)
    %dma_wait3A_244 = arith.constant 1250 : i32
    %dma_wait3A_245 = arith.constant 0 : i32
    %dma_wait3A_246 = tpu.memref_slice %arg13[%dma_wait3A_244, %dma_wait3A_245] : memref<2000x16xf32, #tpu.memory_space<vmem>> -> memref<625x16xf32, #tpu.memory_space<vmem>>
    %dma_wait3A_247 = arith.constant 0 : i32
    %dma_wait3A_248 = tpu.memref_slice %arg7[%mul3A_2, %dma_wait3A_247] : memref<10000x16xf32, #tpu.memory_space<hbm>> -> memref<625x16xf32, #tpu.memory_space<hbm>>
    %dma_wait3A_249 = arith.constant 1250 : i32
    %dma_wait3A_250 = arith.constant 0 : i32
    %dma_wait3A_251 = tpu.memref_slice %arg13[%dma_wait3A_249, %dma_wait3A_250] : memref<2000x16xf32, #tpu.memory_space<vmem>> -> memref<625x16xf32, #tpu.memory_space<vmem>>
    %dma_wait3A_252 = arith.constant 0 : i32
    %dma_wait3A_253 = tpu.memref_slice %arg7[%mul3A_2, %dma_wait3A_252] : memref<10000x16xf32, #tpu.memory_space<hbm>> -> memref<625x16xf32, #tpu.memory_space<hbm>>
    tpu.wait_dma2 semaphore(%arg18 : memref<!tpu.dma_semaphore, #tpu.memory_space<semaphore_mem>>) src(%dma_wait3A_253 : memref<625x16xf32, #tpu.memory_space<hbm>>) dst(%dma_wait3A_251 : memref<625x16xf32, #tpu.memory_space<vmem>>)
    %scan3A_254 = arith.constant 0 : i32
    %scan3A_255 = arith.constant 0 : i32
    %scan3A_256 = arith.constant 625 : i32
    %scan3A_257 = arith.addi %scan3A_255, %scan3A_256 : i32
    %scan3A_258 = arith.constant 1 : i32
    %scan3A_259 = scf.for %scan3A_282 = %scan3A_255 to %scan3A_257 step %scan3A_258 iter_args(%scan3A_283 = %scan3A_254) -> (i32)  : i32 {
      %get3A = arith.index_cast %scan3A_282 : i32 to index
      %get3A_284 = arith.constant 0 : index
      %get3A_285 = tpu.vector_load %arg14[%get3A, %get3A_284] {strides = array<i32>} : memref<3000x16xf32, #tpu.memory_space<vmem>>, vector<1x16xf32>,
      %get3A_286 = vector.shape_cast %get3A_285 : vector<1x16xf32> to vector<16xf32>
      %add3A_287 = arith.constant 625 : i32
      %add3A_288 = arith.addi %add3A_287, %scan3A_282 : i32
      %get3A_289 = arith.index_cast %add3A_288 : i32 to index
      %get3A_290 = arith.constant 0 : index
      %get3A_291 = tpu.vector_load %arg13[%get3A_289, %get3A_290] {strides = array<i32>} : memref<2000x16xf32, #tpu.memory_space<vmem>>, vector<1x16xf32>,
      %get3A_292 = vector.shape_cast %get3A_291 : vector<1x16xf32> to vector<16xf32>
      %add3A_293 = arith.addf %get3A_286, %get3A_292 : vector<16xf32>
      %max3A = arith.constant 0.000000e+00 : f32
      %max3A_294 = vector.broadcast %max3A : f32 to vector<16xf32>
      %max3A_295 = arith.maximumf %add3A_293, %max3A_294 : vector<16xf32>
      %add3A_296 = arith.constant 1250 : i32
      %add3A_297 = arith.addi %add3A_296, %scan3A_282 : i32
      %get3A_298 = arith.index_cast %add3A_297 : i32 to index
      %get3A_299 = arith.constant 0 : index
      %get3A_300 = tpu.vector_load %arg13[%get3A_298, %get3A_299] {strides = array<i32>} : memref<2000x16xf32, #tpu.memory_space<vmem>>, vector<1x16xf32>,
      %get3A_301 = vector.shape_cast %get3A_300 : vector<1x16xf32> to vector<16xf32>
      %add3A_302 = arith.addf %max3A_295, %get3A_301 : vector<16xf32>
      %get3A_303 = arith.index_cast %scan3A_282 : i32 to index
      %get3A_304 = arith.constant 0 : index
      %get3A_305 = tpu.vector_load %arg13[%get3A_303, %get3A_304] {strides = array<i32>} : memref<2000x16xf32, #tpu.memory_space<vmem>>, vector<1x16xf32>,
      %get3A_306 = vector.shape_cast %get3A_305 : vector<1x16xf32> to vector<16xf32>
      %add3A_307 = arith.addf %add3A_302, %get3A_306 : vector<16xf32>
      %add3A_308 = arith.constant 625 : i32
      %add3A_309 = arith.addi %add3A_308, %scan3A_282 : i32
      %swap3A = arith.index_cast %add3A_309 : i32 to index
      %swap3A_310 = arith.constant 0 : index
      %swap3A_311 = tpu.vector_load %arg14[%swap3A, %swap3A_310] {strides = array<i32>} : memref<3000x16xf32, #tpu.memory_space<vmem>>, vector<1x16xf32>,
      %swap3A_312 = vector.shape_cast %swap3A_311 : vector<1x16xf32> to vector<16xf32>
      %swap3A_313 = vector.shape_cast %add3A_307 : vector<16xf32> to vector<1x16xf32>
      tpu.vector_store %arg14[%swap3A, %swap3A_310], %swap3A_313 {strides = array<i32>} : memref<3000x16xf32, #tpu.memory_space<vmem>>, vector<1x16xf32>,
      %scan3A_314 = arith.constant 0 : i32
      scf.yield %scan3A_314 : i32
    }
    %scan3A_260 = arith.constant 625 : i32
    "tpu.region"() ({
      %run_scoped3A_282 = tpu.sem_alloc : memref<!tpu.dma_semaphore, #tpu.memory_space<semaphore_mem>>
      %dma_start3A_283 = arith.constant 625 : i32
      %dma_start3A_284 = arith.constant 0 : i32
      %dma_start3A_285 = tpu.memref_slice %arg14[%dma_start3A_283, %dma_start3A_284] : memref<3000x16xf32, #tpu.memory_space<vmem>> -> memref<625x16xf32, #tpu.memory_space<vmem>>
      %dma_start3A_286 = arith.constant 0 : i32
      %dma_start3A_287 = tpu.memref_slice %arg17[%mul3A_2, %dma_start3A_286] : memref<10000x16xf32, #tpu.memory_space<vmem_shared>> -> memref<625x16xf32, #tpu.memory_space<vmem_shared>>
      %dma_start3A_288 = arith.constant 0 : i32
      %dma_start3A_289 = tpu.memref_slice %arg17[%mul3A_2, %dma_start3A_288] : memref<10000x16xf32, #tpu.memory_space<vmem_shared>> -> memref<625x16xf32, #tpu.memory_space<vmem_shared>>
      %dma_start3A_290 = arith.constant 625 : i32
      %dma_start3A_291 = arith.constant 0 : i32
      %dma_start3A_292 = tpu.memref_slice %arg14[%dma_start3A_290, %dma_start3A_291] : memref<3000x16xf32, #tpu.memory_space<vmem>> -> memref<625x16xf32, #tpu.memory_space<vmem>>
      tpu.enqueue_dma source(%dma_start3A_292 : memref<625x16xf32, #tpu.memory_space<vmem>>) target(%dma_start3A_289 : memref<625x16xf32, #tpu.memory_space<vmem_shared>>) target_semaphore(%run_scoped3A_282 : memref<!tpu.dma_semaphore, #tpu.memory_space<semaphore_mem>>)
      %dma_wait3A_293 = arith.constant 625 : i32
      %dma_wait3A_294 = arith.constant 0 : i32
      %dma_wait3A_295 = tpu.memref_slice %arg14[%dma_wait3A_293, %dma_wait3A_294] : memref<3000x16xf32, #tpu.memory_space<vmem>> -> memref<625x16xf32, #tpu.memory_space<vmem>>
      %dma_wait3A_296 = arith.constant 0 : i32
      %dma_wait3A_297 = tpu.memref_slice %arg17[%mul3A_2, %dma_wait3A_296] : memref<10000x16xf32, #tpu.memory_space<vmem_shared>> -> memref<625x16xf32, #tpu.memory_space<vmem_shared>>
      %dma_wait3A_298 = arith.constant 0 : i32
      %dma_wait3A_299 = tpu.memref_slice %arg17[%mul3A_2, %dma_wait3A_298] : memref<10000x16xf32, #tpu.memory_space<vmem_shared>> -> memref<625x16xf32, #tpu.memory_space<vmem_shared>>
      %dma_wait3A_300 = arith.constant 625 : i32
      %dma_wait3A_301 = arith.constant 0 : i32
      %dma_wait3A_302 = tpu.memref_slice %arg14[%dma_wait3A_300, %dma_wait3A_301] : memref<3000x16xf32, #tpu.memory_space<vmem>> -> memref<625x16xf32, #tpu.memory_space<vmem>>
      tpu.wait_dma2 semaphore(%run_scoped3A_282 : memref<!tpu.dma_semaphore, #tpu.memory_space<semaphore_mem>>) src(%dma_wait3A_302 : memref<625x16xf32, #tpu.memory_space<vmem>>) dst(%dma_wait3A_299 : memref<625x16xf32, #tpu.memory_space<vmem_shared>>)
      tpu.yield
    }) : () -> ()
    %eq3A = arith.constant 0 : i32
    %eq3A_261 = arith.cmpi eq, %arg0, %eq3A : i32
    %convert_element_type3A = arith.extui %eq3A_261 : i1 to i32
    %cond3A = arith.constant 0 : i32
    %cond3A_262 = arith.cmpi ne, %convert_element_type3A, %cond3A : i32
    scf.if %cond3A_262 {
      "tpu.region"() ({
        %run_scoped3A_282 = tpu.sem_alloc : memref<!tpu.dma_semaphore, #tpu.memory_space<semaphore_mem>>
        %dma_start3A_283 = arith.constant 625 : i32
        %dma_start3A_284 = arith.constant 0 : i32
        %dma_start3A_285 = tpu.memref_slice %arg14[%dma_start3A_283, %dma_start3A_284] : memref<3000x16xf32, #tpu.memory_space<vmem>> -> memref<625x16xf32, #tpu.memory_space<vmem>>
        %dma_start3A_286 = arith.constant 0 : i32
        %dma_start3A_287 = tpu.memref_slice %arg8[%mul3A_2, %dma_start3A_286] : memref<10000x16xf32, #tpu.memory_space<hbm>> -> memref<625x16xf32, #tpu.memory_space<hbm>>
        %dma_start3A_288 = arith.constant 0 : i32
        %dma_start3A_289 = tpu.memref_slice %arg8[%mul3A_2, %dma_start3A_288] : memref<10000x16xf32, #tpu.memory_space<hbm>> -> memref<625x16xf32, #tpu.memory_space<hbm>>
        %dma_start3A_290 = arith.constant 625 : i32
        %dma_start3A_291 = arith.constant 0 : i32
        %dma_start3A_292 = tpu.memref_slice %arg14[%dma_start3A_290, %dma_start3A_291] : memref<3000x16xf32, #tpu.memory_space<vmem>> -> memref<625x16xf32, #tpu.memory_space<vmem>>
        tpu.enqueue_dma source(%dma_start3A_292 : memref<625x16xf32, #tpu.memory_space<vmem>>) target(%dma_start3A_289 : memref<625x16xf32, #tpu.memory_space<hbm>>) target_semaphore(%run_scoped3A_282 : memref<!tpu.dma_semaphore, #tpu.memory_space<semaphore_mem>>)
        %dma_wait3A_293 = arith.constant 625 : i32
        %dma_wait3A_294 = arith.constant 0 : i32
        %dma_wait3A_295 = tpu.memref_slice %arg14[%dma_wait3A_293, %dma_wait3A_294] : memref<3000x16xf32, #tpu.memory_space<vmem>> -> memref<625x16xf32, #tpu.memory_space<vmem>>
        %dma_wait3A_296 = arith.constant 0 : i32
        %dma_wait3A_297 = tpu.memref_slice %arg8[%mul3A_2, %dma_wait3A_296] : memref<10000x16xf32, #tpu.memory_space<hbm>> -> memref<625x16xf32, #tpu.memory_space<hbm>>
        %dma_wait3A_298 = arith.constant 0 : i32
        %dma_wait3A_299 = tpu.memref_slice %arg8[%mul3A_2, %dma_wait3A_298] : memref<10000x16xf32, #tpu.memory_space<hbm>> -> memref<625x16xf32, #tpu.memory_space<hbm>>
        %dma_wait3A_300 = arith.constant 625 : i32
        %dma_wait3A_301 = arith.constant 0 : i32
        %dma_wait3A_302 = tpu.memref_slice %arg14[%dma_wait3A_300, %dma_wait3A_301] : memref<3000x16xf32, #tpu.memory_space<vmem>> -> memref<625x16xf32, #tpu.memory_space<vmem>>
        tpu.wait_dma2 semaphore(%run_scoped3A_282 : memref<!tpu.dma_semaphore, #tpu.memory_space<semaphore_mem>>) src(%dma_wait3A_302 : memref<625x16xf32, #tpu.memory_space<vmem>>) dst(%dma_wait3A_299 : memref<625x16xf32, #tpu.memory_space<hbm>>)
        tpu.yield
      }) : () -> ()
    } else {
    }
    %dma_wait3A_263 = tpu.memref_slice %arg4[%mul3A_6] : memref<160000xi32, #tpu.memory_space<hbm>> -> memref<2000xi32, #tpu.memory_space<hbm>>
    %dma_wait3A_264 = tpu.memref_slice %arg4[%mul3A_6] : memref<160000xi32, #tpu.memory_space<hbm>> -> memref<2000xi32, #tpu.memory_space<hbm>>
    tpu.wait_dma2 semaphore(%arg21 : memref<!tpu.dma_semaphore, #tpu.memory_space<semaphore_mem>>) src(%dma_wait3A_264 : memref<2000xi32, #tpu.memory_space<hbm>>) dst(%arg11 : memref<2000xi32, #tpu.memory_space<vmem>>)
    %dma_wait3A_265 = tpu.memref_slice %arg4[%add3A_64] : memref<160000xi32, #tpu.memory_space<hbm>> -> memref<3000xi32, #tpu.memory_space<hbm>>
    %dma_wait3A_266 = tpu.memref_slice %arg4[%add3A_64] : memref<160000xi32, #tpu.memory_space<hbm>> -> memref<3000xi32, #tpu.memory_space<hbm>>
    tpu.wait_dma2 semaphore(%arg21 : memref<!tpu.dma_semaphore, #tpu.memory_space<semaphore_mem>>) src(%dma_wait3A_266 : memref<3000xi32, #tpu.memory_space<hbm>>) dst(%arg12 : memref<3000xi32, #tpu.memory_space<vmem>>)
    %barrier3A_267 = arith.constant 0 : index
    tpu.barrier barrier_id(%barrier3A_267)
    %dma_start3A_268 = arith.constant 0 : i32
    %dma_start3A_269 = arith.constant 0 : i32
    %dma_start3A_270 = tpu.memref_slice %arg17[%dma_start3A_268, %dma_start3A_269] : memref<10000x16xf32, #tpu.memory_space<vmem_shared>> -> memref<10000x16xf32, #tpu.memory_space<vmem_shared>>
    tpu.enqueue_indirect_dma source(%dma_start3A_270 : memref<10000x16xf32, #tpu.memory_space<vmem_shared>>) target(%arg13 : memref<2000x16xf32, #tpu.memory_space<vmem>>) offsets(%arg11 : memref<2000xi32, #tpu.memory_space<vmem>>) semaphore(%arg19 : memref<!tpu.dma_semaphore, #tpu.memory_space<semaphore_mem>>)
    %dma_start3A_271 = arith.constant 0 : i32
    %dma_start3A_272 = arith.constant 0 : i32
    %dma_start3A_273 = tpu.memref_slice %arg17[%dma_start3A_271, %dma_start3A_272] : memref<10000x16xf32, #tpu.memory_space<vmem_shared>> -> memref<10000x16xf32, #tpu.memory_space<vmem_shared>>
    tpu.enqueue_indirect_dma source(%dma_start3A_273 : memref<10000x16xf32, #tpu.memory_space<vmem_shared>>) target(%arg14 : memref<3000x16xf32, #tpu.memory_space<vmem>>) offsets(%arg12 : memref<3000xi32, #tpu.memory_space<vmem>>) semaphore(%arg20 : memref<!tpu.dma_semaphore, #tpu.memory_space<semaphore_mem>>)
    %dma_wait3A_274 = arith.constant 0 : i32
    %dma_wait3A_275 = arith.constant 0 : i32
    %dma_wait3A_276 = tpu.memref_slice %arg17[%dma_wait3A_274, %dma_wait3A_275] : memref<10000x16xf32, #tpu.memory_space<vmem_shared>> -> memref<10000x16xf32, #tpu.memory_space<vmem_shared>>
    tpu.wait_indirect_dma semaphore(%arg19 : memref<!tpu.dma_semaphore, #tpu.memory_space<semaphore_mem>>) src(%dma_wait3A_276 : memref<10000x16xf32, #tpu.memory_space<vmem_shared>>) dst(%arg13 : memref<2000x16xf32, #tpu.memory_space<vmem>>)
    "tpu.region"() ({
      %run_scoped3A_282 = tpu.sem_alloc : memref<!tpu.dma_semaphore, #tpu.memory_space<semaphore_mem>>
      %dma_start3A_283 = arith.constant 0 : i32
      %dma_start3A_284 = tpu.memref_slice %arg9[%mul3A_6, %dma_start3A_283] : memref<160000x16xf32, #tpu.memory_space<hbm>> -> memref<2000x16xf32, #tpu.memory_space<hbm>>
      %dma_start3A_285 = arith.constant 0 : i32
      %dma_start3A_286 = tpu.memref_slice %arg9[%mul3A_6, %dma_start3A_285] : memref<160000x16xf32, #tpu.memory_space<hbm>> -> memref<2000x16xf32, #tpu.memory_space<hbm>>
      tpu.enqueue_dma source(%arg13 : memref<2000x16xf32, #tpu.memory_space<vmem>>) target(%dma_start3A_286 : memref<2000x16xf32, #tpu.memory_space<hbm>>) target_semaphore(%run_scoped3A_282 : memref<!tpu.dma_semaphore, #tpu.memory_space<semaphore_mem>>)
      %dma_wait3A_287 = arith.constant 0 : i32
      %dma_wait3A_288 = tpu.memref_slice %arg9[%mul3A_6, %dma_wait3A_287] : memref<160000x16xf32, #tpu.memory_space<hbm>> -> memref<2000x16xf32, #tpu.memory_space<hbm>>
      %dma_wait3A_289 = arith.constant 0 : i32
      %dma_wait3A_290 = tpu.memref_slice %arg9[%mul3A_6, %dma_wait3A_289] : memref<160000x16xf32, #tpu.memory_space<hbm>> -> memref<2000x16xf32, #tpu.memory_space<hbm>>
      tpu.wait_dma2 semaphore(%run_scoped3A_282 : memref<!tpu.dma_semaphore, #tpu.memory_space<semaphore_mem>>) src(%arg13 : memref<2000x16xf32, #tpu.memory_space<vmem>>) dst(%dma_wait3A_290 : memref<2000x16xf32, #tpu.memory_space<hbm>>)
      tpu.yield
    }) : () -> ()
    %dma_wait3A_277 = arith.constant 0 : i32
    %dma_wait3A_278 = arith.constant 0 : i32
    %dma_wait3A_279 = tpu.memref_slice %arg17[%dma_wait3A_277, %dma_wait3A_278] : memref<10000x16xf32, #tpu.memory_space<vmem_shared>> -> memref<10000x16xf32, #tpu.memory_space<vmem_shared>>
    tpu.wait_indirect_dma semaphore(%arg20 : memref<!tpu.dma_semaphore, #tpu.memory_space<semaphore_mem>>) src(%dma_wait3A_279 : memref<10000x16xf32, #tpu.memory_space<vmem_shared>>) dst(%arg14 : memref<3000x16xf32, #tpu.memory_space<vmem>>)
    %add3A_280 = arith.constant 2000 : i32
    %add3A_281 = arith.addi %mul3A_6, %add3A_280 : i32
    "tpu.region"() ({
      %run_scoped3A_282 = tpu.sem_alloc : memref<!tpu.dma_semaphore, #tpu.memory_space<semaphore_mem>>
      %dma_start3A_283 = arith.constant 0 : i32
      %dma_start3A_284 = tpu.memref_slice %arg9[%add3A_281, %dma_start3A_283] : memref<160000x16xf32, #tpu.memory_space<hbm>> -> memref<3000x16xf32, #tpu.memory_space<hbm>>
      %dma_start3A_285 = arith.constant 0 : i32
      %dma_start3A_286 = tpu.memref_slice %arg9[%add3A_281, %dma_start3A_285] : memref<160000x16xf32, #tpu.memory_space<hbm>> -> memref<3000x16xf32, #tpu.memory_space<hbm>>
      tpu.enqueue_dma source(%arg14 : memref<3000x16xf32, #tpu.memory_space<vmem>>) target(%dma_start3A_286 : memref<3000x16xf32, #tpu.memory_space<hbm>>) target_semaphore(%run_scoped3A_282 : memref<!tpu.dma_semaphore, #tpu.memory_space<semaphore_mem>>)
      %dma_wait3A_287 = arith.constant 0 : i32
      %dma_wait3A_288 = tpu.memref_slice %arg9[%add3A_281, %dma_wait3A_287] : memref<160000x16xf32, #tpu.memory_space<hbm>> -> memref<3000x16xf32, #tpu.memory_space<hbm>>
      %dma_wait3A_289 = arith.constant 0 : i32
      %dma_wait3A_290 = tpu.memref_slice %arg9[%add3A_281, %dma_wait3A_289] : memref<160000x16xf32, #tpu.memory_space<hbm>> -> memref<3000x16xf32, #tpu.memory_space<hbm>>
      tpu.wait_dma2 semaphore(%run_scoped3A_282 : memref<!tpu.dma_semaphore, #tpu.memory_space<semaphore_mem>>) src(%arg14 : memref<3000x16xf32, #tpu.memory_space<vmem>>) dst(%dma_wait3A_290 : memref<3000x16xf32, #tpu.memory_space<hbm>>)
      tpu.yield
    }) : () -> ()
    return
  }
}

#map = affine_map<(d0, d1) -> (0, 0)>
#map1 = affine_map<(d0, d1) -> (0)>
module attributes {stable_mosaic.version = 14 : i64} {
  func.func @scatter(%arg0: i32, %arg1: i32, %arg2: memref<160000x16xf32, #tpu.memory_space<hbm>>, %arg3: memref<160000xi32, #tpu.memory_space<hbm>>, %arg4: memref<20000x16xf32, #tpu.memory_space<hbm>>, %arg5: memref<5000xi32, #tpu.memory_space<vmem>>, %arg6: memref<5000x16xf32, #tpu.memory_space<vmem>>, %arg7: memref<625x16xf32, #tpu.memory_space<vmem>>, %arg8: memref<10000x16xf32, #tpu.memory_space<vmem_shared>>, %arg9: memref<!tpu.dma_semaphore, #tpu.memory_space<semaphore_mem>>, %arg10: memref<!tpu.dma_semaphore, #tpu.memory_space<semaphore_mem>>) attributes {dimension_semantics = [#tpu.dimension_semantics<core_parallel>, #tpu.dimension_semantics<subcore_parallel>], iteration_bounds = array<i64: 2, 16>, scalar_prefetch = 0 : i64, scratch_operands = 6 : i64, tpu.core_type = #tpu.core_type<sc_vector_subcore>, window_params = [{transform_indices = #map}, {transform_indices = #map1}, {transform_indices = #map}]} {
    %mul3A = arith.constant 16 : i32
    %mul3A_0 = arith.muli %arg0, %mul3A : i32
    %add3A = arith.addi %mul3A_0, %arg1 : i32
    %mul3A_1 = arith.constant 5000 : i32
    %mul3A_2 = arith.muli %add3A, %mul3A_1 : i32
    %dma_start3A = tpu.memref_slice %arg3[%mul3A_2] : memref<160000xi32, #tpu.memory_space<hbm>> -> memref<5000xi32, #tpu.memory_space<hbm>>
    %dma_start3A_3 = tpu.memref_slice %arg3[%mul3A_2] : memref<160000xi32, #tpu.memory_space<hbm>> -> memref<5000xi32, #tpu.memory_space<hbm>>
    tpu.enqueue_dma source(%dma_start3A_3 : memref<5000xi32, #tpu.memory_space<hbm>>) target(%arg5 : memref<5000xi32, #tpu.memory_space<vmem>>) target_semaphore(%arg9 : memref<!tpu.dma_semaphore, #tpu.memory_space<semaphore_mem>>)
    %dma_start3A_4 = arith.constant 0 : i32
    %dma_start3A_5 = tpu.memref_slice %arg2[%mul3A_2, %dma_start3A_4] : memref<160000x16xf32, #tpu.memory_space<hbm>> -> memref<5000x16xf32, #tpu.memory_space<hbm>>
    %dma_start3A_6 = arith.constant 0 : i32
    %dma_start3A_7 = tpu.memref_slice %arg2[%mul3A_2, %dma_start3A_6] : memref<160000x16xf32, #tpu.memory_space<hbm>> -> memref<5000x16xf32, #tpu.memory_space<hbm>>
    tpu.enqueue_dma source(%dma_start3A_7 : memref<5000x16xf32, #tpu.memory_space<hbm>>) target(%arg6 : memref<5000x16xf32, #tpu.memory_space<vmem>>) target_semaphore(%arg10 : memref<!tpu.dma_semaphore, #tpu.memory_space<semaphore_mem>>)
    %scan3A = arith.constant 0 : i32
    %scan3A_8 = arith.constant 0 : i32
    %scan3A_9 = arith.constant 625 : i32
    %scan3A_10 = arith.addi %scan3A_8, %scan3A_9 : i32
    %scan3A_11 = arith.constant 1 : i32
    %scan3A_12 = scf.for %scan3A_29 = %scan3A_8 to %scan3A_10 step %scan3A_11 iter_args(%scan3A_30 = %scan3A) -> (i32)  : i32 {
      %broadcast_in_dim3A = arith.constant 0.000000e+00 : f32
      %broadcast_in_dim3A_31 = vector.broadcast %broadcast_in_dim3A : f32 to vector<16xf32>
      %swap3A = arith.index_cast %scan3A_29 : i32 to index
      %swap3A_32 = arith.constant 0 : index
      %swap3A_33 = tpu.vector_load %arg7[%swap3A, %swap3A_32] {strides = array<i32>} : memref<625x16xf32, #tpu.memory_space<vmem>>, vector<1x16xf32>,
      %swap3A_34 = vector.shape_cast %swap3A_33 : vector<1x16xf32> to vector<16xf32>
      %swap3A_35 = vector.shape_cast %broadcast_in_dim3A_31 : vector<16xf32> to vector<1x16xf32>
      tpu.vector_store %arg7[%swap3A, %swap3A_32], %swap3A_35 {strides = array<i32>} : memref<625x16xf32, #tpu.memory_space<vmem>>, vector<1x16xf32>,
      %scan3A_36 = arith.constant 0 : i32
      scf.yield %scan3A_36 : i32
    }
    %scan3A_13 = arith.constant 625 : i32
    %mul3A_14 = arith.constant 625 : i32
    %mul3A_15 = arith.muli %arg1, %mul3A_14 : i32
    "tpu.region"() ({
      %run_scoped3A = tpu.sem_alloc : memref<!tpu.dma_semaphore, #tpu.memory_space<semaphore_mem>>
      %dma_start3A_29 = arith.constant 0 : i32
      %dma_start3A_30 = tpu.memref_slice %arg8[%mul3A_15, %dma_start3A_29] : memref<10000x16xf32, #tpu.memory_space<vmem_shared>> -> memref<625x16xf32, #tpu.memory_space<vmem_shared>>
      %dma_start3A_31 = arith.constant 0 : i32
      %dma_start3A_32 = tpu.memref_slice %arg8[%mul3A_15, %dma_start3A_31] : memref<10000x16xf32, #tpu.memory_space<vmem_shared>> -> memref<625x16xf32, #tpu.memory_space<vmem_shared>>
      tpu.enqueue_dma source(%arg7 : memref<625x16xf32, #tpu.memory_space<vmem>>) target(%dma_start3A_32 : memref<625x16xf32, #tpu.memory_space<vmem_shared>>) target_semaphore(%run_scoped3A : memref<!tpu.dma_semaphore, #tpu.memory_space<semaphore_mem>>)
      %dma_wait3A_33 = arith.constant 0 : i32
      %dma_wait3A_34 = tpu.memref_slice %arg8[%mul3A_15, %dma_wait3A_33] : memref<10000x16xf32, #tpu.memory_space<vmem_shared>> -> memref<625x16xf32, #tpu.memory_space<vmem_shared>>
      %dma_wait3A_35 = arith.constant 0 : i32
      %dma_wait3A_36 = tpu.memref_slice %arg8[%mul3A_15, %dma_wait3A_35] : memref<10000x16xf32, #tpu.memory_space<vmem_shared>> -> memref<625x16xf32, #tpu.memory_space<vmem_shared>>
      tpu.wait_dma2 semaphore(%run_scoped3A : memref<!tpu.dma_semaphore, #tpu.memory_space<semaphore_mem>>) src(%arg7 : memref<625x16xf32, #tpu.memory_space<vmem>>) dst(%dma_wait3A_36 : memref<625x16xf32, #tpu.memory_space<vmem_shared>>)
      tpu.yield
    }) : () -> ()
    %dma_wait3A = tpu.memref_slice %arg3[%mul3A_2] : memref<160000xi32, #tpu.memory_space<hbm>> -> memref<5000xi32, #tpu.memory_space<hbm>>
    %dma_wait3A_16 = tpu.memref_slice %arg3[%mul3A_2] : memref<160000xi32, #tpu.memory_space<hbm>> -> memref<5000xi32, #tpu.memory_space<hbm>>
    tpu.wait_dma2 semaphore(%arg9 : memref<!tpu.dma_semaphore, #tpu.memory_space<semaphore_mem>>) src(%dma_wait3A_16 : memref<5000xi32, #tpu.memory_space<hbm>>) dst(%arg5 : memref<5000xi32, #tpu.memory_space<vmem>>)
    %dma_wait3A_17 = arith.constant 0 : i32
    %dma_wait3A_18 = tpu.memref_slice %arg2[%mul3A_2, %dma_wait3A_17] : memref<160000x16xf32, #tpu.memory_space<hbm>> -> memref<5000x16xf32, #tpu.memory_space<hbm>>
    %dma_wait3A_19 = arith.constant 0 : i32
    %dma_wait3A_20 = tpu.memref_slice %arg2[%mul3A_2, %dma_wait3A_19] : memref<160000x16xf32, #tpu.memory_space<hbm>> -> memref<5000x16xf32, #tpu.memory_space<hbm>>
    tpu.wait_dma2 semaphore(%arg10 : memref<!tpu.dma_semaphore, #tpu.memory_space<semaphore_mem>>) src(%dma_wait3A_20 : memref<5000x16xf32, #tpu.memory_space<hbm>>) dst(%arg6 : memref<5000x16xf32, #tpu.memory_space<vmem>>)
    %barrier3A = arith.constant 0 : index
    tpu.barrier barrier_id(%barrier3A)
    "tpu.region"() ({
      %run_scoped3A = tpu.sem_alloc : memref<!tpu.dma_semaphore, #tpu.memory_space<semaphore_mem>>
      %dma_start3A_29 = arith.constant 0 : i32
      %dma_start3A_30 = arith.constant 0 : i32
      %dma_start3A_31 = tpu.memref_slice %arg8[%dma_start3A_29, %dma_start3A_30] : memref<10000x16xf32, #tpu.memory_space<vmem_shared>> -> memref<10000x16xf32, #tpu.memory_space<vmem_shared>>
      tpu.enqueue_indirect_dma source(%arg6 : memref<5000x16xf32, #tpu.memory_space<vmem>>) target(%dma_start3A_31 : memref<10000x16xf32, #tpu.memory_space<vmem_shared>>) offsets(%arg5 : memref<5000xi32, #tpu.memory_space<vmem>>) semaphore(%run_scoped3A : memref<!tpu.dma_semaphore, #tpu.memory_space<semaphore_mem>>) {add = true}
      %dma_wait3A_32 = arith.constant 0 : i32
      %dma_wait3A_33 = arith.constant 0 : i32
      %dma_wait3A_34 = tpu.memref_slice %arg8[%dma_wait3A_32, %dma_wait3A_33] : memref<10000x16xf32, #tpu.memory_space<vmem_shared>> -> memref<10000x16xf32, #tpu.memory_space<vmem_shared>>
      tpu.wait_indirect_dma semaphore(%run_scoped3A : memref<!tpu.dma_semaphore, #tpu.memory_space<semaphore_mem>>) src(%arg6 : memref<5000x16xf32, #tpu.memory_space<vmem>>) dst(%dma_wait3A_34 : memref<10000x16xf32, #tpu.memory_space<vmem_shared>>)
      tpu.yield
    }) : () -> ()
    %barrier3A_21 = arith.constant 0 : index
    tpu.barrier barrier_id(%barrier3A_21)
    %mul3A_22 = arith.constant 625 : i32
    %mul3A_23 = arith.muli %arg1, %mul3A_22 : i32
    "tpu.region"() ({
      %run_scoped3A = tpu.sem_alloc : memref<!tpu.dma_semaphore, #tpu.memory_space<semaphore_mem>>
      %dma_start3A_29 = arith.constant 0 : i32
      %dma_start3A_30 = tpu.memref_slice %arg8[%mul3A_23, %dma_start3A_29] : memref<10000x16xf32, #tpu.memory_space<vmem_shared>> -> memref<625x16xf32, #tpu.memory_space<vmem_shared>>
      %dma_start3A_31 = arith.constant 0 : i32
      %dma_start3A_32 = tpu.memref_slice %arg8[%mul3A_23, %dma_start3A_31] : memref<10000x16xf32, #tpu.memory_space<vmem_shared>> -> memref<625x16xf32, #tpu.memory_space<vmem_shared>>
      tpu.enqueue_dma source(%dma_start3A_32 : memref<625x16xf32, #tpu.memory_space<vmem_shared>>) target(%arg7 : memref<625x16xf32, #tpu.memory_space<vmem>>) target_semaphore(%run_scoped3A : memref<!tpu.dma_semaphore, #tpu.memory_space<semaphore_mem>>)
      %dma_wait3A_33 = arith.constant 0 : i32
      %dma_wait3A_34 = tpu.memref_slice %arg8[%mul3A_23, %dma_wait3A_33] : memref<10000x16xf32, #tpu.memory_space<vmem_shared>> -> memref<625x16xf32, #tpu.memory_space<vmem_shared>>
      %dma_wait3A_35 = arith.constant 0 : i32
      %dma_wait3A_36 = tpu.memref_slice %arg8[%mul3A_23, %dma_wait3A_35] : memref<10000x16xf32, #tpu.memory_space<vmem_shared>> -> memref<625x16xf32, #tpu.memory_space<vmem_shared>>
      tpu.wait_dma2 semaphore(%run_scoped3A : memref<!tpu.dma_semaphore, #tpu.memory_space<semaphore_mem>>) src(%dma_wait3A_36 : memref<625x16xf32, #tpu.memory_space<vmem_shared>>) dst(%arg7 : memref<625x16xf32, #tpu.memory_space<vmem>>)
      tpu.yield
    }) : () -> ()
    %mul3A_24 = arith.constant 10000 : i32
    %mul3A_25 = arith.muli %arg0, %mul3A_24 : i32
    %mul3A_26 = arith.constant 625 : i32
    %mul3A_27 = arith.muli %arg1, %mul3A_26 : i32
    %add3A_28 = arith.addi %mul3A_25, %mul3A_27 : i32
    "tpu.region"() ({
      %run_scoped3A = tpu.sem_alloc : memref<!tpu.dma_semaphore, #tpu.memory_space<semaphore_mem>>
      %dma_start3A_29 = arith.constant 0 : i32
      %dma_start3A_30 = tpu.memref_slice %arg4[%add3A_28, %dma_start3A_29] : memref<20000x16xf32, #tpu.memory_space<hbm>> -> memref<625x16xf32, #tpu.memory_space<hbm>>
      %dma_start3A_31 = arith.constant 0 : i32
      %dma_start3A_32 = tpu.memref_slice %arg4[%add3A_28, %dma_start3A_31] : memref<20000x16xf32, #tpu.memory_space<hbm>> -> memref<625x16xf32, #tpu.memory_space<hbm>>
      tpu.enqueue_dma source(%arg7 : memref<625x16xf32, #tpu.memory_space<vmem>>) target(%dma_start3A_32 : memref<625x16xf32, #tpu.memory_space<hbm>>) target_semaphore(%run_scoped3A : memref<!tpu.dma_semaphore, #tpu.memory_space<semaphore_mem>>)
      %dma_wait3A_33 = arith.constant 0 : i32
      %dma_wait3A_34 = tpu.memref_slice %arg4[%add3A_28, %dma_wait3A_33] : memref<20000x16xf32, #tpu.memory_space<hbm>> -> memref<625x16xf32, #tpu.memory_space<hbm>>
      %dma_wait3A_35 = arith.constant 0 : i32
      %dma_wait3A_36 = tpu.memref_slice %arg4[%add3A_28, %dma_wait3A_35] : memref<20000x16xf32, #tpu.memory_space<hbm>> -> memref<625x16xf32, #tpu.memory_space<hbm>>
      tpu.wait_dma2 semaphore(%run_scoped3A : memref<!tpu.dma_semaphore, #tpu.memory_space<semaphore_mem>>) src(%arg7 : memref<625x16xf32, #tpu.memory_space<vmem>>) dst(%dma_wait3A_36 : memref<625x16xf32, #tpu.memory_space<hbm>>)
      tpu.yield
    }) : () -> ()
    return
  }
}

module attributes {stable_mosaic.version = 14 : i64} {
  func.func @_in_proj_body(%arg0: i32, %arg1: memref<10000x128xf32, #tpu.memory_space<vmem>>, %arg2: memref<128x16xf32, #tpu.memory_space<vmem>>, %arg3: memref<1x16xf32, #tpu.memory_space<vmem>>, %arg4: memref<16x16xf32, #tpu.memory_space<vmem>>, %arg5: memref<1x16xf32, #tpu.memory_space<vmem>>, %arg6: memref<16x16xf32, #tpu.memory_space<vmem>>, %arg7: memref<1x16xf32, #tpu.memory_space<vmem>>, %arg8: memref<1250x128xf32, #tpu.memory_space<vmem>>, %arg9: memref<1250x128xf32, #tpu.memory_space<vmem>>, %arg10: memref<1250x128xf32, #tpu.memory_space<vmem>>) attributes {dimension_semantics = [#tpu.dimension_semantics<arbitrary>], iteration_bounds = array<i64: 1>, scalar_prefetch = 0 : i64, scratch_operands = 0 : i64, tpu.core_type = #tpu.core_type<tc>, window_params = [{pipeline_mode = #tpu.pipeline_mode<synchronous>, transform_indices = @transform_0, window_bounds = array<i64: 10000, 128>}, {pipeline_mode = #tpu.pipeline_mode<synchronous>, transform_indices = @transform_1, window_bounds = array<i64: 128, 16>}, {pipeline_mode = #tpu.pipeline_mode<synchronous>, transform_indices = @transform_2, window_bounds = array<i64: 1, 16>}, {pipeline_mode = #tpu.pipeline_mode<synchronous>, transform_indices = @transform_3, window_bounds = array<i64: 16, 16>}, {pipeline_mode = #tpu.pipeline_mode<synchronous>, transform_indices = @transform_4, window_bounds = array<i64: 1, 16>}, {pipeline_mode = #tpu.pipeline_mode<synchronous>, transform_indices = @transform_5, window_bounds = array<i64: 16, 16>}, {pipeline_mode = #tpu.pipeline_mode<synchronous>, transform_indices = @transform_6, window_bounds = array<i64: 1, 16>}, {pipeline_mode = #tpu.pipeline_mode<synchronous>, transform_indices = @transform_7, window_bounds = array<i64: 1250, 128>}, {pipeline_mode = #tpu.pipeline_mode<synchronous>, transform_indices = @transform_8, window_bounds = array<i64: 1250, 128>}, {pipeline_mode = #tpu.pipeline_mode<synchronous>, transform_indices = @transform_9, window_bounds = array<i64: 1250, 128>}]} {
    %get3A = arith.constant 0 : index
    %get3A_0 = arith.constant 0 : index
    %get3A_1 = vector.load %arg1[%get3A, %get3A_0] : memref<10000x128xf32, #tpu.memory_space<vmem>>, vector<10000x128xf32>
    %get3A_2 = arith.constant 0 : index
    %get3A_3 = arith.constant 0 : index
    %get3A_4 = vector.load %arg2[%get3A_2, %get3A_3] : memref<128x16xf32, #tpu.memory_space<vmem>>, vector<128x16xf32>
    %dot_general3A = arith.constant dense<0.000000e+00> : vector<10000x16xf32>
    %dot_general3A_5 = tpu.matmul %get3A_1, %get3A_4, %dot_general3A {dimension_numbers = #tpu.dot_dimension_numbers<[1], [0], [0], [1], [0, 0, 1, 1], [], []>, transpose_lhs_hint = false} : vector<10000x128xf32>, vector<128x16xf32>, vector<10000x16xf32> -> vector<10000x16xf32>
    %get3A_6 = arith.constant 0 : index
    %get3A_7 = arith.constant 0 : index
    %get3A_8 = vector.load %arg3[%get3A_6, %get3A_7] : memref<1x16xf32, #tpu.memory_space<vmem>>, vector<1x16xf32>
    %add3A = vector.broadcast %get3A_8 : vector<1x16xf32> to vector<10000x16xf32>
    %add3A_9 = arith.addf %dot_general3A_5, %add3A : vector<10000x16xf32>
    %slice3A = vector.extract_strided_slice %add3A_9 {offsets = [0, 0], sizes = [1250, 16], strides = [1, 1]} : vector<10000x16xf32> to vector<1250x16xf32>
    %swap3A = arith.constant 0 : index
    %swap3A_10 = arith.constant 0 : index
    %swap3A_11 = vector.load %arg8[%swap3A, %swap3A_10] : memref<1250x128xf32, #tpu.memory_space<vmem>>, vector<1250x16xf32>
    tpu.vector_store %arg8[%swap3A, %swap3A_10], %slice3A {strides = array<i32>} : memref<1250x128xf32, #tpu.memory_space<vmem>>, vector<1250x16xf32>,
    %slice3A_12 = vector.extract_strided_slice %add3A_9 {offsets = [1250, 0], sizes = [1250, 16], strides = [1, 1]} : vector<10000x16xf32> to vector<1250x16xf32>
    %swap3A_13 = arith.constant 0 : index
    %swap3A_14 = arith.constant 16 : index
    %swap3A_15 = vector.load %arg8[%swap3A_13, %swap3A_14] : memref<1250x128xf32, #tpu.memory_space<vmem>>, vector<1250x16xf32>
    tpu.vector_store %arg8[%swap3A_13, %swap3A_14], %slice3A_12 {strides = array<i32>} : memref<1250x128xf32, #tpu.memory_space<vmem>>, vector<1250x16xf32>,
    %slice3A_16 = vector.extract_strided_slice %add3A_9 {offsets = [2500, 0], sizes = [1250, 16], strides = [1, 1]} : vector<10000x16xf32> to vector<1250x16xf32>
    %swap3A_17 = arith.constant 0 : index
    %swap3A_18 = arith.constant 32 : index
    %swap3A_19 = vector.load %arg8[%swap3A_17, %swap3A_18] : memref<1250x128xf32, #tpu.memory_space<vmem>>, vector<1250x16xf32>
    tpu.vector_store %arg8[%swap3A_17, %swap3A_18], %slice3A_16 {strides = array<i32>} : memref<1250x128xf32, #tpu.memory_space<vmem>>, vector<1250x16xf32>,
    %slice3A_20 = vector.extract_strided_slice %add3A_9 {offsets = [3750, 0], sizes = [1250, 16], strides = [1, 1]} : vector<10000x16xf32> to vector<1250x16xf32>
    %swap3A_21 = arith.constant 0 : index
    %swap3A_22 = arith.constant 48 : index
    %swap3A_23 = vector.load %arg8[%swap3A_21, %swap3A_22] : memref<1250x128xf32, #tpu.memory_space<vmem>>, vector<1250x16xf32>
    tpu.vector_store %arg8[%swap3A_21, %swap3A_22], %slice3A_20 {strides = array<i32>} : memref<1250x128xf32, #tpu.memory_space<vmem>>, vector<1250x16xf32>,
    %slice3A_24 = vector.extract_strided_slice %add3A_9 {offsets = [5000, 0], sizes = [1250, 16], strides = [1, 1]} : vector<10000x16xf32> to vector<1250x16xf32>
    %swap3A_25 = arith.constant 0 : index
    %swap3A_26 = arith.constant 64 : index
    %swap3A_27 = vector.load %arg8[%swap3A_25, %swap3A_26] : memref<1250x128xf32, #tpu.memory_space<vmem>>, vector<1250x16xf32>
    tpu.vector_store %arg8[%swap3A_25, %swap3A_26], %slice3A_24 {strides = array<i32>} : memref<1250x128xf32, #tpu.memory_space<vmem>>, vector<1250x16xf32>,
    %slice3A_28 = vector.extract_strided_slice %add3A_9 {offsets = [6250, 0], sizes = [1250, 16], strides = [1, 1]} : vector<10000x16xf32> to vector<1250x16xf32>
    %swap3A_29 = arith.constant 0 : index
    %swap3A_30 = arith.constant 80 : index
    %swap3A_31 = vector.load %arg8[%swap3A_29, %swap3A_30] : memref<1250x128xf32, #tpu.memory_space<vmem>>, vector<1250x16xf32>
    tpu.vector_store %arg8[%swap3A_29, %swap3A_30], %slice3A_28 {strides = array<i32>} : memref<1250x128xf32, #tpu.memory_space<vmem>>, vector<1250x16xf32>,
    %slice3A_32 = vector.extract_strided_slice %add3A_9 {offsets = [7500, 0], sizes = [1250, 16], strides = [1, 1]} : vector<10000x16xf32> to vector<1250x16xf32>
    %swap3A_33 = arith.constant 0 : index
    %swap3A_34 = arith.constant 96 : index
    %swap3A_35 = vector.load %arg8[%swap3A_33, %swap3A_34] : memref<1250x128xf32, #tpu.memory_space<vmem>>, vector<1250x16xf32>
    tpu.vector_store %arg8[%swap3A_33, %swap3A_34], %slice3A_32 {strides = array<i32>} : memref<1250x128xf32, #tpu.memory_space<vmem>>, vector<1250x16xf32>,
    %slice3A_36 = vector.extract_strided_slice %add3A_9 {offsets = [8750, 0], sizes = [1250, 16], strides = [1, 1]} : vector<10000x16xf32> to vector<1250x16xf32>
    %swap3A_37 = arith.constant 0 : index
    %swap3A_38 = arith.constant 112 : index
    %swap3A_39 = vector.load %arg8[%swap3A_37, %swap3A_38] : memref<1250x128xf32, #tpu.memory_space<vmem>>, vector<1250x16xf32>
    tpu.vector_store %arg8[%swap3A_37, %swap3A_38], %slice3A_36 {strides = array<i32>} : memref<1250x128xf32, #tpu.memory_space<vmem>>, vector<1250x16xf32>,
    %get3A_40 = arith.constant 0 : index
    %get3A_41 = arith.constant 0 : index
    %get3A_42 = vector.load %arg4[%get3A_40, %get3A_41] : memref<16x16xf32, #tpu.memory_space<vmem>>, vector<16x16xf32>
    %dot_general3A_43 = arith.constant dense<0.000000e+00> : vector<10000x16xf32>
    %dot_general3A_44 = tpu.matmul %add3A_9, %get3A_42, %dot_general3A_43 {dimension_numbers = #tpu.dot_dimension_numbers<[1], [0], [0], [1], [0, 0, 1, 1], [], []>, transpose_lhs_hint = false} : vector<10000x16xf32>, vector<16x16xf32>, vector<10000x16xf32> -> vector<10000x16xf32>
    %get3A_45 = arith.constant 0 : index
    %get3A_46 = arith.constant 0 : index
    %get3A_47 = vector.load %arg5[%get3A_45, %get3A_46] : memref<1x16xf32, #tpu.memory_space<vmem>>, vector<1x16xf32>
    %add3A_48 = vector.broadcast %get3A_47 : vector<1x16xf32> to vector<10000x16xf32>
    %add3A_49 = arith.addf %dot_general3A_44, %add3A_48 : vector<10000x16xf32>
    %slice3A_50 = vector.extract_strided_slice %add3A_49 {offsets = [0, 0], sizes = [1250, 16], strides = [1, 1]} : vector<10000x16xf32> to vector<1250x16xf32>
    %swap3A_51 = arith.constant 0 : index
    %swap3A_52 = arith.constant 0 : index
    %swap3A_53 = vector.load %arg9[%swap3A_51, %swap3A_52] : memref<1250x128xf32, #tpu.memory_space<vmem>>, vector<1250x16xf32>
    tpu.vector_store %arg9[%swap3A_51, %swap3A_52], %slice3A_50 {strides = array<i32>} : memref<1250x128xf32, #tpu.memory_space<vmem>>, vector<1250x16xf32>,
    %slice3A_54 = vector.extract_strided_slice %add3A_49 {offsets = [1250, 0], sizes = [1250, 16], strides = [1, 1]} : vector<10000x16xf32> to vector<1250x16xf32>
    %swap3A_55 = arith.constant 0 : index
    %swap3A_56 = arith.constant 16 : index
    %swap3A_57 = vector.load %arg9[%swap3A_55, %swap3A_56] : memref<1250x128xf32, #tpu.memory_space<vmem>>, vector<1250x16xf32>
    tpu.vector_store %arg9[%swap3A_55, %swap3A_56], %slice3A_54 {strides = array<i32>} : memref<1250x128xf32, #tpu.memory_space<vmem>>, vector<1250x16xf32>,
    %slice3A_58 = vector.extract_strided_slice %add3A_49 {offsets = [2500, 0], sizes = [1250, 16], strides = [1, 1]} : vector<10000x16xf32> to vector<1250x16xf32>
    %swap3A_59 = arith.constant 0 : index
    %swap3A_60 = arith.constant 32 : index
    %swap3A_61 = vector.load %arg9[%swap3A_59, %swap3A_60] : memref<1250x128xf32, #tpu.memory_space<vmem>>, vector<1250x16xf32>
    tpu.vector_store %arg9[%swap3A_59, %swap3A_60], %slice3A_58 {strides = array<i32>} : memref<1250x128xf32, #tpu.memory_space<vmem>>, vector<1250x16xf32>,
    %slice3A_62 = vector.extract_strided_slice %add3A_49 {offsets = [3750, 0], sizes = [1250, 16], strides = [1, 1]} : vector<10000x16xf32> to vector<1250x16xf32>
    %swap3A_63 = arith.constant 0 : index
    %swap3A_64 = arith.constant 48 : index
    %swap3A_65 = vector.load %arg9[%swap3A_63, %swap3A_64] : memref<1250x128xf32, #tpu.memory_space<vmem>>, vector<1250x16xf32>
    tpu.vector_store %arg9[%swap3A_63, %swap3A_64], %slice3A_62 {strides = array<i32>} : memref<1250x128xf32, #tpu.memory_space<vmem>>, vector<1250x16xf32>,
    %slice3A_66 = vector.extract_strided_slice %add3A_49 {offsets = [5000, 0], sizes = [1250, 16], strides = [1, 1]} : vector<10000x16xf32> to vector<1250x16xf32>
    %swap3A_67 = arith.constant 0 : index
    %swap3A_68 = arith.constant 64 : index
    %swap3A_69 = vector.load %arg9[%swap3A_67, %swap3A_68] : memref<1250x128xf32, #tpu.memory_space<vmem>>, vector<1250x16xf32>
    tpu.vector_store %arg9[%swap3A_67, %swap3A_68], %slice3A_66 {strides = array<i32>} : memref<1250x128xf32, #tpu.memory_space<vmem>>, vector<1250x16xf32>,
    %slice3A_70 = vector.extract_strided_slice %add3A_49 {offsets = [6250, 0], sizes = [1250, 16], strides = [1, 1]} : vector<10000x16xf32> to vector<1250x16xf32>
    %swap3A_71 = arith.constant 0 : index
    %swap3A_72 = arith.constant 80 : index
    %swap3A_73 = vector.load %arg9[%swap3A_71, %swap3A_72] : memref<1250x128xf32, #tpu.memory_space<vmem>>, vector<1250x16xf32>
    tpu.vector_store %arg9[%swap3A_71, %swap3A_72], %slice3A_70 {strides = array<i32>} : memref<1250x128xf32, #tpu.memory_space<vmem>>, vector<1250x16xf32>,
    %slice3A_74 = vector.extract_strided_slice %add3A_49 {offsets = [7500, 0], sizes = [1250, 16], strides = [1, 1]} : vector<10000x16xf32> to vector<1250x16xf32>
    %swap3A_75 = arith.constant 0 : index
    %swap3A_76 = arith.constant 96 : index
    %swap3A_77 = vector.load %arg9[%swap3A_75, %swap3A_76] : memref<1250x128xf32, #tpu.memory_space<vmem>>, vector<1250x16xf32>
    tpu.vector_store %arg9[%swap3A_75, %swap3A_76], %slice3A_74 {strides = array<i32>} : memref<1250x128xf32, #tpu.memory_space<vmem>>, vector<1250x16xf32>,
    %slice3A_78 = vector.extract_strided_slice %add3A_49 {offsets = [8750, 0], sizes = [1250, 16], strides = [1, 1]} : vector<10000x16xf32> to vector<1250x16xf32>
    %swap3A_79 = arith.constant 0 : index
    %swap3A_80 = arith.constant 112 : index
    %swap3A_81 = vector.load %arg9[%swap3A_79, %swap3A_80] : memref<1250x128xf32, #tpu.memory_space<vmem>>, vector<1250x16xf32>
    tpu.vector_store %arg9[%swap3A_79, %swap3A_80], %slice3A_78 {strides = array<i32>} : memref<1250x128xf32, #tpu.memory_space<vmem>>, vector<1250x16xf32>,
    %get3A_82 = arith.constant 0 : index
    %get3A_83 = arith.constant 0 : index
    %get3A_84 = vector.load %arg6[%get3A_82, %get3A_83] : memref<16x16xf32, #tpu.memory_space<vmem>>, vector<16x16xf32>
    %dot_general3A_85 = arith.constant dense<0.000000e+00> : vector<10000x16xf32>
    %dot_general3A_86 = tpu.matmul %add3A_9, %get3A_84, %dot_general3A_85 {dimension_numbers = #tpu.dot_dimension_numbers<[1], [0], [0], [1], [0, 0, 1, 1], [], []>, transpose_lhs_hint = false} : vector<10000x16xf32>, vector<16x16xf32>, vector<10000x16xf32> -> vector<10000x16xf32>
    %get3A_87 = arith.constant 0 : index
    %get3A_88 = arith.constant 0 : index
    %get3A_89 = vector.load %arg7[%get3A_87, %get3A_88] : memref<1x16xf32, #tpu.memory_space<vmem>>, vector<1x16xf32>
    %add3A_90 = vector.broadcast %get3A_89 : vector<1x16xf32> to vector<10000x16xf32>
    %add3A_91 = arith.addf %dot_general3A_86, %add3A_90 : vector<10000x16xf32>
    %max3A = arith.constant 0.000000e+00 : f32
    %max3A_92 = vector.broadcast %max3A : f32 to vector<10000x16xf32>
    %max3A_93 = arith.maximumf %add3A_91, %max3A_92 : vector<10000x16xf32>
    %slice3A_94 = vector.extract_strided_slice %max3A_93 {offsets = [0, 0], sizes = [1250, 16], strides = [1, 1]} : vector<10000x16xf32> to vector<1250x16xf32>
    %swap3A_95 = arith.constant 0 : index
    %swap3A_96 = arith.constant 0 : index
    %swap3A_97 = vector.load %arg10[%swap3A_95, %swap3A_96] : memref<1250x128xf32, #tpu.memory_space<vmem>>, vector<1250x16xf32>
    tpu.vector_store %arg10[%swap3A_95, %swap3A_96], %slice3A_94 {strides = array<i32>} : memref<1250x128xf32, #tpu.memory_space<vmem>>, vector<1250x16xf32>,
    %slice3A_98 = vector.extract_strided_slice %max3A_93 {offsets = [1250, 0], sizes = [1250, 16], strides = [1, 1]} : vector<10000x16xf32> to vector<1250x16xf32>
    %swap3A_99 = arith.constant 0 : index
    %swap3A_100 = arith.constant 16 : index
    %swap3A_101 = vector.load %arg10[%swap3A_99, %swap3A_100] : memref<1250x128xf32, #tpu.memory_space<vmem>>, vector<1250x16xf32>
    tpu.vector_store %arg10[%swap3A_99, %swap3A_100], %slice3A_98 {strides = array<i32>} : memref<1250x128xf32, #tpu.memory_space<vmem>>, vector<1250x16xf32>,
    %slice3A_102 = vector.extract_strided_slice %max3A_93 {offsets = [2500, 0], sizes = [1250, 16], strides = [1, 1]} : vector<10000x16xf32> to vector<1250x16xf32>
    %swap3A_103 = arith.constant 0 : index
    %swap3A_104 = arith.constant 32 : index
    %swap3A_105 = vector.load %arg10[%swap3A_103, %swap3A_104] : memref<1250x128xf32, #tpu.memory_space<vmem>>, vector<1250x16xf32>
    tpu.vector_store %arg10[%swap3A_103, %swap3A_104], %slice3A_102 {strides = array<i32>} : memref<1250x128xf32, #tpu.memory_space<vmem>>, vector<1250x16xf32>,
    %slice3A_106 = vector.extract_strided_slice %max3A_93 {offsets = [3750, 0], sizes = [1250, 16], strides = [1, 1]} : vector<10000x16xf32> to vector<1250x16xf32>
    %swap3A_107 = arith.constant 0 : index
    %swap3A_108 = arith.constant 48 : index
    %swap3A_109 = vector.load %arg10[%swap3A_107, %swap3A_108] : memref<1250x128xf32, #tpu.memory_space<vmem>>, vector<1250x16xf32>
    tpu.vector_store %arg10[%swap3A_107, %swap3A_108], %slice3A_106 {strides = array<i32>} : memref<1250x128xf32, #tpu.memory_space<vmem>>, vector<1250x16xf32>,
    %slice3A_110 = vector.extract_strided_slice %max3A_93 {offsets = [5000, 0], sizes = [1250, 16], strides = [1, 1]} : vector<10000x16xf32> to vector<1250x16xf32>
    %swap3A_111 = arith.constant 0 : index
    %swap3A_112 = arith.constant 64 : index
    %swap3A_113 = vector.load %arg10[%swap3A_111, %swap3A_112] : memref<1250x128xf32, #tpu.memory_space<vmem>>, vector<1250x16xf32>
    tpu.vector_store %arg10[%swap3A_111, %swap3A_112], %slice3A_110 {strides = array<i32>} : memref<1250x128xf32, #tpu.memory_space<vmem>>, vector<1250x16xf32>,
    %slice3A_114 = vector.extract_strided_slice %max3A_93 {offsets = [6250, 0], sizes = [1250, 16], strides = [1, 1]} : vector<10000x16xf32> to vector<1250x16xf32>
    %swap3A_115 = arith.constant 0 : index
    %swap3A_116 = arith.constant 80 : index
    %swap3A_117 = vector.load %arg10[%swap3A_115, %swap3A_116] : memref<1250x128xf32, #tpu.memory_space<vmem>>, vector<1250x16xf32>
    tpu.vector_store %arg10[%swap3A_115, %swap3A_116], %slice3A_114 {strides = array<i32>} : memref<1250x128xf32, #tpu.memory_space<vmem>>, vector<1250x16xf32>,
    %slice3A_118 = vector.extract_strided_slice %max3A_93 {offsets = [7500, 0], sizes = [1250, 16], strides = [1, 1]} : vector<10000x16xf32> to vector<1250x16xf32>
    %swap3A_119 = arith.constant 0 : index
    %swap3A_120 = arith.constant 96 : index
    %swap3A_121 = vector.load %arg10[%swap3A_119, %swap3A_120] : memref<1250x128xf32, #tpu.memory_space<vmem>>, vector<1250x16xf32>
    tpu.vector_store %arg10[%swap3A_119, %swap3A_120], %slice3A_118 {strides = array<i32>} : memref<1250x128xf32, #tpu.memory_space<vmem>>, vector<1250x16xf32>,
    %slice3A_122 = vector.extract_strided_slice %max3A_93 {offsets = [8750, 0], sizes = [1250, 16], strides = [1, 1]} : vector<10000x16xf32> to vector<1250x16xf32>
    %swap3A_123 = arith.constant 0 : index
    %swap3A_124 = arith.constant 112 : index
    %swap3A_125 = vector.load %arg10[%swap3A_123, %swap3A_124] : memref<1250x128xf32, #tpu.memory_space<vmem>>, vector<1250x16xf32>
    tpu.vector_store %arg10[%swap3A_123, %swap3A_124], %slice3A_122 {strides = array<i32>} : memref<1250x128xf32, #tpu.memory_space<vmem>>, vector<1250x16xf32>,
    return
  }
  func.func @transform_0(%arg0: i32) -> (i32, i32) {
    %c0_i32 = arith.constant 0 : i32
    %c0_i32_0 = arith.constant 0 : i32
    %c0_i32_1 = arith.constant 0 : i32
    return %c0_i32, %c0_i32_0 : i32, i32
  }
  func.func @transform_1(%arg0: i32) -> (i32, i32) {
    %c0_i32 = arith.constant 0 : i32
    %c0_i32_0 = arith.constant 0 : i32
    %c0_i32_1 = arith.constant 0 : i32
    return %c0_i32, %c0_i32_0 : i32, i32
  }
  func.func @transform_2(%arg0: i32) -> (i32, i32) {
    %c0_i32 = arith.constant 0 : i32
    %c0_i32_0 = arith.constant 0 : i32
    %c0_i32_1 = arith.constant 0 : i32
    return %c0_i32, %c0_i32_0 : i32, i32
  }
  func.func @transform_3(%arg0: i32) -> (i32, i32) {
    %c0_i32 = arith.constant 0 : i32
    %c0_i32_0 = arith.constant 0 : i32
    %c0_i32_1 = arith.constant 0 : i32
    return %c0_i32, %c0_i32_0 : i32, i32
  }
  func.func @transform_4(%arg0: i32) -> (i32, i32) {
    %c0_i32 = arith.constant 0 : i32
    %c0_i32_0 = arith.constant 0 : i32
    %c0_i32_1 = arith.constant 0 : i32
    return %c0_i32, %c0_i32_0 : i32, i32
  }
  func.func @transform_5(%arg0: i32) -> (i32, i32) {
    %c0_i32 = arith.constant 0 : i32
    %c0_i32_0 = arith.constant 0 : i32
    %c0_i32_1 = arith.constant 0 : i32
    return %c0_i32, %c0_i32_0 : i32, i32
  }
  func.func @transform_6(%arg0: i32) -> (i32, i32) {
    %c0_i32 = arith.constant 0 : i32
    %c0_i32_0 = arith.constant 0 : i32
    %c0_i32_1 = arith.constant 0 : i32
    return %c0_i32, %c0_i32_0 : i32, i32
  }
  func.func @transform_7(%arg0: i32) -> (i32, i32) {
    %c0_i32 = arith.constant 0 : i32
    %c0_i32_0 = arith.constant 0 : i32
    %c0_i32_1 = arith.constant 0 : i32
    return %c0_i32, %c0_i32_0 : i32, i32
  }
  func.func @transform_8(%arg0: i32) -> (i32, i32) {
    %c0_i32 = arith.constant 0 : i32
    %c0_i32_0 = arith.constant 0 : i32
    %c0_i32_1 = arith.constant 0 : i32
    return %c0_i32, %c0_i32_0 : i32, i32
  }
  func.func @transform_9(%arg0: i32) -> (i32, i32) {
    %c0_i32 = arith.constant 0 : i32
    %c0_i32_0 = arith.constant 0 : i32
    %c0_i32_1 = arith.constant 0 : i32
    return %c0_i32, %c0_i32_0 : i32, i32
  }
}

module attributes {stable_mosaic.version = 14 : i64} {
  func.func @_edge_msg_body(%arg0: i32, %arg1: memref<16x16000xf32, #tpu.memory_space<vmem>>, %arg2: memref<2000x128xf32, #tpu.memory_space<vmem>>, %arg3: memref<16x256xf32, #tpu.memory_space<vmem>>, %arg4: memref<1x256xf32, #tpu.memory_space<vmem>>, %arg5: memref<2000x128xf32, #tpu.memory_space<vmem>>) attributes {dimension_semantics = [#tpu.dimension_semantics<arbitrary>], iteration_bounds = array<i64: 10>, scalar_prefetch = 0 : i64, scratch_operands = 0 : i64, tpu.core_type = #tpu.core_type<tc>, window_params = [{transform_indices = @transform_0, window_bounds = array<i64: 16, 16000>}, {transform_indices = @transform_1, window_bounds = array<i64: 2000, 128>}, {pipeline_mode = #tpu.pipeline_mode<synchronous>, transform_indices = @transform_2, window_bounds = array<i64: 16, 256>}, {pipeline_mode = #tpu.pipeline_mode<synchronous>, transform_indices = @transform_3, window_bounds = array<i64: 1, 256>}, {transform_indices = @transform_4, window_bounds = array<i64: 2000, 128>}]} {
    %get3A = arith.constant 0 : index
    %get3A_0 = arith.constant 0 : index
    %get3A_1 = vector.load %arg1[%get3A, %get3A_0] : memref<16x16000xf32, #tpu.memory_space<vmem>>, vector<16x16000xf32>
    %transpose3A = tpu.transpose %get3A_1, [1, 0] : vector<16x16000xf32> -> vector<16000x16xf32>
    %get3A_2 = arith.constant 0 : index
    %get3A_3 = arith.constant 0 : index
    %get3A_4 = vector.load %arg2[%get3A_2, %get3A_3] : memref<2000x128xf32, #tpu.memory_space<vmem>>, vector<2000x128xf32>
    %slice3A = vector.extract_strided_slice %get3A_4 {offsets = [0, 0], sizes = [2000, 16], strides = [1, 1]} : vector<2000x128xf32> to vector<2000x16xf32>
    %slice3A_5 = vector.extract_strided_slice %get3A_4 {offsets = [0, 16], sizes = [2000, 16], strides = [1, 1]} : vector<2000x128xf32> to vector<2000x16xf32>
    %slice3A_6 = vector.extract_strided_slice %get3A_4 {offsets = [0, 32], sizes = [2000, 16], strides = [1, 1]} : vector<2000x128xf32> to vector<2000x16xf32>
    %slice3A_7 = vector.extract_strided_slice %get3A_4 {offsets = [0, 48], sizes = [2000, 16], strides = [1, 1]} : vector<2000x128xf32> to vector<2000x16xf32>
    %slice3A_8 = vector.extract_strided_slice %get3A_4 {offsets = [0, 64], sizes = [2000, 16], strides = [1, 1]} : vector<2000x128xf32> to vector<2000x16xf32>
    %slice3A_9 = vector.extract_strided_slice %get3A_4 {offsets = [0, 80], sizes = [2000, 16], strides = [1, 1]} : vector<2000x128xf32> to vector<2000x16xf32>
    %slice3A_10 = vector.extract_strided_slice %get3A_4 {offsets = [0, 96], sizes = [2000, 16], strides = [1, 1]} : vector<2000x128xf32> to vector<2000x16xf32>
    %slice3A_11 = vector.extract_strided_slice %get3A_4 {offsets = [0, 112], sizes = [2000, 16], strides = [1, 1]} : vector<2000x128xf32> to vector<2000x16xf32>
    %concatenate3A = tpu.concatenate %slice3A, %slice3A_5, %slice3A_6, %slice3A_7, %slice3A_8, %slice3A_9, %slice3A_10, %slice3A_11 in 0 : vector<2000x16xf32>, vector<2000x16xf32>, vector<2000x16xf32>, vector<2000x16xf32>, vector<2000x16xf32>, vector<2000x16xf32>, vector<2000x16xf32>, vector<2000x16xf32> -> vector<16000x16xf32>
    %get3A_12 = arith.constant 0 : index
    %get3A_13 = arith.constant 0 : index
    %get3A_14 = vector.load %arg3[%get3A_12, %get3A_13] : memref<16x256xf32, #tpu.memory_space<vmem>>, vector<16x256xf32>
    %dot_general3A = arith.constant dense<0.000000e+00> : vector<16000x256xf32>
    %dot_general3A_15 = tpu.matmul %transpose3A, %get3A_14, %dot_general3A {dimension_numbers = #tpu.dot_dimension_numbers<[1], [0], [0], [1], [0, 0, 1, 1], [], []>, transpose_lhs_hint = false} : vector<16000x16xf32>, vector<16x256xf32>, vector<16000x256xf32> -> vector<16000x256xf32>
    %get3A_16 = arith.constant 0 : index
    %get3A_17 = arith.constant 0 : index
    %get3A_18 = vector.load %arg4[%get3A_16, %get3A_17] : memref<1x256xf32, #tpu.memory_space<vmem>>, vector<1x256xf32>
    %add3A = vector.broadcast %get3A_18 : vector<1x256xf32> to vector<16000x256xf32>
    %add3A_19 = arith.addf %dot_general3A_15, %add3A : vector<16000x256xf32>
    %iota3A = tpu.iota {dimensions = array<i32: 0>} : vector<16x256xi32>
    %iota3A_20 = tpu.iota {dimensions = array<i32: 1>} : vector<16x256xi32>
    %jit3A = arith.constant 16 : i32
    %div3A = vector.broadcast %jit3A : i32 to vector<16x256xi32>
    %div3A_21 = arith.divsi %iota3A_20, %div3A : vector<16x256xi32>
    %sign3A = arith.constant 0 : i32
    %sign3A_22 = vector.broadcast %sign3A : i32 to vector<16x256xi32>
    %sign3A_23 = arith.cmpi sgt, %iota3A_20, %sign3A_22 : vector<16x256xi32>
    %sign3A_24 = arith.extui %sign3A_23 : vector<16x256xi1> to vector<16x256xi32>
    %sign3A_25 = arith.constant 0 : i32
    %sign3A_26 = vector.broadcast %sign3A_25 : i32 to vector<16x256xi32>
    %sign3A_27 = arith.cmpi slt, %iota3A_20, %sign3A_26 : vector<16x256xi32>
    %sign3A_28 = arith.extui %sign3A_27 : vector<16x256xi1> to vector<16x256xi32>
    %sign3A_29 = arith.subi %sign3A_24, %sign3A_28 : vector<16x256xi32>
    %sign3A_30 = arith.constant 0 : i32
    %sign3A_31 = arith.cmpi sgt, %jit3A, %sign3A_30 : i32
    %sign3A_32 = arith.extui %sign3A_31 : i1 to i32
    %sign3A_33 = arith.constant 0 : i32
    %sign3A_34 = arith.cmpi slt, %jit3A, %sign3A_33 : i32
    %sign3A_35 = arith.extui %sign3A_34 : i1 to i32
    %sign3A_36 = arith.subi %sign3A_32, %sign3A_35 : i32
    %ne3A = vector.broadcast %sign3A_36 : i32 to vector<16x256xi32>
    %ne3A_37 = arith.cmpi ne, %sign3A_29, %ne3A : vector<16x256xi32>
    %rem3A = vector.broadcast %jit3A : i32 to vector<16x256xi32>
    %rem3A_38 = arith.remsi %iota3A_20, %rem3A : vector<16x256xi32>
    %ne3A_39 = arith.constant 0 : i32
    %ne3A_40 = vector.broadcast %ne3A_39 : i32 to vector<16x256xi32>
    %ne3A_41 = arith.cmpi ne, %rem3A_38, %ne3A_40 : vector<16x256xi32>
    %and3A = arith.andi %ne3A_37, %ne3A_41 : vector<16x256xi1>
    %sub3A = arith.constant 1 : i32
    %sub3A_42 = vector.broadcast %sub3A : i32 to vector<16x256xi32>
    %sub3A_43 = arith.subi %div3A_21, %sub3A_42 : vector<16x256xi32>
    %select_n3A = arith.select %and3A, %sub3A_43, %div3A_21 : vector<16x256xi1>, vector<16x256xi32>
    %eq3A = arith.cmpi eq, %iota3A, %select_n3A : vector<16x256xi32>
    %jit3A_44 = arith.constant 1.000000e+00 : f32
    %jit3A_45 = arith.constant 0.000000e+00 : f32
    %broadcast_in_dim3A = vector.broadcast %jit3A_44 : f32 to vector<16x256xf32>
    %broadcast_in_dim3A_46 = vector.broadcast %jit3A_45 : f32 to vector<16x256xf32>
    %select_n3A_47 = arith.select %eq3A, %broadcast_in_dim3A, %broadcast_in_dim3A_46 : vector<16x256xi1>, vector<16x256xf32>
    %dot_general3A_48 = arith.constant dense<0.000000e+00> : vector<16000x256xf32>
    %dot_general3A_49 = tpu.matmul %concatenate3A, %select_n3A_47, %dot_general3A_48 {dimension_numbers = #tpu.dot_dimension_numbers<[1], [0], [0], [1], [0, 0, 1, 1], [], []>, transpose_lhs_hint = false} : vector<16000x16xf32>, vector<16x256xf32>, vector<16000x256xf32> -> vector<16000x256xf32>
    %iota3A_50 = tpu.iota {dimensions = array<i32: 0>} : vector<256x16xi32>
    %jit3A_51 = arith.constant 16 : i32
    %eq3A_52 = arith.constant 0 : i32
    %eq3A_53 = arith.cmpi eq, %jit3A_51, %eq3A_52 : i32
    %jit3A_54 = arith.constant 1 : i32
    %select_n3A_55 = arith.select %eq3A_53, %jit3A_54, %jit3A_51 : i32
    %rem3A_56 = vector.broadcast %select_n3A_55 : i32 to vector<256x16xi32>
    %rem3A_57 = arith.remsi %iota3A_50, %rem3A_56 : vector<256x16xi32>
    %ne3A_58 = arith.constant 0 : i32
    %ne3A_59 = vector.broadcast %ne3A_58 : i32 to vector<256x16xi32>
    %ne3A_60 = arith.cmpi ne, %rem3A_57, %ne3A_59 : vector<256x16xi32>
    %lt3A = arith.constant 0 : i32
    %lt3A_61 = vector.broadcast %lt3A : i32 to vector<256x16xi32>
    %lt3A_62 = arith.cmpi slt, %rem3A_57, %lt3A_61 : vector<256x16xi32>
    %lt3A_63 = arith.constant 0 : i32
    %lt3A_64 = arith.cmpi slt, %select_n3A_55, %lt3A_63 : i32
    %ne3A_65 = vector.broadcast %lt3A_64 : i1 to vector<256x16xi1>
    %ne3A_66 = vector.broadcast %ne3A_65 : vector<256x16xi1> to vector<256x16xi1>
    %ne3A_67 = arith.xori %lt3A_62, %ne3A_66 : vector<256x16xi1>
    %and3A_68 = arith.andi %ne3A_67, %ne3A_60 : vector<256x16xi1>
    %add3A_69 = vector.broadcast %select_n3A_55 : i32 to vector<256x16xi32>
    %add3A_70 = arith.addi %rem3A_57, %add3A_69 : vector<256x16xi32>
    %select_n3A_71 = arith.select %and3A_68, %add3A_70, %rem3A_57 : vector<256x16xi1>, vector<256x16xi32>
    %iota3A_72 = tpu.iota {dimensions = array<i32: 1>} : vector<256x16xi32>
    %eq3A_73 = arith.cmpi eq, %select_n3A_71, %iota3A_72 : vector<256x16xi32>
    %jit3A_74 = arith.constant 1.000000e+00 : f32
    %jit3A_75 = arith.constant 0.000000e+00 : f32
    %broadcast_in_dim3A_76 = vector.broadcast %jit3A_74 : f32 to vector<256x16xf32>
    %broadcast_in_dim3A_77 = vector.broadcast %jit3A_75 : f32 to vector<256x16xf32>
    %select_n3A_78 = arith.select %eq3A_73, %broadcast_in_dim3A_76, %broadcast_in_dim3A_77 : vector<256x16xi1>, vector<256x16xf32>
    %mul3A = arith.mulf %add3A_19, %dot_general3A_49 : vector<16000x256xf32>
    %dot_general3A_79 = arith.constant dense<0.000000e+00> : vector<16000x16xf32>
    %dot_general3A_80 = tpu.matmul %mul3A, %select_n3A_78, %dot_general3A_79 {dimension_numbers = #tpu.dot_dimension_numbers<[1], [0], [0], [1], [0, 0, 1, 1], [], []>, transpose_lhs_hint = false} : vector<16000x256xf32>, vector<256x16xf32>, vector<16000x16xf32> -> vector<16000x16xf32>
    %slice3A_81 = vector.extract_strided_slice %dot_general3A_80 {offsets = [0, 0], sizes = [2000, 16], strides = [1, 1]} : vector<16000x16xf32> to vector<2000x16xf32>
    %swap3A = arith.constant 0 : index
    %swap3A_82 = arith.constant 0 : index
    %swap3A_83 = vector.load %arg5[%swap3A, %swap3A_82] : memref<2000x128xf32, #tpu.memory_space<vmem>>, vector<2000x16xf32>
    tpu.vector_store %arg5[%swap3A, %swap3A_82], %slice3A_81 {strides = array<i32>} : memref<2000x128xf32, #tpu.memory_space<vmem>>, vector<2000x16xf32>,
    %slice3A_84 = vector.extract_strided_slice %dot_general3A_80 {offsets = [2000, 0], sizes = [2000, 16], strides = [1, 1]} : vector<16000x16xf32> to vector<2000x16xf32>
    %swap3A_85 = arith.constant 0 : index
    %swap3A_86 = arith.constant 16 : index
    %swap3A_87 = vector.load %arg5[%swap3A_85, %swap3A_86] : memref<2000x128xf32, #tpu.memory_space<vmem>>, vector<2000x16xf32>
    tpu.vector_store %arg5[%swap3A_85, %swap3A_86], %slice3A_84 {strides = array<i32>} : memref<2000x128xf32, #tpu.memory_space<vmem>>, vector<2000x16xf32>,
    %slice3A_88 = vector.extract_strided_slice %dot_general3A_80 {offsets = [4000, 0], sizes = [2000, 16], strides = [1, 1]} : vector<16000x16xf32> to vector<2000x16xf32>
    %swap3A_89 = arith.constant 0 : index
    %swap3A_90 = arith.constant 32 : index
    %swap3A_91 = vector.load %arg5[%swap3A_89, %swap3A_90] : memref<2000x128xf32, #tpu.memory_space<vmem>>, vector<2000x16xf32>
    tpu.vector_store %arg5[%swap3A_89, %swap3A_90], %slice3A_88 {strides = array<i32>} : memref<2000x128xf32, #tpu.memory_space<vmem>>, vector<2000x16xf32>,
    %slice3A_92 = vector.extract_strided_slice %dot_general3A_80 {offsets = [6000, 0], sizes = [2000, 16], strides = [1, 1]} : vector<16000x16xf32> to vector<2000x16xf32>
    %swap3A_93 = arith.constant 0 : index
    %swap3A_94 = arith.constant 48 : index
    %swap3A_95 = vector.load %arg5[%swap3A_93, %swap3A_94] : memref<2000x128xf32, #tpu.memory_space<vmem>>, vector<2000x16xf32>
    tpu.vector_store %arg5[%swap3A_93, %swap3A_94], %slice3A_92 {strides = array<i32>} : memref<2000x128xf32, #tpu.memory_space<vmem>>, vector<2000x16xf32>,
    %slice3A_96 = vector.extract_strided_slice %dot_general3A_80 {offsets = [8000, 0], sizes = [2000, 16], strides = [1, 1]} : vector<16000x16xf32> to vector<2000x16xf32>
    %swap3A_97 = arith.constant 0 : index
    %swap3A_98 = arith.constant 64 : index
    %swap3A_99 = vector.load %arg5[%swap3A_97, %swap3A_98] : memref<2000x128xf32, #tpu.memory_space<vmem>>, vector<2000x16xf32>
    tpu.vector_store %arg5[%swap3A_97, %swap3A_98], %slice3A_96 {strides = array<i32>} : memref<2000x128xf32, #tpu.memory_space<vmem>>, vector<2000x16xf32>,
    %slice3A_100 = vector.extract_strided_slice %dot_general3A_80 {offsets = [10000, 0], sizes = [2000, 16], strides = [1, 1]} : vector<16000x16xf32> to vector<2000x16xf32>
    %swap3A_101 = arith.constant 0 : index
    %swap3A_102 = arith.constant 80 : index
    %swap3A_103 = vector.load %arg5[%swap3A_101, %swap3A_102] : memref<2000x128xf32, #tpu.memory_space<vmem>>, vector<2000x16xf32>
    tpu.vector_store %arg5[%swap3A_101, %swap3A_102], %slice3A_100 {strides = array<i32>} : memref<2000x128xf32, #tpu.memory_space<vmem>>, vector<2000x16xf32>,
    %slice3A_104 = vector.extract_strided_slice %dot_general3A_80 {offsets = [12000, 0], sizes = [2000, 16], strides = [1, 1]} : vector<16000x16xf32> to vector<2000x16xf32>
    %swap3A_105 = arith.constant 0 : index
    %swap3A_106 = arith.constant 96 : index
    %swap3A_107 = vector.load %arg5[%swap3A_105, %swap3A_106] : memref<2000x128xf32, #tpu.memory_space<vmem>>, vector<2000x16xf32>
    tpu.vector_store %arg5[%swap3A_105, %swap3A_106], %slice3A_104 {strides = array<i32>} : memref<2000x128xf32, #tpu.memory_space<vmem>>, vector<2000x16xf32>,
    %slice3A_108 = vector.extract_strided_slice %dot_general3A_80 {offsets = [14000, 0], sizes = [2000, 16], strides = [1, 1]} : vector<16000x16xf32> to vector<2000x16xf32>
    %swap3A_109 = arith.constant 0 : index
    %swap3A_110 = arith.constant 112 : index
    %swap3A_111 = vector.load %arg5[%swap3A_109, %swap3A_110] : memref<2000x128xf32, #tpu.memory_space<vmem>>, vector<2000x16xf32>
    tpu.vector_store %arg5[%swap3A_109, %swap3A_110], %slice3A_108 {strides = array<i32>} : memref<2000x128xf32, #tpu.memory_space<vmem>>, vector<2000x16xf32>,
    return
  }
  func.func @transform_0(%arg0: i32) -> (i32, i32) {
    %c0_i32 = arith.constant 0 : i32
    %c0_i32_0 = arith.constant 0 : i32
    return %c0_i32, %arg0 : i32, i32
  }
  func.func @transform_1(%arg0: i32) -> (i32, i32) {
    %c0_i32 = arith.constant 0 : i32
    %c0_i32_0 = arith.constant 0 : i32
    return %arg0, %c0_i32 : i32, i32
  }
  func.func @transform_2(%arg0: i32) -> (i32, i32) {
    %c0_i32 = arith.constant 0 : i32
    %c0_i32_0 = arith.constant 0 : i32
    %c0_i32_1 = arith.constant 0 : i32
    return %c0_i32, %c0_i32_0 : i32, i32
  }
  func.func @transform_3(%arg0: i32) -> (i32, i32) {
    %c0_i32 = arith.constant 0 : i32
    %c0_i32_0 = arith.constant 0 : i32
    %c0_i32_1 = arith.constant 0 : i32
    return %c0_i32, %c0_i32_0 : i32, i32
  }
  func.func @transform_4(%arg0: i32) -> (i32, i32) {
    %c0_i32 = arith.constant 0 : i32
    %c0_i32_0 = arith.constant 0 : i32
    return %arg0, %c0_i32 : i32, i32
  }
}

module attributes {stable_mosaic.version = 14 : i64} {
  func.func @_update_out_body(%arg0: i32, %arg1: memref<1250x128xf32, #tpu.memory_space<vmem>>, %arg2: memref<2500x128xf32, #tpu.memory_space<vmem>>, %arg3: memref<16x16xf32, #tpu.memory_space<vmem>>, %arg4: memref<1x16xf32, #tpu.memory_space<vmem>>, %arg5: memref<16x16xf32, #tpu.memory_space<vmem>>, %arg6: memref<1x16xf32, #tpu.memory_space<vmem>>, %arg7: memref<16x1xf32, #tpu.memory_space<vmem>>, %arg8: memref<1x1xf32, #tpu.memory_space<vmem>>, %arg9: memref<10000x1xf32, #tpu.memory_space<vmem>>) attributes {dimension_semantics = [#tpu.dimension_semantics<arbitrary>], iteration_bounds = array<i64: 1>, scalar_prefetch = 0 : i64, scratch_operands = 0 : i64, tpu.core_type = #tpu.core_type<tc>, window_params = [{pipeline_mode = #tpu.pipeline_mode<synchronous>, transform_indices = @transform_0, window_bounds = array<i64: 1250, 128>}, {pipeline_mode = #tpu.pipeline_mode<synchronous>, transform_indices = @transform_1, window_bounds = array<i64: 2500, 128>}, {pipeline_mode = #tpu.pipeline_mode<synchronous>, transform_indices = @transform_2, window_bounds = array<i64: 16, 16>}, {pipeline_mode = #tpu.pipeline_mode<synchronous>, transform_indices = @transform_3, window_bounds = array<i64: 1, 16>}, {pipeline_mode = #tpu.pipeline_mode<synchronous>, transform_indices = @transform_4, window_bounds = array<i64: 16, 16>}, {pipeline_mode = #tpu.pipeline_mode<synchronous>, transform_indices = @transform_5, window_bounds = array<i64: 1, 16>}, {pipeline_mode = #tpu.pipeline_mode<synchronous>, transform_indices = @transform_6, window_bounds = array<i64: 16, 1>}, {pipeline_mode = #tpu.pipeline_mode<synchronous>, transform_indices = @transform_7, window_bounds = array<i64: 1, 1>}, {pipeline_mode = #tpu.pipeline_mode<synchronous>, transform_indices = @transform_8, window_bounds = array<i64: 10000, 1>}]} {
    %get3A = arith.constant 0 : index
    %get3A_0 = arith.constant 0 : index
    %get3A_1 = vector.load %arg1[%get3A, %get3A_0] : memref<1250x128xf32, #tpu.memory_space<vmem>>, vector<1250x128xf32>
    %slice3A = vector.extract_strided_slice %get3A_1 {offsets = [0, 0], sizes = [1250, 16], strides = [1, 1]} : vector<1250x128xf32> to vector<1250x16xf32>
    %slice3A_2 = vector.extract_strided_slice %get3A_1 {offsets = [0, 16], sizes = [1250, 16], strides = [1, 1]} : vector<1250x128xf32> to vector<1250x16xf32>
    %slice3A_3 = vector.extract_strided_slice %get3A_1 {offsets = [0, 32], sizes = [1250, 16], strides = [1, 1]} : vector<1250x128xf32> to vector<1250x16xf32>
    %slice3A_4 = vector.extract_strided_slice %get3A_1 {offsets = [0, 48], sizes = [1250, 16], strides = [1, 1]} : vector<1250x128xf32> to vector<1250x16xf32>
    %slice3A_5 = vector.extract_strided_slice %get3A_1 {offsets = [0, 64], sizes = [1250, 16], strides = [1, 1]} : vector<1250x128xf32> to vector<1250x16xf32>
    %slice3A_6 = vector.extract_strided_slice %get3A_1 {offsets = [0, 80], sizes = [1250, 16], strides = [1, 1]} : vector<1250x128xf32> to vector<1250x16xf32>
    %slice3A_7 = vector.extract_strided_slice %get3A_1 {offsets = [0, 96], sizes = [1250, 16], strides = [1, 1]} : vector<1250x128xf32> to vector<1250x16xf32>
    %slice3A_8 = vector.extract_strided_slice %get3A_1 {offsets = [0, 112], sizes = [1250, 16], strides = [1, 1]} : vector<1250x128xf32> to vector<1250x16xf32>
    %concatenate3A = tpu.concatenate %slice3A, %slice3A_2, %slice3A_3, %slice3A_4, %slice3A_5, %slice3A_6, %slice3A_7, %slice3A_8 in 0 : vector<1250x16xf32>, vector<1250x16xf32>, vector<1250x16xf32>, vector<1250x16xf32>, vector<1250x16xf32>, vector<1250x16xf32>, vector<1250x16xf32>, vector<1250x16xf32> -> vector<10000x16xf32>
    %get3A_9 = arith.constant 0 : index
    %get3A_10 = arith.constant 0 : index
    %get3A_11 = vector.load %arg2[%get3A_9, %get3A_10] : memref<2500x128xf32, #tpu.memory_space<vmem>>, vector<2500x128xf32>
    %slice3A_12 = vector.extract_strided_slice %get3A_11 {offsets = [0, 0], sizes = [1250, 128], strides = [1, 1]} : vector<2500x128xf32> to vector<1250x128xf32>
    %slice3A_13 = vector.extract_strided_slice %get3A_11 {offsets = [1250, 0], sizes = [1250, 128], strides = [1, 1]} : vector<2500x128xf32> to vector<1250x128xf32>
    %add3A = arith.addf %slice3A_12, %slice3A_13 : vector<1250x128xf32>
    %slice3A_14 = vector.extract_strided_slice %add3A {offsets = [0, 0], sizes = [1250, 16], strides = [1, 1]} : vector<1250x128xf32> to vector<1250x16xf32>
    %slice3A_15 = vector.extract_strided_slice %add3A {offsets = [0, 16], sizes = [1250, 16], strides = [1, 1]} : vector<1250x128xf32> to vector<1250x16xf32>
    %slice3A_16 = vector.extract_strided_slice %add3A {offsets = [0, 32], sizes = [1250, 16], strides = [1, 1]} : vector<1250x128xf32> to vector<1250x16xf32>
    %slice3A_17 = vector.extract_strided_slice %add3A {offsets = [0, 48], sizes = [1250, 16], strides = [1, 1]} : vector<1250x128xf32> to vector<1250x16xf32>
    %slice3A_18 = vector.extract_strided_slice %add3A {offsets = [0, 64], sizes = [1250, 16], strides = [1, 1]} : vector<1250x128xf32> to vector<1250x16xf32>
    %slice3A_19 = vector.extract_strided_slice %add3A {offsets = [0, 80], sizes = [1250, 16], strides = [1, 1]} : vector<1250x128xf32> to vector<1250x16xf32>
    %slice3A_20 = vector.extract_strided_slice %add3A {offsets = [0, 96], sizes = [1250, 16], strides = [1, 1]} : vector<1250x128xf32> to vector<1250x16xf32>
    %slice3A_21 = vector.extract_strided_slice %add3A {offsets = [0, 112], sizes = [1250, 16], strides = [1, 1]} : vector<1250x128xf32> to vector<1250x16xf32>
    %concatenate3A_22 = tpu.concatenate %slice3A_14, %slice3A_15, %slice3A_16, %slice3A_17, %slice3A_18, %slice3A_19, %slice3A_20, %slice3A_21 in 0 : vector<1250x16xf32>, vector<1250x16xf32>, vector<1250x16xf32>, vector<1250x16xf32>, vector<1250x16xf32>, vector<1250x16xf32>, vector<1250x16xf32>, vector<1250x16xf32> -> vector<10000x16xf32>
    %get3A_23 = arith.constant 0 : index
    %get3A_24 = arith.constant 0 : index
    %get3A_25 = vector.load %arg3[%get3A_23, %get3A_24] : memref<16x16xf32, #tpu.memory_space<vmem>>, vector<16x16xf32>
    %dot_general3A = arith.constant dense<0.000000e+00> : vector<10000x16xf32>
    %dot_general3A_26 = tpu.matmul %concatenate3A, %get3A_25, %dot_general3A {dimension_numbers = #tpu.dot_dimension_numbers<[1], [0], [0], [1], [0, 0, 1, 1], [], []>, transpose_lhs_hint = false} : vector<10000x16xf32>, vector<16x16xf32>, vector<10000x16xf32> -> vector<10000x16xf32>
    %add3A_27 = arith.addf %concatenate3A_22, %dot_general3A_26 : vector<10000x16xf32>
    %get3A_28 = arith.constant 0 : index
    %get3A_29 = arith.constant 0 : index
    %get3A_30 = vector.load %arg4[%get3A_28, %get3A_29] : memref<1x16xf32, #tpu.memory_space<vmem>>, vector<1x16xf32>
    %add3A_31 = vector.broadcast %get3A_30 : vector<1x16xf32> to vector<10000x16xf32>
    %add3A_32 = arith.addf %add3A_27, %add3A_31 : vector<10000x16xf32>
    %max3A = arith.constant 0.000000e+00 : f32
    %max3A_33 = vector.broadcast %max3A : f32 to vector<10000x16xf32>
    %max3A_34 = arith.maximumf %add3A_32, %max3A_33 : vector<10000x16xf32>
    %get3A_35 = arith.constant 0 : index
    %get3A_36 = arith.constant 0 : index
    %get3A_37 = vector.load %arg5[%get3A_35, %get3A_36] : memref<16x16xf32, #tpu.memory_space<vmem>>, vector<16x16xf32>
    %dot_general3A_38 = arith.constant dense<0.000000e+00> : vector<10000x16xf32>
    %dot_general3A_39 = tpu.matmul %concatenate3A, %get3A_37, %dot_general3A_38 {dimension_numbers = #tpu.dot_dimension_numbers<[1], [0], [0], [1], [0, 0, 1, 1], [], []>, transpose_lhs_hint = false} : vector<10000x16xf32>, vector<16x16xf32>, vector<10000x16xf32> -> vector<10000x16xf32>
    %get3A_40 = arith.constant 0 : index
    %get3A_41 = arith.constant 0 : index
    %get3A_42 = vector.load %arg6[%get3A_40, %get3A_41] : memref<1x16xf32, #tpu.memory_space<vmem>>, vector<1x16xf32>
    %add3A_43 = vector.broadcast %get3A_42 : vector<1x16xf32> to vector<10000x16xf32>
    %add3A_44 = arith.addf %dot_general3A_39, %add3A_43 : vector<10000x16xf32>
    %max3A_45 = arith.constant 0.000000e+00 : f32
    %max3A_46 = vector.broadcast %max3A_45 : f32 to vector<10000x16xf32>
    %max3A_47 = arith.maximumf %add3A_44, %max3A_46 : vector<10000x16xf32>
    %add3A_48 = arith.addf %max3A_34, %max3A_47 : vector<10000x16xf32>
    %add3A_49 = arith.addf %add3A_48, %concatenate3A : vector<10000x16xf32>
    %get3A_50 = arith.constant 0 : index
    %get3A_51 = arith.constant 0 : index
    %get3A_52 = vector.load %arg7[%get3A_50, %get3A_51] : memref<16x1xf32, #tpu.memory_space<vmem>>, vector<16x1xf32>
    %dot_general3A_53 = arith.constant dense<0.000000e+00> : vector<10000x1xf32>
    %dot_general3A_54 = tpu.matmul %add3A_49, %get3A_52, %dot_general3A_53 {dimension_numbers = #tpu.dot_dimension_numbers<[1], [0], [0], [1], [0, 0, 1, 1], [], []>, transpose_lhs_hint = false} : vector<10000x16xf32>, vector<16x1xf32>, vector<10000x1xf32> -> vector<10000x1xf32>
    %get3A_55 = arith.constant 0 : index
    %get3A_56 = arith.constant 0 : index
    %get3A_57 = vector.load %arg8[%get3A_55, %get3A_56] : memref<1x1xf32, #tpu.memory_space<vmem>>, vector<1x1xf32>
    %add3A_58 = vector.broadcast %get3A_57 : vector<1x1xf32> to vector<10000x1xf32>
    %add3A_59 = arith.addf %dot_general3A_54, %add3A_58 : vector<10000x1xf32>
    %swap3A = arith.constant 0 : index
    %swap3A_60 = arith.constant 0 : index
    %swap3A_61 = vector.load %arg9[%swap3A, %swap3A_60] : memref<10000x1xf32, #tpu.memory_space<vmem>>, vector<10000x1xf32>
    tpu.vector_store %arg9[%swap3A, %swap3A_60], %add3A_59 {strides = array<i32>} : memref<10000x1xf32, #tpu.memory_space<vmem>>, vector<10000x1xf32>,
    return
  }
  func.func @transform_0(%arg0: i32) -> (i32, i32) {
    %c0_i32 = arith.constant 0 : i32
    %c0_i32_0 = arith.constant 0 : i32
    %c0_i32_1 = arith.constant 0 : i32
    return %c0_i32, %c0_i32_0 : i32, i32
  }
  func.func @transform_1(%arg0: i32) -> (i32, i32) {
    %c0_i32 = arith.constant 0 : i32
    %c0_i32_0 = arith.constant 0 : i32
    %c0_i32_1 = arith.constant 0 : i32
    return %c0_i32, %c0_i32_0 : i32, i32
  }
  func.func @transform_2(%arg0: i32) -> (i32, i32) {
    %c0_i32 = arith.constant 0 : i32
    %c0_i32_0 = arith.constant 0 : i32
    %c0_i32_1 = arith.constant 0 : i32
    return %c0_i32, %c0_i32_0 : i32, i32
  }
  func.func @transform_3(%arg0: i32) -> (i32, i32) {
    %c0_i32 = arith.constant 0 : i32
    %c0_i32_0 = arith.constant 0 : i32
    %c0_i32_1 = arith.constant 0 : i32
    return %c0_i32, %c0_i32_0 : i32, i32
  }
  func.func @transform_4(%arg0: i32) -> (i32, i32) {
    %c0_i32 = arith.constant 0 : i32
    %c0_i32_0 = arith.constant 0 : i32
    %c0_i32_1 = arith.constant 0 : i32
    return %c0_i32, %c0_i32_0 : i32, i32
  }
  func.func @transform_5(%arg0: i32) -> (i32, i32) {
    %c0_i32 = arith.constant 0 : i32
    %c0_i32_0 = arith.constant 0 : i32
    %c0_i32_1 = arith.constant 0 : i32
    return %c0_i32, %c0_i32_0 : i32, i32
  }
  func.func @transform_6(%arg0: i32) -> (i32, i32) {
    %c0_i32 = arith.constant 0 : i32
    %c0_i32_0 = arith.constant 0 : i32
    %c0_i32_1 = arith.constant 0 : i32
    return %c0_i32, %c0_i32_0 : i32, i32
  }
  func.func @transform_7(%arg0: i32) -> (i32, i32) {
    %c0_i32 = arith.constant 0 : i32
    %c0_i32_0 = arith.constant 0 : i32
    %c0_i32_1 = arith.constant 0 : i32
    return %c0_i32, %c0_i32_0 : i32, i32
  }
  func.func @transform_8(%arg0: i32) -> (i32, i32) {
    %c0_i32 = arith.constant 0 : i32
    %c0_i32_0 = arith.constant 0 : i32
    %c0_i32_1 = arith.constant 0 : i32
    return %c0_i32, %c0_i32_0 : i32, i32
  }
}

</mosaic_0001>

<sc_bundles>
// kernel: gather_offload_async_start.1
scs
__scs_entry_jumppad:
0x0: {  	(pc) =	sbr.rel $0x88, $3  }
0x1: {  	(tag) =	ssettag $0x0;
	lr =	simm.s32 $0x1  }
0x2: {  	[smem:$0x3F8E] =	sst lr;
	_ =	strace $0xD0000000  }
0x3: {  	_ = 	snop  }
0x4: {  	_ = 	snop  }
0x5: {  	_ = 	snop  }
0x6: {  	_ = 	snop  }
0x7: {  	_ = 	snop  }
__scs_overlays_trampoline_lowered:
0x8: {  	[smem:$0x3F9D] =	sst s0  }
0x9: {  	[smem:$0x3F9E] =	sst s1  }
0xa: {  	[smem:$0x3F9F] =	sst s2  }
0xb: {  	[smem:$0x3FA0] =	sst s3  }
0xc: {  	[smem:$0x3FA1] =	sst s4  }
0xd: {  	[smem:$0x3FA2] =	sst s5  }
0xe: {  	[smem:$0x3FA3] =	sst s6  }
0xf: {  	[smem:$0x3FA4] =	sst s7  }
0x10: {  	[smem:$0x3FA5] =	sst s8  }
0x11: {  	[smem:$0x3FA6] =	sst s9;
	s0 =	simm.s32 @!p0 $0x0  }
0x12: {  	s1 =	sld [smem:$0x3F8C];
	s0 =	simm.s32 @p0 $0x1  }
0x13: {  	[smem:$0x3FA7] =	sst s0;
	s0 =	simm.s32 @!p1 $0x0  }
0x14: {  	s2 =	sld [smem:$0x3F8B];
	s0 =	simm.s32 @p1 $0x1  }
0x15: {  	[smem:$0x3FA8] =	sst s0;
	s0 =	simm.s32 @!p2 $0x0  }
0x16: {  	s3 =	sld [smem:$0x3FDB];
	s0 =	simm.s32 @p2 $0x1  }
0x17: {  	s4 =	simm.s32 $0x1BF5;
	[smem:$0x3FAA] =	sst s0  }
0x18: {  	s0 =	sld [smem:$0x3F8D];
	_ =	swait.ge [sflag:s4], $0x0  }
0x19: {  	s7 =	sld [smem:$0x3F8E]  }
0x1a: {  	s8 =	sadd.s32 $0xFFFFE003, lr  }
0x1b: {  	s9 =	sadd.s32 $0xFFFFFEF7, lr;
	s5 =	simm.s32 $0xFFFFFFFF;
	p2 =	slt.u32 s8, $0xFFFFF086  }
0x1c: {  	p1 =	slt.u32 s9, $0xF7A;
	s5 =	simm.s32 @!p2 $0x0  }
0x1d: {  	s5 =	simm.s32 @p1 $0x1;
	p0 =	seq.s32 s7, s2  }
0x1e: {  	s7 =	smul.u32 @!p0 $0xF7A, s2;
	p2 =	seq.s32 @!p0 s5, $0x0  }
0x1f: {  	s9 =	smul.u32 $0xF7A, s1;
	s8 =	simm.s32 @!p0 $0x1BF5;
	p2 =	por !p2, p0  }
0x20: {  	[sflag:s8] =	ssyncset.s32 @!p0 $0xFFFFF086;
	s6 =	sadd.s32 @!p0 s3, s7;
	s7 =	simm.s32 @!p0 $0x108  }
0x21: {  	s3 =	sadd.s32 s3, s9;
	s6 =	sadd.s32 @!p0 $0x88, s6;
	s7 =	simm.s32 @p2 $0x1082  }
0x22: {  	[simem:s7], [sflag:s8] =	dma.local @!p0 [hbm:s6], $0xF7A  }
0x23: {  	s9 =	sor.u32 $0xD0000000, s2;
	s6 =	simm.s32 $0x108;
	_ =	swait.ge @!p0 [sflag:s8], $0x0  }
0x24: {  	s3 =	sadd.s32 $0x88, s3;
	s6 =	simm.s32 @!p1 $0x1082;
	[sflag:s4] =	ssyncset.s32 $0xFFFFF086  }
0x25: {  	[simem:s6], [sflag:s4] =	dma.local [hbm:s3], $0xF7A  }
0x26: {  	[smem:$0x3F8E] =	sst s1;
	(tag) =	ssettag s2;
	_ =	strace s9  }
0x27: {  	s1 =	sld [smem:$0x3F9E]  }
0x28: {  	s2 =	sld [smem:$0x3F9F]  }
0x29: {  	s4 =	sld [smem:$0x3FA1]  }
0x2a: {  	p0 =	seq.s32 s5, $0x0;
	s5 =	sld [smem:$0x3FA2]  }
0x2b: {  	s6 =	sld [smem:$0x3FA3]  }
0x2c: {  	s7 =	sld [smem:$0x3FA4]  }
0x2d: {  	s3 =	simm.s32 $0x108;
	s8 =	sld [smem:$0x3FA5]  }
0x2e: {  	s3 =	simm.s32 @!p0 $0x1082;
	s9 =	sld [smem:$0x3FA6]  }
0x2f: {  	lr =	sadd.s32 s0, s3;
	s0 =	sld [smem:$0x3F9D]  }
0x30: {  	s3 =	sld [smem:$0x3FA0]  }
0x31: {  	[smem:$0x3FA9] =	sst s10  }
0x32: {  	s10 =	sld [smem:$0x3FA7];
	_ =	sdelay $0x3  }
0x33: {  	p0 =	seq.s32 s10, $0x1;
	s10 =	sld [smem:$0x3FA9];
	_ =	sdelay $0x3  }
0x34: {  	[smem:$0x3FA9] =	sst s10  }
0x35: {  	s10 =	sld [smem:$0x3FA8];
	_ =	sdelay $0x3  }
0x36: {  	p1 =	seq.s32 s10, $0x1;
	s10 =	sld [smem:$0x3FA9];
	_ =	sdelay $0x3  }
0x37: {  	[smem:$0x3FA9] =	sst s10  }
0x38: {  	s10 =	sld [smem:$0x3FAA]  }
0x39: {  	_ = 	snop;
	(pc) =	sbr.ind lr, $3  }
0x3a: {  	_ = 	snop  }
0x3b: {  	_ = 	snop  }
0x3c: {  	p2 =	seq.s32 s10, $0x1;
	s10 =	sld [smem:$0x3FA9]  }
0x3d: {  	_ =	shalt  }
0x3e: {  	_ =	shalt  }
0x3f: {  	_ =	shalt  }
0x40: {  	_ =	shalt  }
0x41: {  	_ =	shalt  }
0x42: {  	_ =	shalt  }
0x43: {  	_ =	shalt  }
0x44: {  	_ =	shalt  }
0x45: {  	_ =	shalt  }
0x46: {  	_ =	shalt  }
0x47: {  	_ =	shalt  }
0x48: {  	_ =	shalt  }
0x49: {  	_ =	shalt  }
0x4a: {  	_ =	shalt  }
0x4b: {  	_ =	shalt  }
0x4c: {  	_ =	shalt  }
0x4d: {  	_ =	shalt  }
0x4e: {  	_ =	shalt  }
0x4f: {  	_ =	shalt  }
0x50: {  	_ =	shalt  }
0x51: {  	_ =	shalt  }
0x52: {  	_ =	shalt  }
0x53: {  	_ =	shalt  }
0x54: {  	_ =	shalt  }
0x55: {  	_ =	shalt  }
0x56: {  	_ =	shalt  }
0x57: {  	_ =	shalt  }
0x58: {  	_ =	shalt  }
0x59: {  	_ =	shalt  }
0x5a: {  	_ =	shalt  }
0x5b: {  	_ =	shalt  }
0x5c: {  	_ =	shalt  }
0x5d: {  	_ =	shalt  }
0x5e: {  	_ =	shalt  }
0x5f: {  	_ =	shalt  }
0x60: {  	_ =	shalt  }
0x61: {  	_ =	shalt  }
0x62: {  	_ =	shalt  }
0x63: {  	_ =	shalt  }
0x64: {  	_ =	shalt  }
0x65: {  	_ =	shalt  }
0x66: {  	_ =	shalt  }
0x67: {  	_ =	shalt  }
0x68: {  	_ =	shalt  }
0x69: {  	_ =	shalt  }
0x6a: {  	_ =	shalt  }
0x6b: {  	_ =	shalt  }
0x6c: {  	_ =	shalt  }
0x6d: {  	_ =	shalt  }
0x6e: {  	_ =	shalt  }
0x6f: {  	_ =	shalt  }
0x70: {  	_ =	shalt  }
0x71: {  	_ =	shalt  }
0x72: {  	_ =	shalt  }
0x73: {  	_ =	shalt  }
0x74: {  	_ =	shalt  }
0x75: {  	_ =	shalt  }
0x76: {  	_ =	shalt  }
0x77: {  	_ =	shalt  }
0x78: {  	_ =	shalt  }
0x79: {  	_ =	shalt  }
0x7a: {  	_ =	shalt  }
0x7b: {  	_ =	shalt  }
0x7c: {  	_ =	shalt  }
0x7d: {  	_ =	shalt  }
0x7e: {  	_ =	shalt  }
0x7f: {  	_ =	shalt  }
0x80: {  	_ =	shalt  }
0x81: {  	_ =	shalt  }
0x82: {  	_ =	shalt  }
0x83: {  	_ =	shalt  }
0x84: {  	_ =	shalt  }
0x85: {  	_ =	shalt  }
0x86: {  	_ =	shalt  }
0x87: {  	_ =	shalt  }
.Lfunc_end0:
.L_simem_size_0:
called_computation.1_lowered:
.L_overlay_start_0:
0x88: {  	s2 =	sld [smem:$0x3FD9]  }
0x89: {  	s3 =	sld [smem:$0x3FFE];
	_ =	sdelay $0x1  }
0x8a: {  	s1 =	srdreg.scid  }
0x8b: {  	s0 =	sand.u32 $0x1, s1  }
0x8c: {  	s16 =	sshll.u32 s0, $0xA;
	s2 =	sadd.s32 s3, s2  }
0x8d: {  	s2 =	sadd.s32 s2, s16  }
0x8e: {  	[smem:$0x3FB5] =	sst s2  }
0x8f: {  	_ = 	snop  }
0x90: {  	(tm) =	ssettm $0x1  }
0x91: {  	s17 =	sld [smem:$0x3FFB];
	_ =	sdelay $0x3  }
0x92: {  	_ =	strace s17  }
0x93: {  	s2 =	sld [smem:$0x3FFC];
	_ =	sdelay $0x3  }
0x94: {  	_ =	strace s2  }
0x95: {  	s2 =	sld [smem:$0x3FFD];
	_ =	sdelay $0x3  }
0x96: {  	_ =	strace s2  }
0x97: {  	_ =	strace $0x8FFFFFFF  }
0x98: {  	s18 =	sld [smem:$0x3FDB];
	_ =	sdelay $0x1  }
0x99: {  	s19 =	simm.s32 $_scs_section_size  }
0x9a: {  	s4 =	simm.s32 $_size__tile_overlayer_lowered;
	s5 =	simm.s32 $_tile_overlayer_lowered  }
0x9b: {  	s22 =	simm.s32 $0x1BFF;
	s21 =	sshll.u32 s5, $0x1;
	s2 =	sadd.s32 s19, s18  }
0x9c: {  	s6 =	simm.s32 $0x0;
	s20 =	sshll.u32 s4, $0x1;
	s4 =	sadd.s32 s21, s2  }
0x9d: {  	[timem:s6], [sflag:s22] =	dma.local [hbm:s4], s20  }
0x9e: {  	_ =	swait.ge [sflag:s22], s20  }
0x9f: {  	s3 =	ssub.s32 $0x0, s20;
	[sflag:s22] =	ssyncset.done $0x0  }
0xa0: {  	[sflag:s22] =	ssyncadd.s32 s3;
	_ =	sdelay $0x1  }
0xa1: {  	s23 =	simm.s32 $0x1B8B  }
0xa2: {  	_ =	swait.ge [sflag:s23], $0x1  }
0xa3: {  	[sflag:s23] =	ssyncset.done $0x0  }
0xa4: {  	s25 =	simm.s32 $0x1B8E;
	s24 =	sld [smem:$0x3FFE];
	[sflag:s23] =	ssyncadd.s32 $0xFFFFFFFF  }
0xa5: {  	s26 =	simm.s32 $execute0_lowered;
	[smem:$0x3FD2] =	sst s25  }
0xa6: {  	s4 =	sshll.u32 s26, $0x1;
	_ =	strace $0x80000049;
	[dreg:$0x1] =	wrdreg $0xFFFFFFFF  }
0xa7: {  	s28 =	simm.s32 $_size_execute0_lowered;
	s2 =	sadd.s32 s2, s4;
	[dreg:$0x0] =	wrdreg $0x0  }
0xa8: {  	s4 =	sshll.u32 s28, $0x1;
	[dreg:$0x2] =	wrdreg s2  }
0xa9: {  	[dreg:$0x3] =	wrdreg s4  }
0xaa: {  	[dreg:$0x4] =	wrdreg $0xC0  }
0xab: {  	_ =	task [dreg:s6], $0x5FFFF  }
0xac: {  	[dreg:$0x1] =	wrdreg $0xFFFFFFFF  }
0xad: {  	[dreg:$0x0] =	wrdreg $0x60  }
0xae: {  	[dreg:$0x2] =	wrdreg s24  }
0xaf: {  	[dreg:$0x3] =	wrdreg $0x9  }
0xb0: {  	_ =	task.clear_ibuf [dreg:s6], $0x4FFFF;
	_ =	strace $0x90000049  }
0xb1: {  	s29 =	simm.s32 $0x9;
	_ =	strace $0x8000004B  }
0xb2: {  	_ =	swait.ge [sflag:s29], $0x1  }
0xb3: {  	[sflag:s29] =	ssyncadd.s32 $0xFFFFFFFF  }
0xb4: {  	_ =	strace $0x9000004B  }
0xb5: {  	_ =	sfence  }
0xb6: {  	s30 =	sld [smem:$0x0];
	_ =	sdelay $0x2  }
0xb7: {  	s31 =	sshll.u32 s1, $0xD;
	s1 =	sshrl.u32 s1, $0x2  }
0xb8: {  	s3 =	sand.u32 $0x4000, s31;
	s1 =	sadd.s32 s1, s30  }
0xb9: {  	s0 =	sor.u32 s3, s0;
	s1 =	sshll.u32 s1, $0x11  }
0xba: {  	s0 =	sor.u32 s1, s0  }
0xbb: {  	s0 =	sadd.s32 $0x8F2B, s0  }
0xbc: {  	[sflag:s0] =	ssyncadd.remote.s32 $0x1  }
0xbd: {  	_ =	sfence.sel $0xFFFF  }
0xbe: {  	[dreg:$0x0] =	wrdreg $0xFFFFFFFF;
	(pc) =	sbr.abs _section_cstart, $3  }
0xbf: {  	[dreg:$0x1] =	wrdreg $0xFFFFFFFF  }
0xc0: {  	_ =	task.clear_ibuf [dreg:s6], $0x2FFFF;
	_ =	strace $0x9FFFFFFF  }
0xc1: {  	(tm) =	ssettm $0x7FFFFFFF  }
tec
execute0_lowered:
.L_overlay_start_1:
0x0: {  	(tag) =	ssettag $0x1  }
0x1: {  	s8 =	rddreg [dreg:$0x0]  }
0x2: {  	s0 =	rddreg [dreg:$0x1];
	_ =	strace $0x8000004A;
	s1 =	stileid.u32  }
0x3: {  	s3 =	srdreg.scid;
	s4 =	simm.s32 $0x1;
	s7 =	simm.s32 $0x1  }
0x4: {  	s9 =	simm.s32 $0x1;
	s10 =	simm.s32 $0x3;
	s13 =	simm.s32 $0x0  }
0x5: {  	s12 =	simm.s32 $0x0;
	s5 =	sand.u32 $0x1, s3;
	s6 =	sshll.u32 s1, $0x1  }
0x6: {  	s2 =	sadd.s32 $0x9200, s8;
	s3 =	sadd.s32 $0xE200, s8;
	s5 =	sor.u32 s6, s5  }
.Ltmp0:
0x7: {  	[sflag:s4] =	ssyncpa.u1 $0x0;
	p0 =	slt.u32 s5, $0x9;
	(pc) =	sbr.rel .LBB2_1-.Ltmp0, $4  }
0x8: {  	s6 =	simm.s32 $0x2;
	s7 =	simm.s32 @!p0 $0x0;
	p0 =	sne.s32 s5, $0x8  }
0x9: {  	[sflag:s6] =	ssyncpa.u1 $0x0;
	s5 =	smul.u32 $0xFA0, s5;
	s9 =	simm.s32 @!p0 $0x0  }
0xa: {  	s8 =	sadd.s32 $0x13200, s8;
	[sflag:s10] =	ssyncpa.u1 $0x0;
	s7 =	sadd.s32 s9, s7  }
0xb: {  	vm0 =	vmmov $0xffff;
	s10 =	simm.s32 $0x0;
	s11 =	smov.u32 s5;
	s9 =	sadd.s32 $0x1, s7  }
.LBB2_4:
0xc: {  	v2 =	vnsel vm1, $0x0, v2  }
0xd: {  	vm1 =	vgt.s32 v0, $0x0;
	v2 =	vmin.u32 v2, $0x270FF  }
0xe: {  	v0 =	vnsel vm1, $0x0, v0  }
0xf: {  	v0 =	vmin.u32 v0, $0x270FF  }
0x10: {  	[tilespmem:s18], [sflag:$0x1] =	stream.indirect_vreg.gather [hbm4b:s2+s10], $0x1, v1, vm0, $0x4038;
	[tilespmem:$0x3E80] =	vst v63  }
0x11: {  	(ifvalue) =	ssetifvalue $0x7FFFFFFF  }
0x12: {  	[tilespmem:s15], [sflag:$0x1] =	stream.indirect_vreg.gather [hbm4b:s2+s10], $0x1, v2, vm0, $0x4038;
	[tilespmem:$0x3E80] =	vst v63  }
0x13: {  	s29 =	sadd.s32 $0x10, s15;
	(ifvalue) =	ssetifvalue $0x7FFFFFFF  }
0x14: {  	[tilespmem:s29], [sflag:$0x1] =	stream.indirect_vreg.gather [hbm4b:s2+s10], $0x1, v0, vm0, $0x4038;
	[tilespmem:$0x3E80] =	vst v63  }
0x15: {  	_ =	swait.ge [sflag:s4], $0xFA0  }
0x16: {  	s30 =	sshrl.u32 s13, $0x3;
	[sflag:s4] =	ssyncset.done $0x0  }
0x17: {  	s31 =	sand.u32 $0x7, s13;
	s15 =	sadd.s32 s8, s30;
	[sflag:s4] =	ssyncadd.s32 $0xFFFFF060  }
0x18: {  	[hbm4b:s15+s31] =	stream.linear.scatter [tilespmem:s14], [sflag:$0x3], $0xFA0, $0x38;
	[tilespmem:$0x3E80] =	vst v63  }
.LBB2_5:
0x19: {  	s15 =	sadd.s32 $0x1F400, s11  }
0x1a: {  	p1 =	sgt.s32 s15, $0x270FF  }
0x1b: {  	s15 =	smov.u32 @p1 s5;
	p1 =	sne.s32 s12, s9  }
.Ltmp1:
0x1c: {  	p0 =	slt.u32 s12, $0x2;
	(pc) =	sbr.rel @!p1 .LBB2_6-.Ltmp1, $4  }
0x1d: {  	s14 =	simm.s32 @!p0 $0x3  }
0x1e: {  	_ =	swait.ge @!p0 [sflag:s14], $0xFA0  }
0x1f: {  	s16 =	sadd.s32 $0x1, s12;
	s13 =	smov.u32 s11;
	[sflag:s14] =	ssyncset.done @!p0 $0x0  }
0x20: {  	s12 =	smov.u32 s16;
	s11 =	smov.u32 s15;
	[sflag:s14] =	ssyncadd.s32 @!p0 $0xFFFFF060  }
.LBB2_1:
0x21: {  	p0 =	sge.u32 s12, s7  }
0x22: {  	s14 =	sxor.u32 @!p0 $0x1, s12  }
0x23: {  	s14 =	smul.u32 @!p0 $0x3E80, s14  }
0x24: {  	s31 =	sadd.s32 $0xFFFFFFFF, s12;
	s15 =	sshrl.u32 @!p0 s11, $0x3  }
0x25: {  	s16 =	sand.u32 @!p0 $0x7, s11;
	s15 =	sadd.s32 @!p0 s3, s15;
	s14 =	sshra.s32 @!p0 s14, $0x2  }
0x26: {  	[tilespmem:s14], [sflag:$0x2] =	stream.linear.gather @!p0 [hbm4b:s15+s16], $0xFA0, $0x38;
	[tilespmem:$0x3E80] =	vst v63  }
0x27: {  	p0 =	sge.u32 s31, s7  }
.Ltmp2:
0x28: {  	_ = 	snop;
	(pc) =	sbr.rel @p0 .LBB2_5-.Ltmp2, $1  }
0x29: {  	_ =	sdelay $0x3  }
0x2a: {  	s14 =	sand.u32 $0x1, s12  }
0x2b: {  	_ =	swait.ge [sflag:s6], $0xFA0;
	p0 =	seq.s32 s14, $0x1;
	s14 =	simm.s32 $0xFA0  }
0x2c: {  	[sflag:s6] =	ssyncset.done $0x0;
	s14 =	simm.s32 @!p0 $0x0  }
0x2d: {  	[sflag:s6] =	ssyncadd.s32 $0xFFFFF060;
	(ifvalue) =	ssetifvalue $0x7FFFFFFF;
	v0 =	vld.msk [tilespmem:s14+$0x0 ss:$0x1], $0xffff;
	_ =	sdelay $0x4  }
0x2e: {  	s15 =	sadd.s32 $0x10, s14;
	vm1 =	vgt.s32 v0, $0x0  }
0x2f: {  	v2 =	vld.msk [tilespmem:s15+$0x0 ss:$0x1], $0xffff;
	v1 =	vnsel vm1, $0x0, v0  }
0x30: {  	v1 =	vmin.u32 v1, $0x270FF;
	_ =	sdelay $0x2  }
0x31: {  	s17 =	simm.s32 $0x20;
	s14 =	sadd.s32 $0x1F40, s14;
	s16 =	sadd.s32 $0x10, s15  }
0x32: {  	s15 =	sadd.s32 $0x10, s14;
	s18 =	smov.u32 s14;
	v0 =	vld.msk [tilespmem:s16+$0x0 ss:$0x1], $0xffff;
	vm1 =	vgt.s32 v2, $0x0;
	(ifvalue) =	ssetifvalue $0x7FFFFFFF  }
.LBB2_3:
0x33: {  	[tilespmem:s18], [sflag:$0x1] =	stream.indirect_vreg.gather [hbm4b:s2+s10], $0x1, v1, vm0, $0x4038;
	[tilespmem:$0x3E80] =	vst v63  }
0x34: {  	s17 =	sadd.s32 $0x10, s17  }
0x35: {  	v2 =	vnsel vm1, $0x0, v2;
	p0 =	slt.u32 s17, $0xF90  }
.Ltmp3:
0x36: {  	s18 =	smov.u32 s15;
	v1 =	vmin.u32 v2, $0x270FF;
	(pc) =	sbr.rel @p0 .LBB2_3-.Ltmp3, $3  }
0x37: {  	_ =	sdelay $0x1  }
0x38: {  	s16 =	sadd.s32 $0x10, s16  }
0x39: {  	vm1 =	vgt.s32 v0, $0x0;
	s15 =	sadd.s32 $0x10, s15;
	v2 =	vmov v0;
	(ifvalue) =	ssetifvalue $0x7FFFFFFF;
	v0 =	vld.msk [tilespmem:s16+$0x0 ss:$0x1], $0xffff  }
.Ltmp4:
0x3a: {  	_ = 	snop;
	(pc) =	sbr.rel .LBB2_4-.Ltmp4, $1  }
0x3b: {  	_ =	sdelay $0x3  }
.LBB2_6:
0x3c: {  	_ =	sfence.sel $0x180000  }
0x3d: {  	s2 =	simm.s32 $0x2;
	[bflag:$0x0] =	sbarrier.arrive $0xFFFF  }
0x3e: {  	s30 =	simm.s32 $0x3;
	[sflag:s2] =	ssyncpa.u1 $0x1  }
0x3f: {  	s31 =	simm.s32 $0x1;
	[sflag:s30] =	ssyncpa.u1 $0x1  }
0x40: {  	[sflag:s31] =	ssyncpa.u1 $0x1  }
0x41: {  	p0 =	sne.s32 s1, $0x0;
	_ =	strace $0x9000004A  }
0x42: {  	s0 =	sadd.s32 @!p0 $0x100000, s0;
	[bflag:$0x2] =	sbarrier.arrive $0xFFFF  }
0x43: {  	[sflag:s0] =	ssyncadd.tile.s32 @!p0 $0x1;
	_ =	shalt  }
.Lfunc_end2:
_tile_overlayer_lowered:
.L_overlay_start_2:
0x44: {  	(tag) =	ssettag $0x2  }
0x45: {  	s0 =	rddreg [dreg:$0x0];
	s2 =	stileid.u32  }
0x46: {  	s1 =	rddreg [dreg:$0x1];
	p0 =	sne.s32 s2, $0x0  }
0x47: {  	s3 =	rddreg [dreg:$0x2];
	[bflag:$0x3] =	sbarrier.arrive $0xFFFF;
	s2 =	simm.s32 @!p0 $0x1C01  }
0x48: {  	[timem:s3], [sflag:s2] =	dma.local @!p0 [hbm:s0], s1  }
0x49: {  	s0 =	simm.s32 @!p0 $0x1  }
0x4a: {  	_ =	swait.ge @!p0 [sflag:s0], s1  }
0x4b: {  	s1 =	ssub.s32 @!p0 $0x0, s1;
	[sflag:s0] =	ssyncset.done @!p0 $0x0  }
0x4c: {  	[sflag:s0] =	ssyncadd.s32 @!p0 s1  }
0x4d: {  	[bflag:$0x3] =	sbarrier.arrive $0xFFFF  }
0x4e: {  	_ =	shalt  }

// kernel: gather_offload_async_start
scs
__scs_entry_jumppad:
0x0: {  	(pc) =	sbr.rel $0x88, $3  }
0x1: {  	(tag) =	ssettag $0x0;
	lr =	simm.s32 $0x1  }
0x2: {  	[smem:$0x3F8E] =	sst lr;
	_ =	strace $0xD0000000  }
0x3: {  	_ = 	snop  }
0x4: {  	_ = 	snop  }
0x5: {  	_ = 	snop  }
0x6: {  	_ = 	snop  }
0x7: {  	_ = 	snop  }
__scs_overlays_trampoline_lowered:
0x8: {  	[smem:$0x3F9D] =	sst s0  }
0x9: {  	[smem:$0x3F9E] =	sst s1  }
0xa: {  	[smem:$0x3F9F] =	sst s2  }
0xb: {  	[smem:$0x3FA0] =	sst s3  }
0xc: {  	[smem:$0x3FA1] =	sst s4  }
0xd: {  	[smem:$0x3FA2] =	sst s5  }
0xe: {  	[smem:$0x3FA3] =	sst s6  }
0xf: {  	[smem:$0x3FA4] =	sst s7  }
0x10: {  	[smem:$0x3FA5] =	sst s8  }
0x11: {  	[smem:$0x3FA6] =	sst s9;
	s0 =	simm.s32 @!p0 $0x0  }
0x12: {  	s1 =	sld [smem:$0x3F8C];
	s0 =	simm.s32 @p0 $0x1  }
0x13: {  	[smem:$0x3FA7] =	sst s0;
	s0 =	simm.s32 @!p1 $0x0  }
0x14: {  	s2 =	sld [smem:$0x3F8B];
	s0 =	simm.s32 @p1 $0x1  }
0x15: {  	[smem:$0x3FA8] =	sst s0;
	s0 =	simm.s32 @!p2 $0x0  }
0x16: {  	s3 =	sld [smem:$0x3FDB];
	s0 =	simm.s32 @p2 $0x1  }
0x17: {  	s4 =	simm.s32 $0x1BF5;
	[smem:$0x3FAA] =	sst s0  }
0x18: {  	s0 =	sld [smem:$0x3F8D];
	_ =	swait.ge [sflag:s4], $0x0  }
0x19: {  	s7 =	sld [smem:$0x3F8E]  }
0x1a: {  	s8 =	sadd.s32 $0xFFFFE003, lr  }
0x1b: {  	s9 =	sadd.s32 $0xFFFFFEF7, lr;
	s5 =	simm.s32 $0xFFFFFFFF;
	p2 =	slt.u32 s8, $0xFFFFF086  }
0x1c: {  	p1 =	slt.u32 s9, $0xF7A;
	s5 =	simm.s32 @!p2 $0x0  }
0x1d: {  	s5 =	simm.s32 @p1 $0x1;
	p0 =	seq.s32 s7, s2  }
0x1e: {  	s7 =	smul.u32 @!p0 $0xF7A, s2;
	p2 =	seq.s32 @!p0 s5, $0x0  }
0x1f: {  	s9 =	smul.u32 $0xF7A, s1;
	s8 =	simm.s32 @!p0 $0x1BF5;
	p2 =	por !p2, p0  }
0x20: {  	[sflag:s8] =	ssyncset.s32 @!p0 $0xFFFFF086;
	s6 =	sadd.s32 @!p0 s3, s7;
	s7 =	simm.s32 @!p0 $0x108  }
0x21: {  	s3 =	sadd.s32 s3, s9;
	s6 =	sadd.s32 @!p0 $0x88, s6;
	s7 =	simm.s32 @p2 $0x1082  }
0x22: {  	[simem:s7], [sflag:s8] =	dma.local @!p0 [hbm:s6], $0xF7A  }
0x23: {  	s9 =	sor.u32 $0xD0000000, s2;
	s6 =	simm.s32 $0x108;
	_ =	swait.ge @!p0 [sflag:s8], $0x0  }
0x24: {  	s3 =	sadd.s32 $0x88, s3;
	s6 =	simm.s32 @!p1 $0x1082;
	[sflag:s4] =	ssyncset.s32 $0xFFFFF086  }
0x25: {  	[simem:s6], [sflag:s4] =	dma.local [hbm:s3], $0xF7A  }
0x26: {  	[smem:$0x3F8E] =	sst s1;
	(tag) =	ssettag s2;
	_ =	strace s9  }
0x27: {  	s1 =	sld [smem:$0x3F9E]  }
0x28: {  	s2 =	sld [smem:$0x3F9F]  }
0x29: {  	s4 =	sld [smem:$0x3FA1]  }
0x2a: {  	p0 =	seq.s32 s5, $0x0;
	s5 =	sld [smem:$0x3FA2]  }
0x2b: {  	s6 =	sld [smem:$0x3FA3]  }
0x2c: {  	s7 =	sld [smem:$0x3FA4]  }
0x2d: {  	s3 =	simm.s32 $0x108;
	s8 =	sld [smem:$0x3FA5]  }
0x2e: {  	s3 =	simm.s32 @!p0 $0x1082;
	s9 =	sld [smem:$0x3FA6]  }
0x2f: {  	lr =	sadd.s32 s0, s3;
	s0 =	sld [smem:$0x3F9D]  }
0x30: {  	s3 =	sld [smem:$0x3FA0]  }
0x31: {  	[smem:$0x3FA9] =	sst s10  }
0x32: {  	s10 =	sld [smem:$0x3FA7];
	_ =	sdelay $0x3  }
0x33: {  	p0 =	seq.s32 s10, $0x1;
	s10 =	sld [smem:$0x3FA9];
	_ =	sdelay $0x3  }
0x34: {  	[smem:$0x3FA9] =	sst s10  }
0x35: {  	s10 =	sld [smem:$0x3FA8];
	_ =	sdelay $0x3  }
0x36: {  	p1 =	seq.s32 s10, $0x1;
	s10 =	sld [smem:$0x3FA9];
	_ =	sdelay $0x3  }
0x37: {  	[smem:$0x3FA9] =	sst s10  }
0x38: {  	s10 =	sld [smem:$0x3FAA]  }
0x39: {  	_ = 	snop;
	(pc) =	sbr.ind lr, $3  }
0x3a: {  	_ = 	snop  }
0x3b: {  	_ = 	snop  }
0x3c: {  	p2 =	seq.s32 s10, $0x1;
	s10 =	sld [smem:$0x3FA9]  }
0x3d: {  	_ =	shalt  }
0x3e: {  	_ =	shalt  }
0x3f: {  	_ =	shalt  }
0x40: {  	_ =	shalt  }
0x41: {  	_ =	shalt  }
0x42: {  	_ =	shalt  }
0x43: {  	_ =	shalt  }
0x44: {  	_ =	shalt  }
0x45: {  	_ =	shalt  }
0x46: {  	_ =	shalt  }
0x47: {  	_ =	shalt  }
0x48: {  	_ =	shalt  }
0x49: {  	_ =	shalt  }
0x4a: {  	_ =	shalt  }
0x4b: {  	_ =	shalt  }
0x4c: {  	_ =	shalt  }
0x4d: {  	_ =	shalt  }
0x4e: {  	_ =	shalt  }
0x4f: {  	_ =	shalt  }
0x50: {  	_ =	shalt  }
0x51: {  	_ =	shalt  }
0x52: {  	_ =	shalt  }
0x53: {  	_ =	shalt  }
0x54: {  	_ =	shalt  }
0x55: {  	_ =	shalt  }
0x56: {  	_ =	shalt  }
0x57: {  	_ =	shalt  }
0x58: {  	_ =	shalt  }
0x59: {  	_ =	shalt  }
0x5a: {  	_ =	shalt  }
0x5b: {  	_ =	shalt  }
0x5c: {  	_ =	shalt  }
0x5d: {  	_ =	shalt  }
0x5e: {  	_ =	shalt  }
0x5f: {  	_ =	shalt  }
0x60: {  	_ =	shalt  }
0x61: {  	_ =	shalt  }
0x62: {  	_ =	shalt  }
0x63: {  	_ =	shalt  }
0x64: {  	_ =	shalt  }
0x65: {  	_ =	shalt  }
0x66: {  	_ =	shalt  }
0x67: {  	_ =	shalt  }
0x68: {  	_ =	shalt  }
0x69: {  	_ =	shalt  }
0x6a: {  	_ =	shalt  }
0x6b: {  	_ =	shalt  }
0x6c: {  	_ =	shalt  }
0x6d: {  	_ =	shalt  }
0x6e: {  	_ =	shalt  }
0x6f: {  	_ =	shalt  }
0x70: {  	_ =	shalt  }
0x71: {  	_ =	shalt  }
0x72: {  	_ =	shalt  }
0x73: {  	_ =	shalt  }
0x74: {  	_ =	shalt  }
0x75: {  	_ =	shalt  }
0x76: {  	_ =	shalt  }
0x77: {  	_ =	shalt  }
0x78: {  	_ =	shalt  }
0x79: {  	_ =	shalt  }
0x7a: {  	_ =	shalt  }
0x7b: {  	_ =	shalt  }
0x7c: {  	_ =	shalt  }
0x7d: {  	_ =	shalt  }
0x7e: {  	_ =	shalt  }
0x7f: {  	_ =	shalt  }
0x80: {  	_ =	shalt  }
0x81: {  	_ =	shalt  }
0x82: {  	_ =	shalt  }
0x83: {  	_ =	shalt  }
0x84: {  	_ =	shalt  }
0x85: {  	_ =	shalt  }
0x86: {  	_ =	shalt  }
0x87: {  	_ =	shalt  }
.Lfunc_end0:
.L_simem_size_0:
called_computation_lowered:
.L_overlay_start_0:
0x88: {  	s2 =	sld [smem:$0x3FD9]  }
0x89: {  	s3 =	sld [smem:$0x3FFE];
	_ =	sdelay $0x1  }
0x8a: {  	s1 =	srdreg.scid  }
0x8b: {  	s0 =	sand.u32 $0x1, s1  }
0x8c: {  	s16 =	sshll.u32 s0, $0xA;
	s2 =	sadd.s32 s3, s2  }
0x8d: {  	s2 =	sadd.s32 s2, s16  }
0x8e: {  	[smem:$0x3FB5] =	sst s2  }
0x8f: {  	_ = 	snop  }
0x90: {  	(tm) =	ssettm $0x1  }
0x91: {  	s17 =	sld [smem:$0x3FFB];
	_ =	sdelay $0x3  }
0x92: {  	_ =	strace s17  }
0x93: {  	s2 =	sld [smem:$0x3FFC];
	_ =	sdelay $0x3  }
0x94: {  	_ =	strace s2  }
0x95: {  	s2 =	sld [smem:$0x3FFD];
	_ =	sdelay $0x3  }
0x96: {  	_ =	strace s2  }
0x97: {  	_ =	strace $0x8FFFFFFF  }
0x98: {  	s18 =	sld [smem:$0x3FDB];
	_ =	sdelay $0x1  }
0x99: {  	s19 =	simm.s32 $_scs_section_size  }
0x9a: {  	s4 =	simm.s32 $_size__tile_overlayer_lowered;
	s5 =	simm.s32 $_tile_overlayer_lowered  }
0x9b: {  	s22 =	simm.s32 $0x1BFF;
	s21 =	sshll.u32 s5, $0x1;
	s2 =	sadd.s32 s19, s18  }
0x9c: {  	s6 =	simm.s32 $0x0;
	s20 =	sshll.u32 s4, $0x1;
	s4 =	sadd.s32 s21, s2  }
0x9d: {  	[timem:s6], [sflag:s22] =	dma.local [hbm:s4], s20  }
0x9e: {  	_ =	swait.ge [sflag:s22], s20  }
0x9f: {  	s3 =	ssub.s32 $0x0, s20;
	[sflag:s22] =	ssyncset.done $0x0  }
0xa0: {  	[sflag:s22] =	ssyncadd.s32 s3;
	_ =	sdelay $0x1  }
0xa1: {  	s23 =	simm.s32 $0x1B8B  }
0xa2: {  	_ =	swait.ge [sflag:s23], $0x1  }
0xa3: {  	[sflag:s23] =	ssyncset.done $0x0  }
0xa4: {  	s25 =	simm.s32 $0x1B8E;
	s24 =	sld [smem:$0x3FFE];
	[sflag:s23] =	ssyncadd.s32 $0xFFFFFFFF  }
0xa5: {  	s26 =	simm.s32 $execute0_lowered;
	[smem:$0x3FD2] =	sst s25  }
0xa6: {  	s4 =	sshll.u32 s26, $0x1;
	_ =	strace $0x80000046;
	[dreg:$0x1] =	wrdreg $0xFFFFFFFF  }
0xa7: {  	s28 =	simm.s32 $_size_execute0_lowered;
	s2 =	sadd.s32 s2, s4;
	[dreg:$0x0] =	wrdreg $0x0  }
0xa8: {  	s4 =	sshll.u32 s28, $0x1;
	[dreg:$0x2] =	wrdreg s2  }
0xa9: {  	[dreg:$0x3] =	wrdreg s4  }
0xaa: {  	[dreg:$0x4] =	wrdreg $0xC0  }
0xab: {  	_ =	task [dreg:s6], $0x5FFFF  }
0xac: {  	[dreg:$0x1] =	wrdreg $0xFFFFFFFF  }
0xad: {  	[dreg:$0x0] =	wrdreg $0x60  }
0xae: {  	[dreg:$0x2] =	wrdreg s24  }
0xaf: {  	[dreg:$0x3] =	wrdreg $0x9  }
0xb0: {  	_ =	task.clear_ibuf [dreg:s6], $0x4FFFF;
	_ =	strace $0x90000046  }
0xb1: {  	s29 =	simm.s32 $0x9;
	_ =	strace $0x80000048  }
0xb2: {  	_ =	swait.ge [sflag:s29], $0x1  }
0xb3: {  	[sflag:s29] =	ssyncadd.s32 $0xFFFFFFFF  }
0xb4: {  	_ =	strace $0x90000048  }
0xb5: {  	_ =	sfence  }
0xb6: {  	s30 =	sld [smem:$0x0];
	_ =	sdelay $0x2  }
0xb7: {  	s31 =	sshll.u32 s1, $0xD;
	s1 =	sshrl.u32 s1, $0x2  }
0xb8: {  	s3 =	sand.u32 $0x4000, s31;
	s1 =	sadd.s32 s1, s30  }
0xb9: {  	s0 =	sor.u32 s3, s0;
	s1 =	sshll.u32 s1, $0x11  }
0xba: {  	s0 =	sor.u32 s1, s0  }
0xbb: {  	s0 =	sadd.s32 $0x8F2B, s0  }
0xbc: {  	[sflag:s0] =	ssyncadd.remote.s32 $0x1  }
0xbd: {  	_ =	sfence.sel $0xFFFF  }
0xbe: {  	[dreg:$0x0] =	wrdreg $0xFFFFFFFF;
	(pc) =	sbr.abs _section_cstart, $3  }
0xbf: {  	[dreg:$0x1] =	wrdreg $0xFFFFFFFF  }
0xc0: {  	_ =	task.clear_ibuf [dreg:s6], $0x2FFFF;
	_ =	strace $0x9FFFFFFF  }
0xc1: {  	(tm) =	ssettm $0x7FFFFFFF  }
tec
execute0_lowered:
.L_overlay_start_1:
0x0: {  	(tag) =	ssettag $0x1  }
0x1: {  	s8 =	rddreg [dreg:$0x0]  }
0x2: {  	s0 =	rddreg [dreg:$0x1];
	_ =	strace $0x80000047;
	s1 =	stileid.u32  }
0x3: {  	s3 =	srdreg.scid;
	s4 =	simm.s32 $0x1;
	s7 =	simm.s32 $0x1  }
0x4: {  	s9 =	simm.s32 $0x1;
	s10 =	simm.s32 $0x3;
	s13 =	simm.s32 $0x0  }
0x5: {  	s12 =	simm.s32 $0x0;
	s5 =	sand.u32 $0x1, s3;
	s6 =	sshll.u32 s1, $0x1  }
0x6: {  	s2 =	sadd.s32 $0x4200, s8;
	s3 =	sadd.s32 $0xE200, s8;
	s5 =	sor.u32 s6, s5  }
.Ltmp0:
0x7: {  	[sflag:s4] =	ssyncpa.u1 $0x0;
	p0 =	slt.u32 s5, $0x9;
	(pc) =	sbr.rel .LBB2_1-.Ltmp0, $4  }
0x8: {  	s6 =	simm.s32 $0x2;
	s7 =	simm.s32 @!p0 $0x0;
	p0 =	sne.s32 s5, $0x8  }
0x9: {  	[sflag:s6] =	ssyncpa.u1 $0x0;
	s5 =	smul.u32 $0xFA0, s5;
	s9 =	simm.s32 @!p0 $0x0  }
0xa: {  	s8 =	sadd.s32 $0x13A00, s8;
	[sflag:s10] =	ssyncpa.u1 $0x0;
	s7 =	sadd.s32 s9, s7  }
0xb: {  	vm0 =	vmmov $0xffff;
	s10 =	simm.s32 $0x0;
	s11 =	smov.u32 s5;
	s9 =	sadd.s32 $0x1, s7  }
.LBB2_4:
0xc: {  	v2 =	vnsel vm1, $0x0, v2  }
0xd: {  	vm1 =	vgt.s32 v0, $0x0;
	v2 =	vmin.u32 v2, $0x270FF  }
0xe: {  	v0 =	vnsel vm1, $0x0, v0  }
0xf: {  	v0 =	vmin.u32 v0, $0x270FF  }
0x10: {  	[tilespmem:s18], [sflag:$0x1] =	stream.indirect_vreg.gather [hbm4b:s2+s10], $0x1, v1, vm0, $0x4038;
	[tilespmem:$0x3E80] =	vst v63  }
0x11: {  	(ifvalue) =	ssetifvalue $0x7FFFFFFF  }
0x12: {  	[tilespmem:s15], [sflag:$0x1] =	stream.indirect_vreg.gather [hbm4b:s2+s10], $0x1, v2, vm0, $0x4038;
	[tilespmem:$0x3E80] =	vst v63  }
0x13: {  	s29 =	sadd.s32 $0x10, s15;
	(ifvalue) =	ssetifvalue $0x7FFFFFFF  }
0x14: {  	[tilespmem:s29], [sflag:$0x1] =	stream.indirect_vreg.gather [hbm4b:s2+s10], $0x1, v0, vm0, $0x4038;
	[tilespmem:$0x3E80] =	vst v63  }
0x15: {  	_ =	swait.ge [sflag:s4], $0xFA0  }
0x16: {  	s30 =	sshrl.u32 s13, $0x3;
	[sflag:s4] =	ssyncset.done $0x0  }
0x17: {  	s31 =	sand.u32 $0x7, s13;
	s15 =	sadd.s32 s8, s30;
	[sflag:s4] =	ssyncadd.s32 $0xFFFFF060  }
0x18: {  	[hbm4b:s15+s31] =	stream.linear.scatter [tilespmem:s14], [sflag:$0x3], $0xFA0, $0x38;
	[tilespmem:$0x3E80] =	vst v63  }
.LBB2_5:
0x19: {  	s15 =	sadd.s32 $0x1F400, s11  }
0x1a: {  	p1 =	sgt.s32 s15, $0x270FF  }
0x1b: {  	s15 =	smov.u32 @p1 s5;
	p1 =	sne.s32 s12, s9  }
.Ltmp1:
0x1c: {  	p0 =	slt.u32 s12, $0x2;
	(pc) =	sbr.rel @!p1 .LBB2_6-.Ltmp1, $4  }
0x1d: {  	s14 =	simm.s32 @!p0 $0x3  }
0x1e: {  	_ =	swait.ge @!p0 [sflag:s14], $0xFA0  }
0x1f: {  	s16 =	sadd.s32 $0x1, s12;
	s13 =	smov.u32 s11;
	[sflag:s14] =	ssyncset.done @!p0 $0x0  }
0x20: {  	s12 =	smov.u32 s16;
	s11 =	smov.u32 s15;
	[sflag:s14] =	ssyncadd.s32 @!p0 $0xFFFFF060  }
.LBB2_1:
0x21: {  	p0 =	sge.u32 s12, s7  }
0x22: {  	s14 =	sxor.u32 @!p0 $0x1, s12  }
0x23: {  	s14 =	smul.u32 @!p0 $0x3E80, s14  }
0x24: {  	s31 =	sadd.s32 $0xFFFFFFFF, s12;
	s15 =	sshrl.u32 @!p0 s11, $0x3  }
0x25: {  	s16 =	sand.u32 @!p0 $0x7, s11;
	s15 =	sadd.s32 @!p0 s3, s15;
	s14 =	sshra.s32 @!p0 s14, $0x2  }
0x26: {  	[tilespmem:s14], [sflag:$0x2] =	stream.linear.gather @!p0 [hbm4b:s15+s16], $0xFA0, $0x38;
	[tilespmem:$0x3E80] =	vst v63  }
0x27: {  	p0 =	sge.u32 s31, s7  }
.Ltmp2:
0x28: {  	_ = 	snop;
	(pc) =	sbr.rel @p0 .LBB2_5-.Ltmp2, $1  }
0x29: {  	_ =	sdelay $0x3  }
0x2a: {  	s14 =	sand.u32 $0x1, s12  }
0x2b: {  	_ =	swait.ge [sflag:s6], $0xFA0;
	p0 =	seq.s32 s14, $0x1;
	s14 =	simm.s32 $0xFA0  }
0x2c: {  	[sflag:s6] =	ssyncset.done $0x0;
	s14 =	simm.s32 @!p0 $0x0  }
0x2d: {  	[sflag:s6] =	ssyncadd.s32 $0xFFFFF060;
	(ifvalue) =	ssetifvalue $0x7FFFFFFF;
	v0 =	vld.msk [tilespmem:s14+$0x0 ss:$0x1], $0xffff;
	_ =	sdelay $0x4  }
0x2e: {  	s15 =	sadd.s32 $0x10, s14;
	vm1 =	vgt.s32 v0, $0x0  }
0x2f: {  	v2 =	vld.msk [tilespmem:s15+$0x0 ss:$0x1], $0xffff;
	v1 =	vnsel vm1, $0x0, v0  }
0x30: {  	v1 =	vmin.u32 v1, $0x270FF;
	_ =	sdelay $0x2  }
0x31: {  	s17 =	simm.s32 $0x20;
	s14 =	sadd.s32 $0x1F40, s14;
	s16 =	sadd.s32 $0x10, s15  }
0x32: {  	s15 =	sadd.s32 $0x10, s14;
	s18 =	smov.u32 s14;
	v0 =	vld.msk [tilespmem:s16+$0x0 ss:$0x1], $0xffff;
	vm1 =	vgt.s32 v2, $0x0;
	(ifvalue) =	ssetifvalue $0x7FFFFFFF  }
.LBB2_3:
0x33: {  	[tilespmem:s18], [sflag:$0x1] =	stream.indirect_vreg.gather [hbm4b:s2+s10], $0x1, v1, vm0, $0x4038;
	[tilespmem:$0x3E80] =	vst v63  }
0x34: {  	s17 =	sadd.s32 $0x10, s17  }
0x35: {  	v2 =	vnsel vm1, $0x0, v2;
	p0 =	slt.u32 s17, $0xF90  }
.Ltmp3:
0x36: {  	s18 =	smov.u32 s15;
	v1 =	vmin.u32 v2, $0x270FF;
	(pc) =	sbr.rel @p0 .LBB2_3-.Ltmp3, $3  }
0x37: {  	_ =	sdelay $0x1  }
0x38: {  	s16 =	sadd.s32 $0x10, s16  }
0x39: {  	vm1 =	vgt.s32 v0, $0x0;
	s15 =	sadd.s32 $0x10, s15;
	v2 =	vmov v0;
	(ifvalue) =	ssetifvalue $0x7FFFFFFF;
	v0 =	vld.msk [tilespmem:s16+$0x0 ss:$0x1], $0xffff  }
.Ltmp4:
0x3a: {  	_ = 	snop;
	(pc) =	sbr.rel .LBB2_4-.Ltmp4, $1  }
0x3b: {  	_ =	sdelay $0x3  }
.LBB2_6:
0x3c: {  	_ =	sfence.sel $0x180000  }
0x3d: {  	s2 =	simm.s32 $0x2;
	[bflag:$0x0] =	sbarrier.arrive $0xFFFF  }
0x3e: {  	s30 =	simm.s32 $0x3;
	[sflag:s2] =	ssyncpa.u1 $0x1  }
0x3f: {  	s31 =	simm.s32 $0x1;
	[sflag:s30] =	ssyncpa.u1 $0x1  }
0x40: {  	[sflag:s31] =	ssyncpa.u1 $0x1  }
0x41: {  	p0 =	sne.s32 s1, $0x0;
	_ =	strace $0x90000047  }
0x42: {  	s0 =	sadd.s32 @!p0 $0x100000, s0;
	[bflag:$0x2] =	sbarrier.arrive $0xFFFF  }
0x43: {  	[sflag:s0] =	ssyncadd.tile.s32 @!p0 $0x1;
	_ =	shalt  }
.Lfunc_end2:
_tile_overlayer_lowered:
.L_overlay_start_2:
0x44: {  	(tag) =	ssettag $0x2  }
0x45: {  	s0 =	rddreg [dreg:$0x0];
	s2 =	stileid.u32  }
0x46: {  	s1 =	rddreg [dreg:$0x1];
	p0 =	sne.s32 s2, $0x0  }
0x47: {  	s3 =	rddreg [dreg:$0x2];
	[bflag:$0x3] =	sbarrier.arrive $0xFFFF;
	s2 =	simm.s32 @!p0 $0x1C01  }
0x48: {  	[timem:s3], [sflag:s2] =	dma.local @!p0 [hbm:s0], s1  }
0x49: {  	s0 =	simm.s32 @!p0 $0x1  }
0x4a: {  	_ =	swait.ge @!p0 [sflag:s0], s1  }
0x4b: {  	s1 =	ssub.s32 @!p0 $0x0, s1;
	[sflag:s0] =	ssyncset.done @!p0 $0x0  }
0x4c: {  	[sflag:s0] =	ssyncadd.s32 @!p0 s1  }
0x4d: {  	[bflag:$0x3] =	sbarrier.arrive $0xFFFF  }
0x4e: {  	_ =	shalt  }

// kernel: kernel.12.cloned.1.call-start
scs
__scs_entry_jumppad:
0x0: {  	(pc) =	sbr.rel $0x88, $3  }
0x1: {  	(tag) =	ssettag $0x0;
	lr =	simm.s32 $0x1  }
0x2: {  	[smem:$0x3F8E] =	sst lr;
	_ =	strace $0xD0000000  }
0x3: {  	_ = 	snop  }
0x4: {  	_ = 	snop  }
0x5: {  	_ = 	snop  }
0x6: {  	_ = 	snop  }
0x7: {  	_ = 	snop  }
__scs_overlays_trampoline_lowered:
0x8: {  	[smem:$0x3F9D] =	sst s0  }
0x9: {  	[smem:$0x3F9E] =	sst s1  }
0xa: {  	[smem:$0x3F9F] =	sst s2  }
0xb: {  	[smem:$0x3FA0] =	sst s3  }
0xc: {  	[smem:$0x3FA1] =	sst s4  }
0xd: {  	[smem:$0x3FA2] =	sst s5  }
0xe: {  	[smem:$0x3FA3] =	sst s6  }
0xf: {  	[smem:$0x3FA4] =	sst s7  }
0x10: {  	[smem:$0x3FA5] =	sst s8  }
0x11: {  	[smem:$0x3FA6] =	sst s9;
	s0 =	simm.s32 @!p0 $0x0  }
0x12: {  	s1 =	sld [smem:$0x3F8C];
	s0 =	simm.s32 @p0 $0x1  }
0x13: {  	[smem:$0x3FA7] =	sst s0;
	s0 =	simm.s32 @!p1 $0x0  }
0x14: {  	s2 =	sld [smem:$0x3F8B];
	s0 =	simm.s32 @p1 $0x1  }
0x15: {  	[smem:$0x3FA8] =	sst s0;
	s0 =	simm.s32 @!p2 $0x0  }
0x16: {  	s3 =	sld [smem:$0x3FDB];
	s0 =	simm.s32 @p2 $0x1  }
0x17: {  	s4 =	simm.s32 $0x1BF5;
	[smem:$0x3FAA] =	sst s0  }
0x18: {  	s0 =	sld [smem:$0x3F8D];
	_ =	swait.ge [sflag:s4], $0x0  }
0x19: {  	s7 =	sld [smem:$0x3F8E]  }
0x1a: {  	s8 =	sadd.s32 $0xFFFFE003, lr  }
0x1b: {  	s9 =	sadd.s32 $0xFFFFFEF7, lr;
	s5 =	simm.s32 $0xFFFFFFFF;
	p2 =	slt.u32 s8, $0xFFFFF086  }
0x1c: {  	p1 =	slt.u32 s9, $0xF7A;
	s5 =	simm.s32 @!p2 $0x0  }
0x1d: {  	s5 =	simm.s32 @p1 $0x1;
	p0 =	seq.s32 s7, s2  }
0x1e: {  	s7 =	smul.u32 @!p0 $0xF7A, s2;
	p2 =	seq.s32 @!p0 s5, $0x0  }
0x1f: {  	s9 =	smul.u32 $0xF7A, s1;
	s8 =	simm.s32 @!p0 $0x1BF5;
	p2 =	por !p2, p0  }
0x20: {  	[sflag:s8] =	ssyncset.s32 @!p0 $0xFFFFF086;
	s6 =	sadd.s32 @!p0 s3, s7;
	s7 =	simm.s32 @!p0 $0x108  }
0x21: {  	s3 =	sadd.s32 s3, s9;
	s6 =	sadd.s32 @!p0 $0x88, s6;
	s7 =	simm.s32 @p2 $0x1082  }
0x22: {  	[simem:s7], [sflag:s8] =	dma.local @!p0 [hbm:s6], $0xF7A  }
0x23: {  	s9 =	sor.u32 $0xD0000000, s2;
	s6 =	simm.s32 $0x108;
	_ =	swait.ge @!p0 [sflag:s8], $0x0  }
0x24: {  	s3 =	sadd.s32 $0x88, s3;
	s6 =	simm.s32 @!p1 $0x1082;
	[sflag:s4] =	ssyncset.s32 $0xFFFFF086  }
0x25: {  	[simem:s6], [sflag:s4] =	dma.local [hbm:s3], $0xF7A  }
0x26: {  	[smem:$0x3F8E] =	sst s1;
	(tag) =	ssettag s2;
	_ =	strace s9  }
0x27: {  	s1 =	sld [smem:$0x3F9E]  }
0x28: {  	s2 =	sld [smem:$0x3F9F]  }
0x29: {  	s4 =	sld [smem:$0x3FA1]  }
0x2a: {  	p0 =	seq.s32 s5, $0x0;
	s5 =	sld [smem:$0x3FA2]  }
0x2b: {  	s6 =	sld [smem:$0x3FA3]  }
0x2c: {  	s7 =	sld [smem:$0x3FA4]  }
0x2d: {  	s3 =	simm.s32 $0x108;
	s8 =	sld [smem:$0x3FA5]  }
0x2e: {  	s3 =	simm.s32 @!p0 $0x1082;
	s9 =	sld [smem:$0x3FA6]  }
0x2f: {  	lr =	sadd.s32 s0, s3;
	s0 =	sld [smem:$0x3F9D]  }
0x30: {  	s3 =	sld [smem:$0x3FA0]  }
0x31: {  	[smem:$0x3FA9] =	sst s10  }
0x32: {  	s10 =	sld [smem:$0x3FA7];
	_ =	sdelay $0x3  }
0x33: {  	p0 =	seq.s32 s10, $0x1;
	s10 =	sld [smem:$0x3FA9];
	_ =	sdelay $0x3  }
0x34: {  	[smem:$0x3FA9] =	sst s10  }
0x35: {  	s10 =	sld [smem:$0x3FA8];
	_ =	sdelay $0x3  }
0x36: {  	p1 =	seq.s32 s10, $0x1;
	s10 =	sld [smem:$0x3FA9];
	_ =	sdelay $0x3  }
0x37: {  	[smem:$0x3FA9] =	sst s10  }
0x38: {  	s10 =	sld [smem:$0x3FAA]  }
0x39: {  	_ = 	snop;
	(pc) =	sbr.ind lr, $3  }
0x3a: {  	_ = 	snop  }
0x3b: {  	_ = 	snop  }
0x3c: {  	p2 =	seq.s32 s10, $0x1;
	s10 =	sld [smem:$0x3FA9]  }
0x3d: {  	_ =	shalt  }
0x3e: {  	_ =	shalt  }
0x3f: {  	_ =	shalt  }
0x40: {  	_ =	shalt  }
0x41: {  	_ =	shalt  }
0x42: {  	_ =	shalt  }
0x43: {  	_ =	shalt  }
0x44: {  	_ =	shalt  }
0x45: {  	_ =	shalt  }
0x46: {  	_ =	shalt  }
0x47: {  	_ =	shalt  }
0x48: {  	_ =	shalt  }
0x49: {  	_ =	shalt  }
0x4a: {  	_ =	shalt  }
0x4b: {  	_ =	shalt  }
0x4c: {  	_ =	shalt  }
0x4d: {  	_ =	shalt  }
0x4e: {  	_ =	shalt  }
0x4f: {  	_ =	shalt  }
0x50: {  	_ =	shalt  }
0x51: {  	_ =	shalt  }
0x52: {  	_ =	shalt  }
0x53: {  	_ =	shalt  }
0x54: {  	_ =	shalt  }
0x55: {  	_ =	shalt  }
0x56: {  	_ =	shalt  }
0x57: {  	_ =	shalt  }
0x58: {  	_ =	shalt  }
0x59: {  	_ =	shalt  }
0x5a: {  	_ =	shalt  }
0x5b: {  	_ =	shalt  }
0x5c: {  	_ =	shalt  }
0x5d: {  	_ =	shalt  }
0x5e: {  	_ =	shalt  }
0x5f: {  	_ =	shalt  }
0x60: {  	_ =	shalt  }
0x61: {  	_ =	shalt  }
0x62: {  	_ =	shalt  }
0x63: {  	_ =	shalt  }
0x64: {  	_ =	shalt  }
0x65: {  	_ =	shalt  }
0x66: {  	_ =	shalt  }
0x67: {  	_ =	shalt  }
0x68: {  	_ =	shalt  }
0x69: {  	_ =	shalt  }
0x6a: {  	_ =	shalt  }
0x6b: {  	_ =	shalt  }
0x6c: {  	_ =	shalt  }
0x6d: {  	_ =	shalt  }
0x6e: {  	_ =	shalt  }
0x6f: {  	_ =	shalt  }
0x70: {  	_ =	shalt  }
0x71: {  	_ =	shalt  }
0x72: {  	_ =	shalt  }
0x73: {  	_ =	shalt  }
0x74: {  	_ =	shalt  }
0x75: {  	_ =	shalt  }
0x76: {  	_ =	shalt  }
0x77: {  	_ =	shalt  }
0x78: {  	_ =	shalt  }
0x79: {  	_ =	shalt  }
0x7a: {  	_ =	shalt  }
0x7b: {  	_ =	shalt  }
0x7c: {  	_ =	shalt  }
0x7d: {  	_ =	shalt  }
0x7e: {  	_ =	shalt  }
0x7f: {  	_ =	shalt  }
0x80: {  	_ =	shalt  }
0x81: {  	_ =	shalt  }
0x82: {  	_ =	shalt  }
0x83: {  	_ =	shalt  }
0x84: {  	_ =	shalt  }
0x85: {  	_ =	shalt  }
0x86: {  	_ =	shalt  }
0x87: {  	_ =	shalt  }
.Lfunc_end0:
.L_simem_size_0:
called_computation.3_lowered:
.L_overlay_start_0:
0x88: {  	s2 =	sld [smem:$0x3FD9]  }
0x89: {  	s3 =	sld [smem:$0x3FFE];
	_ =	sdelay $0x1  }
0x8a: {  	s1 =	srdreg.scid  }
0x8b: {  	s0 =	sand.u32 $0x1, s1  }
0x8c: {  	s16 =	sshll.u32 s0, $0xA;
	s2 =	sadd.s32 s3, s2  }
0x8d: {  	s2 =	sadd.s32 s2, s16  }
0x8e: {  	[smem:$0x3FB5] =	sst s2  }
0x8f: {  	_ = 	snop  }
0x90: {  	(tm) =	ssettm $0x1  }
0x91: {  	s17 =	sld [smem:$0x3FFB];
	_ =	sdelay $0x3  }
0x92: {  	_ =	strace s17  }
0x93: {  	s2 =	sld [smem:$0x3FFC];
	_ =	sdelay $0x3  }
0x94: {  	_ =	strace s2  }
0x95: {  	s2 =	sld [smem:$0x3FFD];
	_ =	sdelay $0x3  }
0x96: {  	_ =	strace s2  }
0x97: {  	_ =	strace $0x8FFFFFFF  }
0x98: {  	s18 =	sld [smem:$0x3FDB];
	_ =	sdelay $0x1  }
0x99: {  	s19 =	simm.s32 $_scs_section_size  }
0x9a: {  	s4 =	simm.s32 $_size__tile_overlayer_lowered;
	s5 =	simm.s32 $_tile_overlayer_lowered  }
0x9b: {  	s22 =	simm.s32 $0x1BFF;
	s21 =	sshll.u32 s5, $0x1;
	s2 =	sadd.s32 s19, s18  }
0x9c: {  	s6 =	simm.s32 $0x0;
	s20 =	sshll.u32 s4, $0x1;
	s4 =	sadd.s32 s21, s2  }
0x9d: {  	[timem:s6], [sflag:s22] =	dma.local [hbm:s4], s20  }
0x9e: {  	_ =	swait.ge [sflag:s22], s20  }
0x9f: {  	s3 =	ssub.s32 $0x0, s20;
	[sflag:s22] =	ssyncset.done $0x0  }
0xa0: {  	[sflag:s22] =	ssyncadd.s32 s3;
	_ =	sdelay $0x1  }
0xa1: {  	s23 =	simm.s32 $0x1B8B  }
0xa2: {  	_ =	swait.ge [sflag:s23], $0x1  }
0xa3: {  	[sflag:s23] =	ssyncset.done $0x0  }
0xa4: {  	s25 =	simm.s32 $0x1B8E;
	s24 =	sld [smem:$0x3FFE];
	[sflag:s23] =	ssyncadd.s32 $0xFFFFFFFF  }
0xa5: {  	s26 =	simm.s32 $execute0_lowered;
	[smem:$0x3FD2] =	sst s25  }
0xa6: {  	s4 =	sshll.u32 s26, $0x1;
	_ =	strace $0x8000004F;
	[dreg:$0x1] =	wrdreg $0xFFFFFFFF  }
0xa7: {  	s28 =	simm.s32 $_size_execute0_lowered;
	s2 =	sadd.s32 s2, s4;
	[dreg:$0x0] =	wrdreg $0x0  }
0xa8: {  	s4 =	sshll.u32 s28, $0x1;
	[dreg:$0x2] =	wrdreg s2  }
0xa9: {  	[dreg:$0x3] =	wrdreg s4  }
0xaa: {  	[dreg:$0x4] =	wrdreg $0xC0  }
0xab: {  	_ =	task [dreg:s6], $0x5FFFF  }
0xac: {  	[dreg:$0x1] =	wrdreg $0xFFFFFFFF  }
0xad: {  	[dreg:$0x0] =	wrdreg $0x60  }
0xae: {  	[dreg:$0x2] =	wrdreg s24  }
0xaf: {  	[dreg:$0x3] =	wrdreg $0x19A280  }
0xb0: {  	[dreg:$0x4] =	wrdreg $0x1C1380  }
0xb1: {  	[dreg:$0x5] =	wrdreg $0x9  }
0xb2: {  	_ =	task.clear_ibuf [dreg:s6], $0x6FFFF;
	_ =	strace $0x9000004F  }
0xb3: {  	s29 =	simm.s32 $0x9;
	_ =	strace $0x80000051  }
0xb4: {  	_ =	swait.ge [sflag:s29], $0x1  }
0xb5: {  	[sflag:s29] =	ssyncadd.s32 $0xFFFFFFFF  }
0xb6: {  	_ =	strace $0x90000051  }
0xb7: {  	_ =	sfence  }
0xb8: {  	s30 =	sld [smem:$0x0];
	_ =	sdelay $0x2  }
0xb9: {  	s31 =	sshll.u32 s1, $0xD;
	s1 =	sshrl.u32 s1, $0x2  }
0xba: {  	s3 =	sand.u32 $0x4000, s31;
	s1 =	sadd.s32 s1, s30  }
0xbb: {  	s0 =	sor.u32 s3, s0;
	s1 =	sshll.u32 s1, $0x11  }
0xbc: {  	s0 =	sor.u32 s1, s0  }
0xbd: {  	s0 =	sadd.s32 $0x8F2B, s0  }
0xbe: {  	[sflag:s0] =	ssyncadd.remote.s32 $0x1  }
0xbf: {  	_ =	sfence.sel $0xFFFF  }
0xc0: {  	[dreg:$0x0] =	wrdreg $0xFFFFFFFF;
	(pc) =	sbr.abs _section_cstart, $3  }
0xc1: {  	[dreg:$0x1] =	wrdreg $0xFFFFFFFF  }
0xc2: {  	_ =	task.clear_ibuf [dreg:s6], $0x2FFFF;
	_ =	strace $0x9FFFFFFF  }
0xc3: {  	(tm) =	ssettm $0x7FFFFFFF  }
tec
execute0_lowered:
.L_overlay_start_1:
0x0: {  	(tag) =	ssettag $0x1  }
0x1: {  	s0 =	rddreg [dreg:$0x0]  }
0x2: {  	s2 =	rddreg [dreg:$0x1]  }
0x3: {  	s23 =	rddreg [dreg:$0x2];
	s4 =	simm.s32 $0x0;
	s18 =	stileid.u32  }
0x4: {  	s7 =	srdreg.scid;
	s28 =	simm.s32 $0xFA0;
	s29 =	simm.s32 $0x1770  }
0x5: {  	s30 =	simm.s32 $0x1F40;
	s31 =	simm.s32 $0x2710;
	[smem:$0x7FF] =	sst s4  }
0x6: {  	s1 =	smul.u32 $0x2710, s18;
	s3 =	sadd.s32 $0x27A00, s0;
	s5 =	sadd.s32 $0x9200, s0  }
0x7: {  	s8 =	sadd.s32 $0x4200, s0;
	s7 =	sand.u32 $0x1, s7;
	s11 =	sshll.u32 s18, $0x1  }
0x8: {  	s19 =	smul.u32 $0x4E20, s18;
	_ =	strace $0x80000050;
	s10 =	ssub.s32 $0x2, s7  }
0x9: {  	s11 =	sor.u32 s7, s11;
	p0 =	sne.s32 s7, $0x0;
	s7 =	simm.s32 $0x2  }
0xa: {  	s6 =	sshrl.u32 s1, $0x3;
	s12 =	sshrl.u32 s10, $0x1;
	s13 =	sadd.s32 $0x7D0, s1  }
0xb: {  	s20 =	smul.u32 $0x1388, s11;
	s22 =	sadd.s32 $0xFA0, s1;
	s16 =	sadd.s32 $0x1770, s1  }
0xc: {  	s17 =	sadd.s32 $0x1F40, s1;
	s23 =	sadd.s32 s1, s23;
	s9 =	sadd.s32 s6, s0  }
0xd: {  	s0 =	sadd.s32 $0x75C00, s0;
	s10 =	ssub.s32 s10, s12;
	s14 =	sshrl.u32 s13, $0x3  }
0xe: {  	s6 =	sadd.s32 s5, s6;
	s24 =	sshrl.u32 s22, $0x3;
	s25 =	sshrl.u32 s16, $0x3  }
0xf: {  	s15 =	sshrl.u32 s17, $0x3;
	[dreg:$0x4] =	wrdreg s6;
	s21 =	sadd.s32 s5, s14  }
0x10: {  	s14 =	sadd.s32 s5, s24;
	s26 =	sadd.s32 $0x7D0, s20;
	s12 =	sshrl.u32 s20, $0x3  }
0x11: {  	s20 =	sshll.u32 s13, $0x1;
	s6 =	sshll.u32 s22, $0x1;
	s22 =	sshll.u32 s16, $0x1  }
0x12: {  	s24 =	sshll.u32 s17, $0x1;
	s18 =	sadd.s32 $0x18A00, s9;
	[dreg:$0x5] =	wrdreg s21  }
0x13: {  	[dreg:$0x6] =	wrdreg s14;
	s14 =	sadd.s32 s5, s25;
	s5 =	sadd.s32 s5, s15  }
0x14: {  	s15 =	sshrl.u32 s26, $0x3;
	s12 =	sadd.s32 s8, s12;
	s21 =	sadd.s32 s3, s19  }
0x15: {  	s6 =	sadd.s32 s3, s6;
	s16 =	sadd.s32 s3, s22;
	[dreg:$0x7] =	wrdreg s14  }
0x16: {  	s25 =	smul.u32 $0x2710, s11;
	s17 =	sadd.s32 s3, s24;
	[dreg:$0x8] =	wrdreg s5  }
0x17: {  	s26 =	sshll.u32 s26, $0x1;
	s22 =	sadd.s32 $0x22A00, s9;
	[dreg:$0x9] =	wrdreg s12  }
0x18: {  	s24 =	sadd.s32 $0xE200, s9;
	s8 =	sadd.s32 s8, s15;
	[dreg:$0xb] =	wrdreg s21  }
0x19: {  	s14 =	sadd.s32 s1, s2;
	[dreg:$0xd] =	wrdreg s6;
	s21 =	sadd.s32 $0x1DA00, s9  }
0x1a: {  	s1 =	simm.s32 $0x3A98;
	s5 =	simm.s32 $0x5;
	s6 =	simm.s32 $0x1  }
0x1b: {  	s9 =	simm.s32 $0x4;
	[dreg:$0xa] =	wrdreg s8;
	s8 =	sadd.s32 s3, s20  }
0x1c: {  	s19 =	sadd.s32 s0, s25;
	s20 =	sadd.s32 s0, s26;
	s25 =	smax.u32 s10, $0x1  }
0x1d: {  	s26 =	simm.s32 $0x7D0;
	s0 =	simm.s32 $0x2EE0;
	s3 =	simm.s32 $0xB798  }
0x1e: {  	v0 =	vimm.f32 $0.0e+00;
	s10 =	simm.s32 $0x0;
	[dreg:$0xc] =	wrdreg s8;
	s8 =	simm.s32 $0x3  }
.LBB2_1:
0x1f: {  	s11 =	rddreg [dreg:$0x4]  }
0x20: {  	[tilespmem:s4], [sflag:$0x1] =	stream.linear.gather [hbm4b:s11+s4], $0x7D0, $0x38;
	[tilespmem:$0x1E848] =	vst v63  }
0x21: {  	s13 =	rddreg [dreg:$0x5]  }
0x22: {  	[tilespmem:s26], [sflag:$0x1] =	stream.linear.gather [hbm4b:s13+s4], $0x7D0, $0x38;
	[tilespmem:$0x1E848] =	vst v63  }
0x23: {  	s15 =	rddreg [dreg:$0x6]  }
0x24: {  	[tilespmem:s28], [sflag:$0x1] =	stream.linear.gather [hbm4b:s15+s4], $0x7D0, $0x38;
	[tilespmem:$0x1E848] =	vst v63  }
0x25: {  	s12 =	rddreg [dreg:$0x7]  }
0x26: {  	[tilespmem:s29], [sflag:$0x1] =	stream.linear.gather [hbm4b:s12+s4], $0x7D0, $0x38;
	[tilespmem:$0x1E848] =	vst v63  }
0x27: {  	s13 =	rddreg [dreg:$0x8]  }
0x28: {  	[tilespmem:s30], [sflag:$0x1] =	stream.linear.gather [hbm4b:s13+s4], $0x7D0, $0x38;
	[tilespmem:$0x1E848] =	vst v63  }
0x29: {  	s15 =	rddreg [dreg:$0x9]  }
0x2a: {  	[tilespmem:s31], [sflag:$0x4] =	stream.linear.gather [hbm4b:s15+s4], $0x7D0, $0x38;
	[tilespmem:$0x1E848] =	vst v63  }
0x2b: {  	s12 =	rddreg [dreg:$0xa]  }
0x2c: {  	[tilespmem:s0], [sflag:$0x4] =	stream.linear.gather [hbm4b:s12+s4], $0xBB8, $0x38;
	[tilespmem:$0x1E848] =	vst v63  }
0x2d: {  	s13 =	rddreg [dreg:$0xb]  }
0x2e: {  	[tilespmem:s1], [sflag:$0x2] =	stream.linear.gather [hbm4b:s13+s4], $0x7D00, $0x38;
	[tilespmem:$0x1E848] =	vst v63  }
0x2f: {  	s11 =	simm.s32 $0x40;
	s15 =	rddreg [dreg:$0xc];
	s12 =	simm.s32 $0x0  }
0x30: {  	[tilespmem:s3], [sflag:$0x3] =	stream.linear.gather [hbm4b:s15+s4], $0x7D00, $0x38;
	[tilespmem:$0x1E848] =	vst v63  }
.LBB2_2:
0x31: {  	p1 =	sne.s32 s11, $0x9C00;
	[tilespmem:s12+$0x17318] =	vst v0;
	s12 =	smov.u32 s11;
	s11 =	sadd.s32 $0x40, s11  }
.Ltmp0:
0x32: {  	(pc) =	sbr.rel @p1 .LBB2_2-.Ltmp0, $2  }
0x33: {  	_ =	sdelay $0x2  }
0x34: {  	s12 =	sshra.s32 s12, $0x2  }
0x35: {  	[tilespmem:s12+$0x17318] =	vst v0;
	s11 =	simm.s32 $0x17318  }
0x36: {  	[spmem:s14] =	stream.linear.scatter [tilespmem:s11], [sflag:$0x5], $0x2710, $0x38;
	[tilespmem:$0x1E848] =	vst v63  }
0x37: {  	_ =	swait.ge [sflag:s5], $0x2710  }
0x38: {  	[sflag:s5] =	ssyncset.done $0x0  }
0x39: {  	[sflag:s5] =	ssyncadd.s32 $0xFFFFD8F0  }
0x3a: {  	_ =	swait.ge [sflag:s6], $0x7D0  }
0x3b: {  	[sflag:s6] =	ssyncset.done $0x0  }
0x3c: {  	[sflag:s6] =	ssyncadd.s32 $0xFFFFF830  }
0x3d: {  	_ =	swait.ge [sflag:s6], $0x7D0  }
0x3e: {  	[sflag:s6] =	ssyncset.done $0x0  }
0x3f: {  	[sflag:s6] =	ssyncadd.s32 $0xFFFFF830  }
0x40: {  	_ =	swait.ge [sflag:s6], $0x7D0  }
0x41: {  	[sflag:s6] =	ssyncset.done $0x0  }
0x42: {  	[sflag:s6] =	ssyncadd.s32 $0xFFFFF830  }
0x43: {  	_ =	swait.ge [sflag:s6], $0x7D0  }
0x44: {  	[sflag:s6] =	ssyncset.done $0x0  }
0x45: {  	[sflag:s6] =	ssyncadd.s32 $0xFFFFF830  }
0x46: {  	_ =	swait.ge [sflag:s6], $0x7D0  }
0x47: {  	[sflag:s6] =	ssyncset.done $0x0  }
0x48: {  	[sflag:s6] =	ssyncadd.s32 $0xFFFFF830  }
0x49: {  	[bflag:$0x0] =	sbarrier.arrive $0xFFFF  }
0x4a: {  	_ =	swait.ge [sflag:s7], $0x7D00  }
0x4b: {  	[sflag:s7] =	ssyncset.done $0x0  }
0x4c: {  	s11 =	simm.s32 $0x0;
	[sflag:s7] =	ssyncadd.s32 $0xFFFF8300  }
0x4d: {  	[spmem:s2] =	stream.indirect.scatter.add.f32 [tilespmem:s1], [sflag:$0x5], $0x10, s11, s26, $0xb8;
	[tilespmem:$0x1E848] =	vst v63  }
0x4e: {  	_ =	swait.ge [sflag:s5], $0x7D00  }
0x4f: {  	[sflag:s5] =	ssyncset.done $0x0  }
0x50: {  	s15 =	rddreg [dreg:$0xd];
	[sflag:s5] =	ssyncadd.s32 $0xFFFF8300  }
0x51: {  	[tilespmem:s1], [sflag:$0x2] =	stream.linear.gather [hbm4b:s15+s11], $0x7D00, $0x38;
	[tilespmem:$0x1E848] =	vst v63  }
0x52: {  	_ =	swait.ge [sflag:s8], $0x7D00  }
0x53: {  	[sflag:s8] =	ssyncset.done $0x0  }
0x54: {  	[sflag:s8] =	ssyncadd.s32 $0xFFFF8300  }
0x55: {  	[spmem:s2] =	stream.indirect.scatter.add.f32 [tilespmem:s3], [sflag:$0x5], $0x10, s26, s26, $0xb8;
	[tilespmem:$0x1E848] =	vst v63  }
0x56: {  	_ =	swait.ge [sflag:s5], $0x7D00  }
0x57: {  	[sflag:s5] =	ssyncset.done $0x0  }
0x58: {  	[sflag:s5] =	ssyncadd.s32 $0xFFFF8300  }
0x59: {  	[tilespmem:s3], [sflag:$0x3] =	stream.linear.gather [hbm4b:s16+s11], $0x7D00, $0x38;
	[tilespmem:$0x1E848] =	vst v63  }
0x5a: {  	_ =	swait.ge [sflag:s7], $0x7D00  }
0x5b: {  	[sflag:s7] =	ssyncset.done $0x0  }
0x5c: {  	[sflag:s7] =	ssyncadd.s32 $0xFFFF8300  }
0x5d: {  	[spmem:s2] =	stream.indirect.scatter.add.f32 [tilespmem:s1], [sflag:$0x5], $0x10, s28, s26, $0xb8;
	[tilespmem:$0x1E848] =	vst v63  }
0x5e: {  	_ =	swait.ge [sflag:s5], $0x7D00  }
0x5f: {  	[sflag:s5] =	ssyncset.done $0x0  }
0x60: {  	[sflag:s5] =	ssyncadd.s32 $0xFFFF8300  }
0x61: {  	[tilespmem:s1], [sflag:$0x2] =	stream.linear.gather [hbm4b:s17+s11], $0x7D00, $0x38;
	[tilespmem:$0x1E848] =	vst v63  }
0x62: {  	_ =	swait.ge [sflag:s8], $0x7D00  }
0x63: {  	[sflag:s8] =	ssyncset.done $0x0  }
0x64: {  	[sflag:s8] =	ssyncadd.s32 $0xFFFF8300  }
0x65: {  	[spmem:s2] =	stream.indirect.scatter.add.f32 [tilespmem:s3], [sflag:$0x5], $0x10, s29, s26, $0xb8;
	[tilespmem:$0x1E848] =	vst v63  }
0x66: {  	_ =	swait.ge [sflag:s5], $0x7D00  }
0x67: {  	[sflag:s5] =	ssyncset.done $0x0  }
0x68: {  	[sflag:s5] =	ssyncadd.s32 $0xFFFF8300  }
0x69: {  	_ =	swait.ge [sflag:s7], $0x7D00  }
0x6a: {  	[sflag:s7] =	ssyncset.done $0x0  }
0x6b: {  	[sflag:s7] =	ssyncadd.s32 $0xFFFF8300  }
0x6c: {  	[spmem:s2] =	stream.indirect.scatter.add.f32 [tilespmem:s1], [sflag:$0x5], $0x10, s30, s26, $0xb8;
	[tilespmem:$0x1E848] =	vst v63  }
0x6d: {  	_ =	swait.ge [sflag:s5], $0x7D00  }
0x6e: {  	[sflag:s5] =	ssyncset.done $0x0  }
0x6f: {  	[sflag:s5] =	ssyncadd.s32 $0xFFFF8300  }
0x70: {  	[bflag:$0x0] =	sbarrier.arrive $0xFFFF  }
0x71: {  	[tilespmem:s1], [sflag:$0x2] =	stream.linear.gather [hbm4b:s18+s11], $0x2710, $0x38;
	[tilespmem:$0x1E848] =	vst v63  }
0x72: {  	s13 =	simm.s32 $0x61A8  }
0x73: {  	[tilespmem:s13], [sflag:$0x3] =	stream.linear.gather [hbm4b:s21+s11], $0x2710, $0x38;
	[tilespmem:$0x1E848] =	vst v63  }
0x74: {  	s15 =	simm.s32 $0x88B8  }
0x75: {  	[tilespmem:s15], [sflag:$0x1] =	stream.linear.gather [hbm4b:s22+s11], $0x2710, $0x38;
	[tilespmem:$0x1E848] =	vst v63  }
0x76: {  	_ = 	snop  }
0x77: {  	[tilespmem:s3], [sflag:$0x5] =	stream.linear.gather [spmem:s14], $0x2710, $0x38;
	[tilespmem:$0x1E848] =	vst v63  }
0x78: {  	_ =	swait.ge [sflag:s5], $0x2710  }
0x79: {  	[sflag:s5] =	ssyncset.done $0x0  }
0x7a: {  	[sflag:s5] =	ssyncadd.s32 $0xFFFFD8F0  }
0x7b: {  	_ =	swait.ge [sflag:s7], $0x2710  }
0x7c: {  	[sflag:s7] =	ssyncset.done $0x0  }
0x7d: {  	[sflag:s7] =	ssyncadd.s32 $0xFFFFD8F0  }
0x7e: {  	_ =	swait.ge [sflag:s8], $0x2710  }
0x7f: {  	[sflag:s8] =	ssyncset.done $0x0  }
0x80: {  	[sflag:s8] =	ssyncadd.s32 $0xFFFFD8F0  }
0x81: {  	_ =	swait.ge [sflag:s6], $0x2710  }
0x82: {  	[sflag:s6] =	ssyncset.done $0x0  }
0x83: {  	s11 =	simm.s32 $0x0;
	[sflag:s6] =	ssyncadd.s32 $0xFFFFD8F0  }
0x84: {  	v2 =	vld [tilespmem:s11+$0xB798]  }
0x85: {  	v3 =	vld [tilespmem:s11+$0x61A8];
	_ =	sdelay $0x2  }
0x86: {  	v4 =	vld [tilespmem:s11+$0x88B8]  }
0x87: {  	s12 =	simm.s32 $0x10;
	v1 =	vld [tilespmem:s11+$0x3A98]  }
0x88: {  	v5 =	vadd.f32 v3, v2;
	v2 =	vld [tilespmem:s12+$0xB798]  }
0x89: {  	v3 =	vld [tilespmem:s12+$0x61A8]  }
0x8a: {  	v5 =	vmax.f32 v5, $0.0e+00  }
0x8b: {  	v5 =	vadd.f32 v5, v4  }
0x8c: {  	s13 =	simm.s32 $0x80;
	v4 =	vld [tilespmem:s12+$0x88B8]  }
.LBB2_4:
0x8d: {  	s15 =	sshra.s32 s13, $0x2;
	v5 =	vadd.f32 v5, v1;
	v1 =	vld [tilespmem:s12+$0x3A98];
	p1 =	sne.s32 s13, $0x9C00  }
.Ltmp1:
0x8e: {  	s13 =	sadd.s32 $0x40, s13;
	v6 =	vadd.f32 v3, v2;
	v2 =	vld [tilespmem:s15+$0xB798];
	(pc) =	sbr.rel @p1 .LBB2_4-.Ltmp1, $4  }
0x8f: {  	v3 =	vld [tilespmem:s15+$0x61A8];
	[tilespmem:s11+$0xDEA8] =	vst v5;
	s11 =	smov.u32 s12;
	s12 =	smov.u32 s15  }
0x90: {  	v5 =	vmax.f32 v6, $0.0e+00  }
0x91: {  	v5 =	vadd.f32 v5, v4  }
0x92: {  	v4 =	vld [tilespmem:s12+$0x88B8]  }
0x93: {  	_ = 	snop  }
0x94: {  	v6 =	vld [tilespmem:s12+$0x3A98];
	v2 =	vadd.f32 v3, v2;
	_ =	sdelay $0x1  }
0x95: {  	v2 =	vmax.f32 v2, $0.0e+00  }
0x96: {  	v2 =	vadd.f32 v2, v4  }
0x97: {  	v1 =	vadd.f32 v5, v1  }
0x98: {  	v2 =	vadd.f32 v2, v6  }
0x99: {  	[tilespmem:s11+$0xDEA8] =	vst v1  }
0x9a: {  	[tilespmem:s12+$0xDEA8] =	vst v2;
	s12 =	simm.s32 $0xDEA8  }
0x9b: {  	[spmem:s23] =	stream.linear.scatter [tilespmem:s12], [sflag:$0x5], $0x2710, $0x38;
	[tilespmem:$0x1E848] =	vst v63  }
0x9c: {  	_ =	swait.ge [sflag:s5], $0x2710  }
0x9d: {  	[sflag:s5] =	ssyncset.done $0x0  }
0x9e: {  	s11 =	simm.s32 @!p0 $0x0;
	s12 =	simm.s32 @!p0 $0xDEA8;
	[sflag:s5] =	ssyncadd.s32 $0xFFFFD8F0  }
0x9f: {  	[hbm4b:s24+s11] =	stream.linear.scatter @!p0 [tilespmem:s12], [sflag:$0x5], $0x2710, $0x38;
	[tilespmem:$0x1E848] =	vst v63  }
0xa0: {  	s11 =	simm.s32 @!p0 $0x5  }
0xa1: {  	_ =	swait.ge @!p0 [sflag:s11], $0x2710  }
0xa2: {  	[sflag:s11] =	ssyncset.done @!p0 $0x0  }
0xa3: {  	[sflag:s11] =	ssyncadd.s32 @!p0 $0xFFFFD8F0  }
0xa4: {  	_ =	swait.ge [sflag:s9], $0x7D0  }
0xa5: {  	[sflag:s9] =	ssyncset.done $0x0  }
0xa6: {  	[sflag:s9] =	ssyncadd.s32 $0xFFFFF830  }
0xa7: {  	_ =	swait.ge [sflag:s9], $0xBB8  }
0xa8: {  	[sflag:s9] =	ssyncset.done $0x0  }
0xa9: {  	[sflag:s9] =	ssyncadd.s32 $0xFFFFF448  }
0xaa: {  	[bflag:$0x0] =	sbarrier.arrive $0xFFFF  }
0xab: {  	s13 =	rddreg [dreg:$0x2]  }
0xac: {  	[tilespmem:s1], [sflag:$0x2] =	stream.indirect.gather [spmem:s13], $0x10, s31, s26, $0xb8;
	[tilespmem:$0x1E848] =	vst v63  }
0xad: {  	s15 =	simm.s32 $0xBB8  }
0xae: {  	[tilespmem:s3], [sflag:$0x3] =	stream.indirect.gather [spmem:s13], $0x10, s0, s15, $0xb8;
	[tilespmem:$0x1E848] =	vst v63  }
0xaf: {  	_ =	swait.ge [sflag:s7], $0x7D00  }
0xb0: {  	[sflag:s7] =	ssyncset.done $0x0  }
0xb1: {  	[sflag:s7] =	ssyncadd.s32 $0xFFFF8300  }
0xb2: {  	[hbm4b:s19+s4] =	stream.linear.scatter [tilespmem:s1], [sflag:$0x5], $0x7D00, $0x38;
	[tilespmem:$0x1E848] =	vst v63  }
0xb3: {  	_ =	swait.ge [sflag:s5], $0x7D00  }
0xb4: {  	[sflag:s5] =	ssyncset.done $0x0  }
0xb5: {  	[sflag:s5] =	ssyncadd.s32 $0xFFFF8300  }
0xb6: {  	s10 =	sadd.s32 $0x1, s10;
	_ =	swait.ge [sflag:s8], $0xBB80  }
0xb7: {  	p1 =	sne.s32 s10, s25;
	[sflag:s8] =	ssyncset.done $0x0  }
.Ltmp2:
0xb8: {  	[sflag:s8] =	ssyncadd.s32 $0xFFFF4480;
	(pc) =	sbr.rel @p1 .LBB2_1-.Ltmp2, $4  }
0xb9: {  	[hbm4b:s20+s4] =	stream.linear.scatter [tilespmem:s3], [sflag:$0x5], $0xBB80, $0x38;
	[tilespmem:$0x1E848] =	vst v63  }
0xba: {  	_ =	swait.ge [sflag:s5], $0xBB80  }
0xbb: {  	[sflag:s5] =	ssyncset.done $0x0  }
0xbc: {  	[sflag:s5] =	ssyncadd.s32 $0xFFFF4480  }
0xbd: {  	_ =	sfence.sel $0x180000  }
0xbe: {  	[bflag:$0x0] =	sbarrier.arrive $0xFFFF  }
0xbf: {  	_ =	strace $0x90000050  }
0xc0: {  	s0 =	stileid.u32;
	[bflag:$0x2] =	sbarrier.arrive $0xFFFF  }
0xc1: {  	p0 =	sne.s32 s0, $0x0;
	s0 =	rddreg [dreg:$0x3]  }
0xc2: {  	s0 =	sadd.s32 @!p0 $0x100000, s0  }
0xc3: {  	[sflag:s0] =	ssyncadd.tile.s32 @!p0 $0x1;
	_ =	shalt  }
.Lfunc_end2:
_tile_overlayer_lowered:
.L_overlay_start_2:
0xc4: {  	(tag) =	ssettag $0x2  }
0xc5: {  	s0 =	rddreg [dreg:$0x0];
	s2 =	stileid.u32  }
0xc6: {  	s1 =	rddreg [dreg:$0x1];
	p0 =	sne.s32 s2, $0x0  }
0xc7: {  	s3 =	rddreg [dreg:$0x2];
	[bflag:$0x3] =	sbarrier.arrive $0xFFFF;
	s2 =	simm.s32 @!p0 $0x1C05  }
0xc8: {  	[timem:s3], [sflag:s2] =	dma.local @!p0 [hbm:s0], s1  }
0xc9: {  	s0 =	simm.s32 @!p0 $0x5  }
0xca: {  	_ =	swait.ge @!p0 [sflag:s0], s1  }
0xcb: {  	s1 =	ssub.s32 @!p0 $0x0, s1;
	[sflag:s0] =	ssyncset.done @!p0 $0x0  }
0xcc: {  	[sflag:s0] =	ssyncadd.s32 @!p0 s1  }
0xcd: {  	[bflag:$0x3] =	sbarrier.arrive $0xFFFF  }
0xce: {  	_ =	shalt  }

// kernel: kernel.15.cloned.1.call-start
scs
__scs_entry_jumppad:
0x0: {  	(pc) =	sbr.rel $0x88, $3  }
0x1: {  	(tag) =	ssettag $0x0;
	lr =	simm.s32 $0x1  }
0x2: {  	[smem:$0x3F8E] =	sst lr;
	_ =	strace $0xD0000000  }
0x3: {  	_ = 	snop  }
0x4: {  	_ = 	snop  }
0x5: {  	_ = 	snop  }
0x6: {  	_ = 	snop  }
0x7: {  	_ = 	snop  }
__scs_overlays_trampoline_lowered:
0x8: {  	[smem:$0x3F9D] =	sst s0  }
0x9: {  	[smem:$0x3F9E] =	sst s1  }
0xa: {  	[smem:$0x3F9F] =	sst s2  }
0xb: {  	[smem:$0x3FA0] =	sst s3  }
0xc: {  	[smem:$0x3FA1] =	sst s4  }
0xd: {  	[smem:$0x3FA2] =	sst s5  }
0xe: {  	[smem:$0x3FA3] =	sst s6  }
0xf: {  	[smem:$0x3FA4] =	sst s7  }
0x10: {  	[smem:$0x3FA5] =	sst s8  }
0x11: {  	[smem:$0x3FA6] =	sst s9;
	s0 =	simm.s32 @!p0 $0x0  }
0x12: {  	s1 =	sld [smem:$0x3F8C];
	s0 =	simm.s32 @p0 $0x1  }
0x13: {  	[smem:$0x3FA7] =	sst s0;
	s0 =	simm.s32 @!p1 $0x0  }
0x14: {  	s2 =	sld [smem:$0x3F8B];
	s0 =	simm.s32 @p1 $0x1  }
0x15: {  	[smem:$0x3FA8] =	sst s0;
	s0 =	simm.s32 @!p2 $0x0  }
0x16: {  	s3 =	sld [smem:$0x3FDB];
	s0 =	simm.s32 @p2 $0x1  }
0x17: {  	s4 =	simm.s32 $0x1BF5;
	[smem:$0x3FAA] =	sst s0  }
0x18: {  	s0 =	sld [smem:$0x3F8D];
	_ =	swait.ge [sflag:s4], $0x0  }
0x19: {  	s7 =	sld [smem:$0x3F8E]  }
0x1a: {  	s8 =	sadd.s32 $0xFFFFE003, lr  }
0x1b: {  	s9 =	sadd.s32 $0xFFFFFEF7, lr;
	s5 =	simm.s32 $0xFFFFFFFF;
	p2 =	slt.u32 s8, $0xFFFFF086  }
0x1c: {  	p1 =	slt.u32 s9, $0xF7A;
	s5 =	simm.s32 @!p2 $0x0  }
0x1d: {  	s5 =	simm.s32 @p1 $0x1;
	p0 =	seq.s32 s7, s2  }
0x1e: {  	s7 =	smul.u32 @!p0 $0xF7A, s2;
	p2 =	seq.s32 @!p0 s5, $0x0  }
0x1f: {  	s9 =	smul.u32 $0xF7A, s1;
	s8 =	simm.s32 @!p0 $0x1BF5;
	p2 =	por !p2, p0  }
0x20: {  	[sflag:s8] =	ssyncset.s32 @!p0 $0xFFFFF086;
	s6 =	sadd.s32 @!p0 s3, s7;
	s7 =	simm.s32 @!p0 $0x108  }
0x21: {  	s3 =	sadd.s32 s3, s9;
	s6 =	sadd.s32 @!p0 $0x88, s6;
	s7 =	simm.s32 @p2 $0x1082  }
0x22: {  	[simem:s7], [sflag:s8] =	dma.local @!p0 [hbm:s6], $0xF7A  }
0x23: {  	s9 =	sor.u32 $0xD0000000, s2;
	s6 =	simm.s32 $0x108;
	_ =	swait.ge @!p0 [sflag:s8], $0x0  }
0x24: {  	s3 =	sadd.s32 $0x88, s3;
	s6 =	simm.s32 @!p1 $0x1082;
	[sflag:s4] =	ssyncset.s32 $0xFFFFF086  }
0x25: {  	[simem:s6], [sflag:s4] =	dma.local [hbm:s3], $0xF7A  }
0x26: {  	[smem:$0x3F8E] =	sst s1;
	(tag) =	ssettag s2;
	_ =	strace s9  }
0x27: {  	s1 =	sld [smem:$0x3F9E]  }
0x28: {  	s2 =	sld [smem:$0x3F9F]  }
0x29: {  	s4 =	sld [smem:$0x3FA1]  }
0x2a: {  	p0 =	seq.s32 s5, $0x0;
	s5 =	sld [smem:$0x3FA2]  }
0x2b: {  	s6 =	sld [smem:$0x3FA3]  }
0x2c: {  	s7 =	sld [smem:$0x3FA4]  }
0x2d: {  	s3 =	simm.s32 $0x108;
	s8 =	sld [smem:$0x3FA5]  }
0x2e: {  	s3 =	simm.s32 @!p0 $0x1082;
	s9 =	sld [smem:$0x3FA6]  }
0x2f: {  	lr =	sadd.s32 s0, s3;
	s0 =	sld [smem:$0x3F9D]  }
0x30: {  	s3 =	sld [smem:$0x3FA0]  }
0x31: {  	[smem:$0x3FA9] =	sst s10  }
0x32: {  	s10 =	sld [smem:$0x3FA7];
	_ =	sdelay $0x3  }
0x33: {  	p0 =	seq.s32 s10, $0x1;
	s10 =	sld [smem:$0x3FA9];
	_ =	sdelay $0x3  }
0x34: {  	[smem:$0x3FA9] =	sst s10  }
0x35: {  	s10 =	sld [smem:$0x3FA8];
	_ =	sdelay $0x3  }
0x36: {  	p1 =	seq.s32 s10, $0x1;
	s10 =	sld [smem:$0x3FA9];
	_ =	sdelay $0x3  }
0x37: {  	[smem:$0x3FA9] =	sst s10  }
0x38: {  	s10 =	sld [smem:$0x3FAA]  }
0x39: {  	_ = 	snop;
	(pc) =	sbr.ind lr, $3  }
0x3a: {  	_ = 	snop  }
0x3b: {  	_ = 	snop  }
0x3c: {  	p2 =	seq.s32 s10, $0x1;
	s10 =	sld [smem:$0x3FA9]  }
0x3d: {  	_ =	shalt  }
0x3e: {  	_ =	shalt  }
0x3f: {  	_ =	shalt  }
0x40: {  	_ =	shalt  }
0x41: {  	_ =	shalt  }
0x42: {  	_ =	shalt  }
0x43: {  	_ =	shalt  }
0x44: {  	_ =	shalt  }
0x45: {  	_ =	shalt  }
0x46: {  	_ =	shalt  }
0x47: {  	_ =	shalt  }
0x48: {  	_ =	shalt  }
0x49: {  	_ =	shalt  }
0x4a: {  	_ =	shalt  }
0x4b: {  	_ =	shalt  }
0x4c: {  	_ =	shalt  }
0x4d: {  	_ =	shalt  }
0x4e: {  	_ =	shalt  }
0x4f: {  	_ =	shalt  }
0x50: {  	_ =	shalt  }
0x51: {  	_ =	shalt  }
0x52: {  	_ =	shalt  }
0x53: {  	_ =	shalt  }
0x54: {  	_ =	shalt  }
0x55: {  	_ =	shalt  }
0x56: {  	_ =	shalt  }
0x57: {  	_ =	shalt  }
0x58: {  	_ =	shalt  }
0x59: {  	_ =	shalt  }
0x5a: {  	_ =	shalt  }
0x5b: {  	_ =	shalt  }
0x5c: {  	_ =	shalt  }
0x5d: {  	_ =	shalt  }
0x5e: {  	_ =	shalt  }
0x5f: {  	_ =	shalt  }
0x60: {  	_ =	shalt  }
0x61: {  	_ =	shalt  }
0x62: {  	_ =	shalt  }
0x63: {  	_ =	shalt  }
0x64: {  	_ =	shalt  }
0x65: {  	_ =	shalt  }
0x66: {  	_ =	shalt  }
0x67: {  	_ =	shalt  }
0x68: {  	_ =	shalt  }
0x69: {  	_ =	shalt  }
0x6a: {  	_ =	shalt  }
0x6b: {  	_ =	shalt  }
0x6c: {  	_ =	shalt  }
0x6d: {  	_ =	shalt  }
0x6e: {  	_ =	shalt  }
0x6f: {  	_ =	shalt  }
0x70: {  	_ =	shalt  }
0x71: {  	_ =	shalt  }
0x72: {  	_ =	shalt  }
0x73: {  	_ =	shalt  }
0x74: {  	_ =	shalt  }
0x75: {  	_ =	shalt  }
0x76: {  	_ =	shalt  }
0x77: {  	_ =	shalt  }
0x78: {  	_ =	shalt  }
0x79: {  	_ =	shalt  }
0x7a: {  	_ =	shalt  }
0x7b: {  	_ =	shalt  }
0x7c: {  	_ =	shalt  }
0x7d: {  	_ =	shalt  }
0x7e: {  	_ =	shalt  }
0x7f: {  	_ =	shalt  }
0x80: {  	_ =	shalt  }
0x81: {  	_ =	shalt  }
0x82: {  	_ =	shalt  }
0x83: {  	_ =	shalt  }
0x84: {  	_ =	shalt  }
0x85: {  	_ =	shalt  }
0x86: {  	_ =	shalt  }
0x87: {  	_ =	shalt  }
.Lfunc_end0:
.L_simem_size_0:
called_computation.4_lowered:
.L_overlay_start_0:
0x88: {  	s2 =	sld [smem:$0x3FD9]  }
0x89: {  	s3 =	sld [smem:$0x3FFE];
	_ =	sdelay $0x1  }
0x8a: {  	s1 =	srdreg.scid  }
0x8b: {  	s0 =	sand.u32 $0x1, s1  }
0x8c: {  	s16 =	sshll.u32 s0, $0xA;
	s2 =	sadd.s32 s3, s2  }
0x8d: {  	s2 =	sadd.s32 s2, s16  }
0x8e: {  	[smem:$0x3FB5] =	sst s2  }
0x8f: {  	_ = 	snop  }
0x90: {  	(tm) =	ssettm $0x1  }
0x91: {  	s17 =	sld [smem:$0x3FFB];
	_ =	sdelay $0x3  }
0x92: {  	_ =	strace s17  }
0x93: {  	s2 =	sld [smem:$0x3FFC];
	_ =	sdelay $0x3  }
0x94: {  	_ =	strace s2  }
0x95: {  	s2 =	sld [smem:$0x3FFD];
	_ =	sdelay $0x3  }
0x96: {  	_ =	strace s2  }
0x97: {  	_ =	strace $0x8FFFFFFF  }
0x98: {  	s18 =	sld [smem:$0x3FDB];
	_ =	sdelay $0x1  }
0x99: {  	s19 =	simm.s32 $_scs_section_size  }
0x9a: {  	s4 =	simm.s32 $_size__tile_overlayer_lowered;
	s5 =	simm.s32 $_tile_overlayer_lowered  }
0x9b: {  	s22 =	simm.s32 $0x1BFF;
	s21 =	sshll.u32 s5, $0x1;
	s2 =	sadd.s32 s19, s18  }
0x9c: {  	s6 =	simm.s32 $0x0;
	s20 =	sshll.u32 s4, $0x1;
	s4 =	sadd.s32 s21, s2  }
0x9d: {  	[timem:s6], [sflag:s22] =	dma.local [hbm:s4], s20  }
0x9e: {  	_ =	swait.ge [sflag:s22], s20  }
0x9f: {  	s3 =	ssub.s32 $0x0, s20;
	[sflag:s22] =	ssyncset.done $0x0  }
0xa0: {  	[sflag:s22] =	ssyncadd.s32 s3;
	_ =	sdelay $0x1  }
0xa1: {  	s23 =	simm.s32 $0x1B8B  }
0xa2: {  	_ =	swait.ge [sflag:s23], $0x1  }
0xa3: {  	[sflag:s23] =	ssyncset.done $0x0  }
0xa4: {  	s25 =	simm.s32 $0x1B8E;
	s24 =	sld [smem:$0x3FFE];
	[sflag:s23] =	ssyncadd.s32 $0xFFFFFFFF  }
0xa5: {  	s26 =	simm.s32 $execute0_lowered;
	[smem:$0x3FD2] =	sst s25  }
0xa6: {  	s4 =	sshll.u32 s26, $0x1;
	_ =	strace $0x80000052;
	[dreg:$0x1] =	wrdreg $0xFFFFFFFF  }
0xa7: {  	s28 =	simm.s32 $_size_execute0_lowered;
	s2 =	sadd.s32 s2, s4;
	[dreg:$0x0] =	wrdreg $0x0  }
0xa8: {  	s4 =	sshll.u32 s28, $0x1;
	[dreg:$0x2] =	wrdreg s2  }
0xa9: {  	[dreg:$0x3] =	wrdreg s4  }
0xaa: {  	[dreg:$0x4] =	wrdreg $0xC0  }
0xab: {  	_ =	task [dreg:s6], $0x5FFFF  }
0xac: {  	[dreg:$0x1] =	wrdreg $0xFFFFFFFF  }
0xad: {  	[dreg:$0x0] =	wrdreg $0x60  }
0xae: {  	[dreg:$0x2] =	wrdreg s24  }
0xaf: {  	[dreg:$0x3] =	wrdreg $0x173180  }
0xb0: {  	[dreg:$0x4] =	wrdreg $0x9  }
0xb1: {  	_ =	task.clear_ibuf [dreg:s6], $0x5FFFF;
	_ =	strace $0x90000052  }
0xb2: {  	s29 =	simm.s32 $0x9;
	_ =	strace $0x80000054  }
0xb3: {  	_ =	swait.ge [sflag:s29], $0x1  }
0xb4: {  	[sflag:s29] =	ssyncadd.s32 $0xFFFFFFFF  }
0xb5: {  	_ =	strace $0x90000054  }
0xb6: {  	_ =	sfence  }
0xb7: {  	s30 =	sld [smem:$0x0];
	_ =	sdelay $0x2  }
0xb8: {  	s31 =	sshll.u32 s1, $0xD;
	s1 =	sshrl.u32 s1, $0x2  }
0xb9: {  	s3 =	sand.u32 $0x4000, s31;
	s1 =	sadd.s32 s1, s30  }
0xba: {  	s0 =	sor.u32 s3, s0;
	s1 =	sshll.u32 s1, $0x11  }
0xbb: {  	s0 =	sor.u32 s1, s0  }
0xbc: {  	s0 =	sadd.s32 $0x8F2B, s0  }
0xbd: {  	[sflag:s0] =	ssyncadd.remote.s32 $0x1  }
0xbe: {  	_ =	sfence.sel $0xFFFF  }
0xbf: {  	[dreg:$0x0] =	wrdreg $0xFFFFFFFF;
	(pc) =	sbr.abs _section_cstart, $3  }
0xc0: {  	[dreg:$0x1] =	wrdreg $0xFFFFFFFF  }
0xc1: {  	_ =	task.clear_ibuf [dreg:s6], $0x2FFFF;
	_ =	strace $0x9FFFFFFF  }
0xc2: {  	(tm) =	ssettm $0x7FFFFFFF  }
0xc3: {  	_ =	shalt  }
tec
execute0_lowered:
.L_overlay_start_1:
0x0: {  	(tag) =	ssettag $0x1  }
0x1: {  	s0 =	srdreg.scid;
	s5 =	rddreg [dreg:$0x0]  }
0x2: {  	s2 =	rddreg [dreg:$0x1];
	s3 =	simm.s32 $0x0;
	s11 =	simm.s32 $0x3  }
0x3: {  	s12 =	simm.s32 $0x1;
	s13 =	simm.s32 $0x2;
	s4 =	sand.u32 $0x1, s0  }
0x4: {  	s14 =	simm.s32 $0x0;
	s0 =	stileid.u32;
	s8 =	smul.u32 $0x4E20, s4  }
0x5: {  	[smem:$0x7FF] =	sst s3;
	s1 =	sshll.u32 s4, $0x4;
	s9 =	smul.u32 $0x4E2, s0  }
0x6: {  	s4 =	ssub.s32 $0x2, s4;
	s10 =	smul.u32 $0x9C40, s0;
	s6 =	sor.u32 s0, s1  }
0x7: {  	s1 =	rddreg [dreg:$0x2];
	_ =	strace $0x80000053;
	s7 =	smul.u32 $0x2710, s6  }
0x8: {  	s30 =	sshrl.u32 s4, $0x1;
	s6 =	smul.u32 $0x271, s6;
	s8 =	sadd.s32 s9, s8  }
0x9: {  	s9 =	ssub.s32 s4, s30;
	s31 =	sshrl.u32 s10, $0x2;
	s10 =	simm.s32 $0x14C08  }
0xa: {  	s8 =	sadd.s32 s8, s5;
	s7 =	sadd.s32 s7, s5;
	s6 =	sadd.s32 s6, s5  }
0xb: {  	s4 =	sadd.s32 $0x9200, s6;
	s5 =	sadd.s32 $0x13200, s7;
	s6 =	sadd.s32 s31, s2  }
0xc: {  	v0 =	vimm.f32 $0.0e+00;
	s7 =	sadd.s32 $0x61400, s8;
	s8 =	smax.u32 s9, $0x1;
	s9 =	simm.s32 $0x1388  }
.LBB2_1:
0xd: {  	[tilespmem:s3], [sflag:$0x1] =	stream.linear.gather [hbm4b:s4+s3], $0x1388, $0x38;
	[tilespmem:$0x19A28] =	vst v63  }
0xe: {  	s15 =	simm.s32 $0x40;
	s16 =	simm.s32 $0x0  }
0xf: {  	[tilespmem:s9], [sflag:$0x2] =	stream.linear.gather [hbm4b:s5+s3], $0x13880, $0x38;
	[tilespmem:$0x19A28] =	vst v63  }
.LBB2_2:
0x10: {  	p0 =	sne.s32 s15, $0x9C00;
	[tilespmem:s16+$0x14C08] =	vst v0;
	s16 =	smov.u32 s15;
	s15 =	sadd.s32 $0x40, s15  }
.Ltmp0:
0x11: {  	(pc) =	sbr.rel @p0 .LBB2_2-.Ltmp0, $2  }
0x12: {  	_ =	sdelay $0x2  }
0x13: {  	s16 =	sshra.s32 s16, $0x2  }
0x14: {  	[tilespmem:s16+$0x14C08] =	vst v0  }
0x15: {  	[spmem:s6] =	stream.linear.scatter [tilespmem:s10], [sflag:$0x3], $0x2710, $0x38;
	[tilespmem:$0x19A28] =	vst v63  }
0x16: {  	_ =	swait.ge [sflag:s11], $0x2710  }
0x17: {  	[sflag:s11] =	ssyncset.done $0x0  }
0x18: {  	[sflag:s11] =	ssyncadd.s32 $0xFFFFD8F0  }
0x19: {  	_ =	swait.ge [sflag:s12], $0x1388  }
0x1a: {  	[sflag:s12] =	ssyncset.done $0x0  }
0x1b: {  	[sflag:s12] =	ssyncadd.s32 $0xFFFFEC78  }
0x1c: {  	_ =	swait.ge [sflag:s13], $0x13880  }
0x1d: {  	[sflag:s13] =	ssyncset.done $0x0  }
0x1e: {  	[sflag:s13] =	ssyncadd.s32 $0xFFFEC780  }
0x1f: {  	[bflag:$0x0] =	sbarrier.arrive $0xFFFF  }
0x20: {  	[spmem:s2] =	stream.indirect.scatter.add.f32 [tilespmem:s9], [sflag:$0x3], $0x10, s3, s9, $0xb8;
	[tilespmem:$0x19A28] =	vst v63  }
0x21: {  	_ =	swait.ge [sflag:s11], $0x13880  }
0x22: {  	[sflag:s11] =	ssyncset.done $0x0  }
0x23: {  	[sflag:s11] =	ssyncadd.s32 $0xFFFEC780  }
0x24: {  	[bflag:$0x0] =	sbarrier.arrive $0xFFFF  }
0x25: {  	[tilespmem:s10], [sflag:$0x3] =	stream.linear.gather [spmem:s6], $0x2710, $0x38;
	[tilespmem:$0x19A28] =	vst v63  }
0x26: {  	s14 =	sadd.s32 $0x1, s14;
	_ =	swait.ge [sflag:s11], $0x2710  }
0x27: {  	p0 =	sne.s32 s14, s8;
	[sflag:s11] =	ssyncset.done $0x0  }
.Ltmp1:
0x28: {  	[sflag:s11] =	ssyncadd.s32 $0xFFFFD8F0;
	(pc) =	sbr.rel @p0 .LBB2_1-.Ltmp1, $4  }
0x29: {  	[hbm4b:s7+s3] =	stream.linear.scatter [tilespmem:s10], [sflag:$0x3], $0x2710, $0x38;
	[tilespmem:$0x19A28] =	vst v63  }
0x2a: {  	_ =	swait.ge [sflag:s11], $0x2710  }
0x2b: {  	[sflag:s11] =	ssyncset.done $0x0  }
0x2c: {  	[sflag:s11] =	ssyncadd.s32 $0xFFFFD8F0  }
0x2d: {  	_ =	sfence.sel $0x180000  }
0x2e: {  	[bflag:$0x0] =	sbarrier.arrive $0xFFFF  }
0x2f: {  	p0 =	sne.s32 s0, $0x0;
	_ =	strace $0x90000053  }
0x30: {  	s0 =	sadd.s32 @!p0 $0x100000, s1;
	[bflag:$0x2] =	sbarrier.arrive $0xFFFF  }
0x31: {  	[sflag:s0] =	ssyncadd.tile.s32 @!p0 $0x1;
	_ =	shalt  }
.Lfunc_end2:
_tile_overlayer_lowered:
.L_overlay_start_2:
0x32: {  	(tag) =	ssettag $0x2  }
0x33: {  	s0 =	rddreg [dreg:$0x0];
	s2 =	stileid.u32  }
0x34: {  	s1 =	rddreg [dreg:$0x1];
	p0 =	sne.s32 s2, $0x0  }
0x35: {  	s3 =	rddreg [dreg:$0x2];
	[bflag:$0x3] =	sbarrier.arrive $0xFFFF;
	s2 =	simm.s32 @!p0 $0x1C03  }
0x36: {  	[timem:s3], [sflag:s2] =	dma.local @!p0 [hbm:s0], s1  }
0x37: {  	s0 =	simm.s32 @!p0 $0x3  }
0x38: {  	_ =	swait.ge @!p0 [sflag:s0], s1  }
0x39: {  	s1 =	ssub.s32 @!p0 $0x0, s1;
	[sflag:s0] =	ssyncset.done @!p0 $0x0  }
0x3a: {  	[sflag:s0] =	ssyncadd.s32 @!p0 s1  }
0x3b: {  	[bflag:$0x3] =	sbarrier.arrive $0xFFFF  }
0x3c: {  	_ =	shalt  }

// kernel: kernel.9.cloned.1.call-start
scs
__scs_entry_jumppad:
0x0: {  	(pc) =	sbr.rel $0x88, $3  }
0x1: {  	(tag) =	ssettag $0x0;
	lr =	simm.s32 $0x1  }
0x2: {  	[smem:$0x3F8E] =	sst lr;
	_ =	strace $0xD0000000  }
0x3: {  	_ = 	snop  }
0x4: {  	_ = 	snop  }
0x5: {  	_ = 	snop  }
0x6: {  	_ = 	snop  }
0x7: {  	_ = 	snop  }
__scs_overlays_trampoline_lowered:
0x8: {  	[smem:$0x3F9D] =	sst s0  }
0x9: {  	[smem:$0x3F9E] =	sst s1  }
0xa: {  	[smem:$0x3F9F] =	sst s2  }
0xb: {  	[smem:$0x3FA0] =	sst s3  }
0xc: {  	[smem:$0x3FA1] =	sst s4  }
0xd: {  	[smem:$0x3FA2] =	sst s5  }
0xe: {  	[smem:$0x3FA3] =	sst s6  }
0xf: {  	[smem:$0x3FA4] =	sst s7  }
0x10: {  	[smem:$0x3FA5] =	sst s8  }
0x11: {  	[smem:$0x3FA6] =	sst s9;
	s0 =	simm.s32 @!p0 $0x0  }
0x12: {  	s1 =	sld [smem:$0x3F8C];
	s0 =	simm.s32 @p0 $0x1  }
0x13: {  	[smem:$0x3FA7] =	sst s0;
	s0 =	simm.s32 @!p1 $0x0  }
0x14: {  	s2 =	sld [smem:$0x3F8B];
	s0 =	simm.s32 @p1 $0x1  }
0x15: {  	[smem:$0x3FA8] =	sst s0;
	s0 =	simm.s32 @!p2 $0x0  }
0x16: {  	s3 =	sld [smem:$0x3FDB];
	s0 =	simm.s32 @p2 $0x1  }
0x17: {  	s4 =	simm.s32 $0x1BF5;
	[smem:$0x3FAA] =	sst s0  }
0x18: {  	s0 =	sld [smem:$0x3F8D];
	_ =	swait.ge [sflag:s4], $0x0  }
0x19: {  	s7 =	sld [smem:$0x3F8E]  }
0x1a: {  	s8 =	sadd.s32 $0xFFFFE003, lr  }
0x1b: {  	s9 =	sadd.s32 $0xFFFFFEF7, lr;
	s5 =	simm.s32 $0xFFFFFFFF;
	p2 =	slt.u32 s8, $0xFFFFF086  }
0x1c: {  	p1 =	slt.u32 s9, $0xF7A;
	s5 =	simm.s32 @!p2 $0x0  }
0x1d: {  	s5 =	simm.s32 @p1 $0x1;
	p0 =	seq.s32 s7, s2  }
0x1e: {  	s7 =	smul.u32 @!p0 $0xF7A, s2;
	p2 =	seq.s32 @!p0 s5, $0x0  }
0x1f: {  	s9 =	smul.u32 $0xF7A, s1;
	s8 =	simm.s32 @!p0 $0x1BF5;
	p2 =	por !p2, p0  }
0x20: {  	[sflag:s8] =	ssyncset.s32 @!p0 $0xFFFFF086;
	s6 =	sadd.s32 @!p0 s3, s7;
	s7 =	simm.s32 @!p0 $0x108  }
0x21: {  	s3 =	sadd.s32 s3, s9;
	s6 =	sadd.s32 @!p0 $0x88, s6;
	s7 =	simm.s32 @p2 $0x1082  }
0x22: {  	[simem:s7], [sflag:s8] =	dma.local @!p0 [hbm:s6], $0xF7A  }
0x23: {  	s9 =	sor.u32 $0xD0000000, s2;
	s6 =	simm.s32 $0x108;
	_ =	swait.ge @!p0 [sflag:s8], $0x0  }
0x24: {  	s3 =	sadd.s32 $0x88, s3;
	s6 =	simm.s32 @!p1 $0x1082;
	[sflag:s4] =	ssyncset.s32 $0xFFFFF086  }
0x25: {  	[simem:s6], [sflag:s4] =	dma.local [hbm:s3], $0xF7A  }
0x26: {  	[smem:$0x3F8E] =	sst s1;
	(tag) =	ssettag s2;
	_ =	strace s9  }
0x27: {  	s1 =	sld [smem:$0x3F9E]  }
0x28: {  	s2 =	sld [smem:$0x3F9F]  }
0x29: {  	s4 =	sld [smem:$0x3FA1]  }
0x2a: {  	p0 =	seq.s32 s5, $0x0;
	s5 =	sld [smem:$0x3FA2]  }
0x2b: {  	s6 =	sld [smem:$0x3FA3]  }
0x2c: {  	s7 =	sld [smem:$0x3FA4]  }
0x2d: {  	s3 =	simm.s32 $0x108;
	s8 =	sld [smem:$0x3FA5]  }
0x2e: {  	s3 =	simm.s32 @!p0 $0x1082;
	s9 =	sld [smem:$0x3FA6]  }
0x2f: {  	lr =	sadd.s32 s0, s3;
	s0 =	sld [smem:$0x3F9D]  }
0x30: {  	s3 =	sld [smem:$0x3FA0]  }
0x31: {  	[smem:$0x3FA9] =	sst s10  }
0x32: {  	s10 =	sld [smem:$0x3FA7];
	_ =	sdelay $0x3  }
0x33: {  	p0 =	seq.s32 s10, $0x1;
	s10 =	sld [smem:$0x3FA9];
	_ =	sdelay $0x3  }
0x34: {  	[smem:$0x3FA9] =	sst s10  }
0x35: {  	s10 =	sld [smem:$0x3FA8];
	_ =	sdelay $0x3  }
0x36: {  	p1 =	seq.s32 s10, $0x1;
	s10 =	sld [smem:$0x3FA9];
	_ =	sdelay $0x3  }
0x37: {  	[smem:$0x3FA9] =	sst s10  }
0x38: {  	s10 =	sld [smem:$0x3FAA]  }
0x39: {  	_ = 	snop;
	(pc) =	sbr.ind lr, $3  }
0x3a: {  	_ = 	snop  }
0x3b: {  	_ = 	snop  }
0x3c: {  	p2 =	seq.s32 s10, $0x1;
	s10 =	sld [smem:$0x3FA9]  }
0x3d: {  	_ =	shalt  }
0x3e: {  	_ =	shalt  }
0x3f: {  	_ =	shalt  }
0x40: {  	_ =	shalt  }
0x41: {  	_ =	shalt  }
0x42: {  	_ =	shalt  }
0x43: {  	_ =	shalt  }
0x44: {  	_ =	shalt  }
0x45: {  	_ =	shalt  }
0x46: {  	_ =	shalt  }
0x47: {  	_ =	shalt  }
0x48: {  	_ =	shalt  }
0x49: {  	_ =	shalt  }
0x4a: {  	_ =	shalt  }
0x4b: {  	_ =	shalt  }
0x4c: {  	_ =	shalt  }
0x4d: {  	_ =	shalt  }
0x4e: {  	_ =	shalt  }
0x4f: {  	_ =	shalt  }
0x50: {  	_ =	shalt  }
0x51: {  	_ =	shalt  }
0x52: {  	_ =	shalt  }
0x53: {  	_ =	shalt  }
0x54: {  	_ =	shalt  }
0x55: {  	_ =	shalt  }
0x56: {  	_ =	shalt  }
0x57: {  	_ =	shalt  }
0x58: {  	_ =	shalt  }
0x59: {  	_ =	shalt  }
0x5a: {  	_ =	shalt  }
0x5b: {  	_ =	shalt  }
0x5c: {  	_ =	shalt  }
0x5d: {  	_ =	shalt  }
0x5e: {  	_ =	shalt  }
0x5f: {  	_ =	shalt  }
0x60: {  	_ =	shalt  }
0x61: {  	_ =	shalt  }
0x62: {  	_ =	shalt  }
0x63: {  	_ =	shalt  }
0x64: {  	_ =	shalt  }
0x65: {  	_ =	shalt  }
0x66: {  	_ =	shalt  }
0x67: {  	_ =	shalt  }
0x68: {  	_ =	shalt  }
0x69: {  	_ =	shalt  }
0x6a: {  	_ =	shalt  }
0x6b: {  	_ =	shalt  }
0x6c: {  	_ =	shalt  }
0x6d: {  	_ =	shalt  }
0x6e: {  	_ =	shalt  }
0x6f: {  	_ =	shalt  }
0x70: {  	_ =	shalt  }
0x71: {  	_ =	shalt  }
0x72: {  	_ =	shalt  }
0x73: {  	_ =	shalt  }
0x74: {  	_ =	shalt  }
0x75: {  	_ =	shalt  }
0x76: {  	_ =	shalt  }
0x77: {  	_ =	shalt  }
0x78: {  	_ =	shalt  }
0x79: {  	_ =	shalt  }
0x7a: {  	_ =	shalt  }
0x7b: {  	_ =	shalt  }
0x7c: {  	_ =	shalt  }
0x7d: {  	_ =	shalt  }
0x7e: {  	_ =	shalt  }
0x7f: {  	_ =	shalt  }
0x80: {  	_ =	shalt  }
0x81: {  	_ =	shalt  }
0x82: {  	_ =	shalt  }
0x83: {  	_ =	shalt  }
0x84: {  	_ =	shalt  }
0x85: {  	_ =	shalt  }
0x86: {  	_ =	shalt  }
0x87: {  	_ =	shalt  }
.Lfunc_end0:
.L_simem_size_0:
called_computation.2_lowered:
.L_overlay_start_0:
0x88: {  	s2 =	sld [smem:$0x3FD9]  }
0x89: {  	s3 =	sld [smem:$0x3FFE];
	_ =	sdelay $0x1  }
0x8a: {  	s1 =	srdreg.scid  }
0x8b: {  	s0 =	sand.u32 $0x1, s1  }
0x8c: {  	s17 =	sshll.u32 s0, $0xA;
	s2 =	sadd.s32 s3, s2  }
0x8d: {  	s2 =	sadd.s32 s2, s17  }
0x8e: {  	[smem:$0x3FB5] =	sst s2  }
0x8f: {  	_ = 	snop  }
0x90: {  	(tm) =	ssettm $0x1  }
0x91: {  	s18 =	sld [smem:$0x3FFB];
	_ =	sdelay $0x3  }
0x92: {  	_ =	strace s18  }
0x93: {  	s2 =	sld [smem:$0x3FFC];
	_ =	sdelay $0x3  }
0x94: {  	_ =	strace s2  }
0x95: {  	s2 =	sld [smem:$0x3FFD];
	_ =	sdelay $0x3  }
0x96: {  	_ =	strace s2  }
0x97: {  	_ =	strace $0x8FFFFFFF  }
0x98: {  	s19 =	sld [smem:$0x3FDB];
	_ =	sdelay $0x1  }
0x99: {  	s20 =	simm.s32 $_scs_section_size  }
0x9a: {  	s4 =	simm.s32 $_size__tile_overlayer_lowered;
	s5 =	simm.s32 $_tile_overlayer_lowered  }
0x9b: {  	s6 =	simm.s32 $0x1BFF;
	s21 =	sshll.u32 s5, $0x1;
	s3 =	sadd.s32 s20, s19  }
0x9c: {  	s22 =	simm.s32 $0x0;
	s4 =	sshll.u32 s4, $0x1;
	s5 =	sadd.s32 s21, s3  }
0x9d: {  	[timem:s22], [sflag:s6] =	dma.local [hbm:s5], s4  }
0x9e: {  	_ =	swait.ge [sflag:s6], s4  }
0x9f: {  	s4 =	ssub.s32 $0x0, s4;
	[sflag:s6] =	ssyncset.done $0x0  }
0xa0: {  	[sflag:s6] =	ssyncadd.s32 s4;
	_ =	sdelay $0x1  }
0xa1: {  	s23 =	simm.s32 $0x1B8B  }
0xa2: {  	_ =	swait.ge [sflag:s23], $0x1  }
0xa3: {  	[sflag:s23] =	ssyncset.done $0x0  }
0xa4: {  	[sflag:s23] =	ssyncadd.s32 $0xFFFFFFFF  }
0xa5: {  	s4 =	sld [smem:$0x0]  }
0xa6: {  	s5 =	sand.u32 $0xFFFFFFFE, s1  }
0xa7: {  	p0 =	sne.s32 s1, s5  }
0xa8: {  	s5 =	sshll.u32 @p0 s5, $0xE  }
0xa9: {  	s5 =	sadd.s32 @p0 $0x11B8D, s5;
	s6 =	sshll.u32 @p0 s4, $0x11  }
0xaa: {  	s5 =	sor.u32 @p0 s6, s5  }
0xab: {  	[sflag:s5] =	ssyncadd.remote.s32 @p0 $0x1;
	_ =	sdelay $0x1  }
0xac: {  	s5 =	simm.s32 @p0 $0x1B8D  }
0xad: {  	_ =	swait.eq @p0 [sflag:s5], $0x1  }
0xae: {  	[sflag:s5] =	ssyncadd.s32 @p0 $0xFFFFFFFF  }
0xaf: {  	s6 =	sshll.u32 @!p0 s1, $0xE  }
0xb0: {  	s6 =	sor.u32 @!p0 $0x4000, s6;
	s5 =	simm.s32 @!p0 $0x1B8D  }
0xb1: {  	s4 =	sshll.u32 @!p0 s4, $0x11;
	s6 =	sadd.s32 @!p0 $0x11B8D, s6;
	_ =	swait.eq @!p0 [sflag:s5], $0x1  }
0xb2: {  	s4 =	sor.u32 @!p0 s4, s6;
	[sflag:s5] =	ssyncadd.s32 @!p0 $0xFFFFFFFF  }
0xb3: {  	s25 =	simm.s32 $0x1B8E;
	s24 =	sld [smem:$0x3FFE];
	[sflag:s4] =	ssyncadd.remote.s32 @!p0 $0x1  }
0xb4: {  	s26 =	simm.s32 $execute0_lowered;
	[smem:$0x3FD2] =	sst s25  }
0xb5: {  	s5 =	sshll.u32 s26, $0x1;
	_ =	strace $0x8000004C;
	[dreg:$0x1] =	wrdreg $0xFFFFFFFF  }
0xb6: {  	s28 =	simm.s32 $_size_execute0_lowered;
	s3 =	sadd.s32 s3, s5;
	[dreg:$0x0] =	wrdreg $0x0  }
0xb7: {  	s5 =	sshll.u32 s28, $0x1;
	[dreg:$0x2] =	wrdreg s3  }
0xb8: {  	[dreg:$0x3] =	wrdreg s5  }
0xb9: {  	[dreg:$0x4] =	wrdreg $0xC0  }
0xba: {  	_ =	task [dreg:s22], $0x5FFFF  }
0xbb: {  	[dreg:$0x1] =	wrdreg $0xFFFFFFFF  }
0xbc: {  	[dreg:$0x0] =	wrdreg $0x60  }
0xbd: {  	[dreg:$0x2] =	wrdreg s24  }
0xbe: {  	[dreg:$0x3] =	wrdreg $0xA  }
0xbf: {  	_ =	task.clear_ibuf [dreg:s22], $0x4FFFF;
	_ =	strace $0x9000004C  }
0xc0: {  	s29 =	simm.s32 $0xA;
	_ =	strace $0x8000004E  }
0xc1: {  	_ =	swait.ge [sflag:s29], $0x1  }
0xc2: {  	[sflag:s29] =	ssyncadd.s32 $0xFFFFFFFF  }
0xc3: {  	_ =	strace $0x9000004E  }
0xc4: {  	_ =	sfence  }
0xc5: {  	s30 =	sld [smem:$0x0];
	_ =	sdelay $0x2  }
0xc6: {  	s31 =	sshll.u32 s1, $0xD;
	s1 =	sshrl.u32 s1, $0x2  }
0xc7: {  	s4 =	sand.u32 $0x4000, s31;
	s1 =	sadd.s32 s1, s30  }
0xc8: {  	s0 =	sor.u32 s4, s0;
	s1 =	sshll.u32 s1, $0x11  }
0xc9: {  	s0 =	sor.u32 s1, s0  }
0xca: {  	s0 =	sadd.s32 $0x8F2B, s0  }
0xcb: {  	[sflag:s0] =	ssyncadd.remote.s32 $0x1  }
0xcc: {  	_ =	sfence.sel $0xFFFF  }
0xcd: {  	[dreg:$0x0] =	wrdreg $0xFFFFFFFF;
	(pc) =	sbr.abs _section_cstart, $3  }
0xce: {  	[dreg:$0x1] =	wrdreg $0xFFFFFFFF  }
0xcf: {  	_ =	task.clear_ibuf [dreg:s22], $0x2FFFF;
	_ =	strace $0x9FFFFFFF  }
0xd0: {  	(tm) =	ssettm $0x7FFFFFFF  }
0xd1: {  	_ =	shalt  }
tec
execute0_lowered:
.L_overlay_start_1:
0x0: {  	(tag) =	ssettag $0x1  }
0x1: {  	s1 =	srdreg.scid;
	s0 =	stileid.u32  }
0x2: {  	s6 =	sand.u32 $0x1, s1;
	s30 =	sshll.u32 s0, $0x1  }
0x3: {  	s8 =	rddreg [dreg:$0x0];
	s7 =	sor.u32 s6, s30  }
0x4: {  	s2 =	simm.s32 $0x0;
	s1 =	rddreg [dreg:$0x1];
	s3 =	smul.u32 $0x271, s7  }
0x5: {  	[smem:$0x7FF] =	sst s2;
	s5 =	sadd.s32 $0x18A00, s8  }
0x6: {  	_ =	strace $0x8000004D;
	s10 =	ssub.s32 $0x2, s6;
	s3 =	sadd.s32 s3, s8  }
0x7: {  	s6 =	simm.s32 $0x1388;
	s4 =	sadd.s32 $0x4200, s3;
	s3 =	simm.s32 $0x2  }
0x8: {  	[tilespmem:s2], [sflag:$0x2] =	stream.linear.gather [hbm4b:s4+s2], $0x1388, $0x38;
	[tilespmem:$0x14C08] =	vst v63  }
0x9: {  	s9 =	smul.u32 $0x2710, s7;
	s11 =	sshrl.u32 s10, $0x1;
	_ =	swait.ge [sflag:s3], $0x1388  }
0xa: {  	s7 =	simm.s32 $0x1;
	s31 =	ssub.s32 s10, s11;
	[sflag:s3] =	ssyncset.done $0x0  }
0xb: {  	s8 =	sadd.s32 s9, s8;
	s9 =	smax.u32 s31, $0x1;
	[sflag:s3] =	ssyncadd.s32 $0xFFFFEC78  }
0xc: {  	[tilespmem:s6], [sflag:$0x1] =	stream.indirect.gather [hbm4b:s5+s6], $0x10, s2, s6, $0xb8;
	[tilespmem:$0x14C08] =	vst v63  }
0xd: {  	p0 =	sne.s32 s9, $0x1;
	_ =	swait.ge [sflag:s7], $0x13880  }
.Ltmp0:
0xe: {  	[sflag:s7] =	ssyncset.done $0x0;
	(pc) =	sbr.rel @!p0 .LBB2_2-.Ltmp0, $4  }
0xf: {  	s8 =	sadd.s32 $0x27A00, s8;
	[sflag:s7] =	ssyncadd.s32 $0xFFFEC780  }
0x10: {  	[hbm4b:s8+s2] =	stream.linear.scatter [tilespmem:s6], [sflag:$0x2], $0x13880, $0x38;
	[tilespmem:$0x14C08] =	vst v63  }
0x11: {  	_ =	swait.ge [sflag:s3], $0x13880  }
0x12: {  	s9 =	sadd.s32 $0xFFFFFFFF, s9;
	[sflag:s3] =	ssyncset.done $0x0  }
.LBB2_1:
0x13: {  	p0 =	sne.s32 s9, $0x1;
	s9 =	sadd.s32 $0xFFFFFFFF, s9;
	[sflag:s3] =	ssyncadd.s32 $0xFFFEC780  }
0x14: {  	[tilespmem:s2], [sflag:$0x2] =	stream.linear.gather [hbm4b:s4+s2], $0x1388, $0x38;
	[tilespmem:$0x14C08] =	vst v63  }
0x15: {  	_ =	swait.ge [sflag:s3], $0x1388  }
0x16: {  	[sflag:s3] =	ssyncset.done $0x0  }
0x17: {  	[sflag:s3] =	ssyncadd.s32 $0xFFFFEC78  }
0x18: {  	[tilespmem:s6], [sflag:$0x1] =	stream.indirect.gather [hbm4b:s5+s6], $0x10, s2, s6, $0xb8;
	[tilespmem:$0x14C08] =	vst v63  }
0x19: {  	_ =	swait.ge [sflag:s7], $0x13880  }
.Ltmp1:
0x1a: {  	[sflag:s7] =	ssyncset.done $0x0;
	(pc) =	sbr.rel @p0 .LBB2_1-.Ltmp1, $4  }
0x1b: {  	[sflag:s7] =	ssyncadd.s32 $0xFFFEC780  }
0x1c: {  	[hbm4b:s8+s2] =	stream.linear.scatter [tilespmem:s6], [sflag:$0x2], $0x13880, $0x38;
	[tilespmem:$0x14C08] =	vst v63  }
0x1d: {  	_ =	swait.ge [sflag:s3], $0x13880  }
0x1e: {  	[sflag:s3] =	ssyncset.done $0x0  }
.LBB2_2:
0x1f: {  	[sflag:s3] =	ssyncadd.s32 $0xFFFEC780  }
0x20: {  	_ =	sfence.sel $0x180000  }
0x21: {  	[bflag:$0x0] =	sbarrier.arrive $0xFFFF  }
0x22: {  	p0 =	sne.s32 s0, $0x0;
	_ =	strace $0x9000004D  }
0x23: {  	s0 =	sadd.s32 @!p0 $0x100000, s1;
	[bflag:$0x2] =	sbarrier.arrive $0xFFFF  }
0x24: {  	[sflag:s0] =	ssyncadd.tile.s32 @!p0 $0x1;
	_ =	shalt  }
.Lfunc_end2:
_tile_overlayer_lowered:
.L_overlay_start_2:
0x25: {  	(tag) =	ssettag $0x2  }
0x26: {  	s0 =	rddreg [dreg:$0x0];
	s2 =	stileid.u32  }
0x27: {  	s1 =	rddreg [dreg:$0x1];
	p0 =	sne.s32 s2, $0x0  }
0x28: {  	s3 =	rddreg [dreg:$0x2];
	[bflag:$0x3] =	sbarrier.arrive $0xFFFF;
	s2 =	simm.s32 @!p0 $0x1C02  }
0x29: {  	[timem:s3], [sflag:s2] =	dma.local @!p0 [hbm:s0], s1  }
0x2a: {  	s0 =	simm.s32 @!p0 $0x2  }
0x2b: {  	_ =	swait.ge @!p0 [sflag:s0], s1  }
0x2c: {  	s1 =	ssub.s32 @!p0 $0x0, s1;
	[sflag:s0] =	ssyncset.done @!p0 $0x0  }
0x2d: {  	[sflag:s0] =	ssyncadd.s32 @!p0 s1  }
0x2e: {  	[bflag:$0x3] =	sbarrier.arrive $0xFFFF  }
0x2f: {  	_ =	shalt  }

</sc_bundles>
